<compile_context>
chip_gen: v7x
topology: tpu7x:2x2x1
jax: 0.10.2.dev20260603
libtpu: 0.0.44.dev20260713+nightly
codegen_flags: <defaults>
</compile_context>

<pallas_src>
import jax
import jax.numpy as jnp
from jax import lax
from jax.experimental import pallas as pl
from jax.experimental.pallas import tpu as pltpu
from jax.experimental.pallas import tpu_sc as plsc

MAXLEN = 200
MAXLEN_PAD = 256
EMBED_DIM = 64
PAD_DIM = 128
BATCH = 4096
LANES = 16
NC, NS = 2, 16
NW = NC * NS
ROWS_PER_W = BATCH // NW
SPLIT = 104
NVREG = EMBED_DIM // LANES
NBUF = 4
CHUNKS = ((0, SPLIT), (SPLIT, MAXLEN - SPLIT))


def _body(x_hbm, tab_hbm, pos_hbm, out_hbm, idx_v, rows_v, pos_v, gsems, wsems):
    wid = lax.axis_index("s") * NC + lax.axis_index("c")
    base = wid * ROWS_PER_W

    pltpu.sync_copy(pos_hbm, pos_v)
    pltpu.sync_copy(x_hbm.at[pl.ds(base, ROWS_PER_W)], idx_v)

    def start_gather(r, b):
        for off, ln in CHUNKS:
            pltpu.async_copy(
                tab_hbm.at[idx_v.at[r, pl.ds(off, ln)]],
                rows_v.at[b, pl.ds(off, ln)],
                gsems.at[b],
            )

    def wait_gather(b):
        for off, ln in CHUNKS:
            pltpu.make_async_copy(
                tab_hbm.at[idx_v.at[0, pl.ds(off, ln)]],
                rows_v.at[b, pl.ds(off, ln)],
                gsems.at[b],
            ).wait()

    def add_pos(b):
        def step(t, carry):
            for j in range(NVREG):
                plsc.addupdate(
                    rows_v.at[b, t, pl.ds(j * LANES, LANES)],
                    pos_v[t, pl.ds(j * LANES, LANES)],
                )
            return carry

        lax.fori_loop(0, MAXLEN, step, 0, unroll=8)

    def issue_write(r, b):
        pltpu.async_copy(
            rows_v.at[b],
            out_hbm.at[base + r, :, pl.ds(0, EMBED_DIM)],
            wsems.at[b],
        )

    def wait_write(b):
        pltpu.make_async_copy(
            rows_v.at[b],
            out_hbm.at[base, :, pl.ds(0, EMBED_DIM)],
            wsems.at[b],
        ).wait()

    start_gather(0, 0)
    start_gather(1, 1)
    start_gather(2, 2)

    def outer(g, carry):
        for k in range(NBUF):
            r = g + k
            b = k
            wait_gather(b)
            add_pos(b)
            issue_write(r, b)
            b3 = (k + 3) % NBUF

            @pl.when(r >= 1)
            def _():
                wait_write(b3)

            @pl.when(r + 3 < ROWS_PER_W)
            def _():
                start_gather(r + 3, b3)

        return carry

    lax.fori_loop(0, ROWS_PER_W // NBUF, lambda i, c: outer(i * NBUF, c), 0)

    wait_write(3)


_emb = pl.kernel(
    _body,
    out_type=jax.ShapeDtypeStruct((BATCH, MAXLEN, PAD_DIM), jnp.float32),
    mesh=plsc.VectorSubcoreMesh(
        core_axis_name="c", subcore_axis_name="s", num_cores=NC, num_subcores=NS
    ),
    scratch_types=[
        pltpu.VMEM((ROWS_PER_W, MAXLEN), jnp.int32),
        pltpu.VMEM((NBUF, MAXLEN, EMBED_DIM), jnp.float32),
        pltpu.VMEM((MAXLEN, EMBED_DIM), jnp.float32),
        pltpu.SemaphoreType.DMA((NBUF,)),
        pltpu.SemaphoreType.DMA((NBUF,)),
    ],
    compiler_params=pltpu.CompilerParams(use_tc_tiling_on_sc=False),
)


@jax.jit
def kernel(x, token_table, pos_table):
    x32 = x.astype(jnp.int32)
    y = _emb(x32, token_table, pos_table)
    return y[:, :, :EMBED_DIM]

# --- scband reference (transcript-rebuilt; emitter-appended) ---
"""Pipeline reference for scband-token-and-postion-embedding-45268955299949 (READ-ONLY COPY).

The authoritative reference and input builder live on the scoring server;
editing this copy changes nothing except your own understanding.
"""

import jax, jax.numpy as jnp
import numpy as np

MAXLEN = 200
VOCAB_SIZE = 100000
EMBED_DIM = 64
BATCH = 4096

def setup_inputs(seed: int = 0) -> dict:
    key = jax.random.key(seed)
    k1, k2, k3 = jax.random.split(key, 3)
    x = jax.random.randint(k1, (BATCH, MAXLEN), 0, VOCAB_SIZE, dtype=jnp.int64 if jax.config.jax_enable_x64 else jnp.int32)
    token_table = jax.random.normal(k2, (VOCAB_SIZE, EMBED_DIM), dtype=jnp.float32) * 0.05
    pos_table = jax.random.normal(k3, (MAXLEN, EMBED_DIM), dtype=jnp.float32) * 0.05
    return {"x": x, "token_table": token_table, "pos_table": pos_table}

def reference(x, token_table, pos_table):
    # maxlen = x.shape[-1]; positions = range(maxlen)
    maxlen = x.shape[-1]
    positions = jnp.arange(maxlen)
    pos_emb = jnp.take(pos_table, positions, axis=0)          # [maxlen, d]
    tok_emb = jnp.take(token_table, x, axis=0)                # [B, maxlen, d]
    return tok_emb + pos_emb[None, :, :]

if __name__ == "__main__":
    import jax
    _d = setup_inputs()
    print(jax.jit(kernel)(*tuple(_d.values())))

</pallas_src>

<mosaic_0001>
#map = affine_map<(d0, d1) -> (0, 0)>
#map1 = affine_map<(d0, d1) -> (0, 0, 0)>
module attributes {stable_mosaic.version = 14 : i64} {
  func.func @_body(%arg0: i32, %arg1: i32, %arg2: memref<4096x200xi32, #tpu.memory_space<hbm>>, %arg3: memref<100000x64xf32, #tpu.memory_space<hbm>>, %arg4: memref<200x64xf32, #tpu.memory_space<hbm>>, %arg5: memref<4096x200x128xf32, #tpu.memory_space<hbm>>, %arg6: memref<128x200xi32, #tpu.memory_space<vmem>>, %arg7: memref<4x200x64xf32, #tpu.memory_space<vmem>>, %arg8: memref<200x64xf32, #tpu.memory_space<vmem>>, %arg9: memref<4x!tpu.dma_semaphore, #tpu.memory_space<semaphore_mem>>, %arg10: memref<4x!tpu.dma_semaphore, #tpu.memory_space<semaphore_mem>>) attributes {dimension_semantics = [#tpu.dimension_semantics<core_parallel>, #tpu.dimension_semantics<subcore_parallel>], iteration_bounds = array<i64: 2, 16>, scalar_prefetch = 0 : i64, scratch_operands = 5 : i64, tpu.core_type = #tpu.core_type<sc_vector_subcore>, window_params = [{transform_indices = #map}, {transform_indices = #map}, {transform_indices = #map}, {transform_indices = #map1}]} {
    %mul3A = arith.constant 2 : i32
    %mul3A_0 = arith.muli %arg1, %mul3A : i32
    %add3A = arith.addi %mul3A_0, %arg0 : i32
    %mul3A_1 = arith.constant 128 : i32
    %mul3A_2 = arith.muli %add3A, %mul3A_1 : i32
    "tpu.region"() ({
      %run_scoped3A = tpu.sem_alloc : memref<!tpu.dma_semaphore, #tpu.memory_space<semaphore_mem>>
      tpu.enqueue_dma source(%arg4 : memref<200x64xf32, #tpu.memory_space<hbm>>) target(%arg8 : memref<200x64xf32, #tpu.memory_space<vmem>>) target_semaphore(%run_scoped3A : memref<!tpu.dma_semaphore, #tpu.memory_space<semaphore_mem>>)
      tpu.wait_dma2 semaphore(%run_scoped3A : memref<!tpu.dma_semaphore, #tpu.memory_space<semaphore_mem>>) src(%arg4 : memref<200x64xf32, #tpu.memory_space<hbm>>) dst(%arg8 : memref<200x64xf32, #tpu.memory_space<vmem>>)
      tpu.yield
    }) : () -> ()
    "tpu.region"() ({
      %run_scoped3A = tpu.sem_alloc : memref<!tpu.dma_semaphore, #tpu.memory_space<semaphore_mem>>
      %dma_start3A_116 = arith.constant 0 : i32
      %dma_start3A_117 = tpu.memref_slice %arg2[%mul3A_2, %dma_start3A_116] : memref<4096x200xi32, #tpu.memory_space<hbm>> -> memref<128x200xi32, #tpu.memory_space<hbm>>
      %dma_start3A_118 = arith.constant 0 : i32
      %dma_start3A_119 = tpu.memref_slice %arg2[%mul3A_2, %dma_start3A_118] : memref<4096x200xi32, #tpu.memory_space<hbm>> -> memref<128x200xi32, #tpu.memory_space<hbm>>
      tpu.enqueue_dma source(%dma_start3A_119 : memref<128x200xi32, #tpu.memory_space<hbm>>) target(%arg6 : memref<128x200xi32, #tpu.memory_space<vmem>>) target_semaphore(%run_scoped3A : memref<!tpu.dma_semaphore, #tpu.memory_space<semaphore_mem>>)
      %dma_wait3A_120 = arith.constant 0 : i32
      %dma_wait3A_121 = tpu.memref_slice %arg2[%mul3A_2, %dma_wait3A_120] : memref<4096x200xi32, #tpu.memory_space<hbm>> -> memref<128x200xi32, #tpu.memory_space<hbm>>
      %dma_wait3A_122 = arith.constant 0 : i32
      %dma_wait3A_123 = tpu.memref_slice %arg2[%mul3A_2, %dma_wait3A_122] : memref<4096x200xi32, #tpu.memory_space<hbm>> -> memref<128x200xi32, #tpu.memory_space<hbm>>
      tpu.wait_dma2 semaphore(%run_scoped3A : memref<!tpu.dma_semaphore, #tpu.memory_space<semaphore_mem>>) src(%dma_wait3A_123 : memref<128x200xi32, #tpu.memory_space<hbm>>) dst(%arg6 : memref<128x200xi32, #tpu.memory_space<vmem>>)
      tpu.yield
    }) : () -> ()
    %dma_start3A = arith.constant 0 : i32
    %dma_start3A_3 = arith.constant 0 : i32
    %dma_start3A_4 = arith.constant 0 : i32
    %dma_start3A_5 = arith.constant 0 : i32
    %dma_start3A_6 = arith.constant 0 : i32
    %dma_start3A_7 = tpu.memref_slice %arg7[%dma_start3A_3, %dma_start3A_5, %dma_start3A_6] : memref<4x200x64xf32, #tpu.memory_space<vmem>> -> memref<1x104x64xf32, #tpu.memory_space<vmem>>
    %dma_start3A_8 = tpu.memref_squeeze %dma_start3A_7 : memref<1x104x64xf32, #tpu.memory_space<vmem>> -> memref<104x64xf32, #tpu.memory_space<vmem>>
    %dma_start3A_9 = arith.constant 0 : i32
    %dma_start3A_10 = tpu.memref_slice %arg6[%dma_start3A, %dma_start3A_9] : memref<128x200xi32, #tpu.memory_space<vmem>> -> memref<1x104xi32, #tpu.memory_space<vmem>>
    %dma_start3A_11 = tpu.memref_squeeze %dma_start3A_10 : memref<1x104xi32, #tpu.memory_space<vmem>> -> memref<104xi32, #tpu.memory_space<vmem>>
    %dma_start3A_12 = arith.constant 0 : i32
    %dma_start3A_13 = arith.constant 0 : i32
    %dma_start3A_14 = tpu.memref_slice %arg3[%dma_start3A_12, %dma_start3A_13] : memref<100000x64xf32, #tpu.memory_space<hbm>> -> memref<100000x64xf32, #tpu.memory_space<hbm>>
    %dma_start3A_15 = tpu.memref_slice %arg9[%dma_start3A_4] : memref<4x!tpu.dma_semaphore, #tpu.memory_space<semaphore_mem>> -> memref<1x!tpu.dma_semaphore, #tpu.memory_space<semaphore_mem>>
    %dma_start3A_16 = tpu.memref_squeeze %dma_start3A_15 : memref<1x!tpu.dma_semaphore, #tpu.memory_space<semaphore_mem>> -> memref<!tpu.dma_semaphore, #tpu.memory_space<semaphore_mem>>
    tpu.enqueue_indirect_dma source(%dma_start3A_14 : memref<100000x64xf32, #tpu.memory_space<hbm>>) target(%dma_start3A_8 : memref<104x64xf32, #tpu.memory_space<vmem>>) offsets(%dma_start3A_11 : memref<104xi32, #tpu.memory_space<vmem>>) semaphore(%dma_start3A_16 : memref<!tpu.dma_semaphore, #tpu.memory_space<semaphore_mem>>)
    %dma_start3A_17 = arith.constant 0 : i32
    %dma_start3A_18 = arith.constant 0 : i32
    %dma_start3A_19 = arith.constant 0 : i32
    %dma_start3A_20 = arith.constant 104 : i32
    %dma_start3A_21 = arith.constant 0 : i32
    %dma_start3A_22 = tpu.memref_slice %arg7[%dma_start3A_18, %dma_start3A_20, %dma_start3A_21] : memref<4x200x64xf32, #tpu.memory_space<vmem>> -> memref<1x96x64xf32, #tpu.memory_space<vmem>>
    %dma_start3A_23 = tpu.memref_squeeze %dma_start3A_22 : memref<1x96x64xf32, #tpu.memory_space<vmem>> -> memref<96x64xf32, #tpu.memory_space<vmem>>
    %dma_start3A_24 = arith.constant 104 : i32
    %dma_start3A_25 = tpu.memref_slice %arg6[%dma_start3A_17, %dma_start3A_24] : memref<128x200xi32, #tpu.memory_space<vmem>> -> memref<1x96xi32, #tpu.memory_space<vmem>>
    %dma_start3A_26 = tpu.memref_squeeze %dma_start3A_25 : memref<1x96xi32, #tpu.memory_space<vmem>> -> memref<96xi32, #tpu.memory_space<vmem>>
    %dma_start3A_27 = arith.constant 0 : i32
    %dma_start3A_28 = arith.constant 0 : i32
    %dma_start3A_29 = tpu.memref_slice %arg3[%dma_start3A_27, %dma_start3A_28] : memref<100000x64xf32, #tpu.memory_space<hbm>> -> memref<100000x64xf32, #tpu.memory_space<hbm>>
    %dma_start3A_30 = tpu.memref_slice %arg9[%dma_start3A_19] : memref<4x!tpu.dma_semaphore, #tpu.memory_space<semaphore_mem>> -> memref<1x!tpu.dma_semaphore, #tpu.memory_space<semaphore_mem>>
    %dma_start3A_31 = tpu.memref_squeeze %dma_start3A_30 : memref<1x!tpu.dma_semaphore, #tpu.memory_space<semaphore_mem>> -> memref<!tpu.dma_semaphore, #tpu.memory_space<semaphore_mem>>
    tpu.enqueue_indirect_dma source(%dma_start3A_29 : memref<100000x64xf32, #tpu.memory_space<hbm>>) target(%dma_start3A_23 : memref<96x64xf32, #tpu.memory_space<vmem>>) offsets(%dma_start3A_26 : memref<96xi32, #tpu.memory_space<vmem>>) semaphore(%dma_start3A_31 : memref<!tpu.dma_semaphore, #tpu.memory_space<semaphore_mem>>)
    %dma_start3A_32 = arith.constant 1 : i32
    %dma_start3A_33 = arith.constant 1 : i32
    %dma_start3A_34 = arith.constant 1 : i32
    %dma_start3A_35 = arith.constant 0 : i32
    %dma_start3A_36 = arith.constant 0 : i32
    %dma_start3A_37 = tpu.memref_slice %arg7[%dma_start3A_33, %dma_start3A_35, %dma_start3A_36] : memref<4x200x64xf32, #tpu.memory_space<vmem>> -> memref<1x104x64xf32, #tpu.memory_space<vmem>>
    %dma_start3A_38 = tpu.memref_squeeze %dma_start3A_37 : memref<1x104x64xf32, #tpu.memory_space<vmem>> -> memref<104x64xf32, #tpu.memory_space<vmem>>
    %dma_start3A_39 = arith.constant 0 : i32
    %dma_start3A_40 = tpu.memref_slice %arg6[%dma_start3A_32, %dma_start3A_39] : memref<128x200xi32, #tpu.memory_space<vmem>> -> memref<1x104xi32, #tpu.memory_space<vmem>>
    %dma_start3A_41 = tpu.memref_squeeze %dma_start3A_40 : memref<1x104xi32, #tpu.memory_space<vmem>> -> memref<104xi32, #tpu.memory_space<vmem>>
    %dma_start3A_42 = arith.constant 0 : i32
    %dma_start3A_43 = arith.constant 0 : i32
    %dma_start3A_44 = tpu.memref_slice %arg3[%dma_start3A_42, %dma_start3A_43] : memref<100000x64xf32, #tpu.memory_space<hbm>> -> memref<100000x64xf32, #tpu.memory_space<hbm>>
    %dma_start3A_45 = tpu.memref_slice %arg9[%dma_start3A_34] : memref<4x!tpu.dma_semaphore, #tpu.memory_space<semaphore_mem>> -> memref<1x!tpu.dma_semaphore, #tpu.memory_space<semaphore_mem>>
    %dma_start3A_46 = tpu.memref_squeeze %dma_start3A_45 : memref<1x!tpu.dma_semaphore, #tpu.memory_space<semaphore_mem>> -> memref<!tpu.dma_semaphore, #tpu.memory_space<semaphore_mem>>
    tpu.enqueue_indirect_dma source(%dma_start3A_44 : memref<100000x64xf32, #tpu.memory_space<hbm>>) target(%dma_start3A_38 : memref<104x64xf32, #tpu.memory_space<vmem>>) offsets(%dma_start3A_41 : memref<104xi32, #tpu.memory_space<vmem>>) semaphore(%dma_start3A_46 : memref<!tpu.dma_semaphore, #tpu.memory_space<semaphore_mem>>)
    %dma_start3A_47 = arith.constant 1 : i32
    %dma_start3A_48 = arith.constant 1 : i32
    %dma_start3A_49 = arith.constant 1 : i32
    %dma_start3A_50 = arith.constant 104 : i32
    %dma_start3A_51 = arith.constant 0 : i32
    %dma_start3A_52 = tpu.memref_slice %arg7[%dma_start3A_48, %dma_start3A_50, %dma_start3A_51] : memref<4x200x64xf32, #tpu.memory_space<vmem>> -> memref<1x96x64xf32, #tpu.memory_space<vmem>>
    %dma_start3A_53 = tpu.memref_squeeze %dma_start3A_52 : memref<1x96x64xf32, #tpu.memory_space<vmem>> -> memref<96x64xf32, #tpu.memory_space<vmem>>
    %dma_start3A_54 = arith.constant 104 : i32
    %dma_start3A_55 = tpu.memref_slice %arg6[%dma_start3A_47, %dma_start3A_54] : memref<128x200xi32, #tpu.memory_space<vmem>> -> memref<1x96xi32, #tpu.memory_space<vmem>>
    %dma_start3A_56 = tpu.memref_squeeze %dma_start3A_55 : memref<1x96xi32, #tpu.memory_space<vmem>> -> memref<96xi32, #tpu.memory_space<vmem>>
    %dma_start3A_57 = arith.constant 0 : i32
    %dma_start3A_58 = arith.constant 0 : i32
    %dma_start3A_59 = tpu.memref_slice %arg3[%dma_start3A_57, %dma_start3A_58] : memref<100000x64xf32, #tpu.memory_space<hbm>> -> memref<100000x64xf32, #tpu.memory_space<hbm>>
    %dma_start3A_60 = tpu.memref_slice %arg9[%dma_start3A_49] : memref<4x!tpu.dma_semaphore, #tpu.memory_space<semaphore_mem>> -> memref<1x!tpu.dma_semaphore, #tpu.memory_space<semaphore_mem>>
    %dma_start3A_61 = tpu.memref_squeeze %dma_start3A_60 : memref<1x!tpu.dma_semaphore, #tpu.memory_space<semaphore_mem>> -> memref<!tpu.dma_semaphore, #tpu.memory_space<semaphore_mem>>
    tpu.enqueue_indirect_dma source(%dma_start3A_59 : memref<100000x64xf32, #tpu.memory_space<hbm>>) target(%dma_start3A_53 : memref<96x64xf32, #tpu.memory_space<vmem>>) offsets(%dma_start3A_56 : memref<96xi32, #tpu.memory_space<vmem>>) semaphore(%dma_start3A_61 : memref<!tpu.dma_semaphore, #tpu.memory_space<semaphore_mem>>)
    %dma_start3A_62 = arith.constant 2 : i32
    %dma_start3A_63 = arith.constant 2 : i32
    %dma_start3A_64 = arith.constant 2 : i32
    %dma_start3A_65 = arith.constant 0 : i32
    %dma_start3A_66 = arith.constant 0 : i32
    %dma_start3A_67 = tpu.memref_slice %arg7[%dma_start3A_63, %dma_start3A_65, %dma_start3A_66] : memref<4x200x64xf32, #tpu.memory_space<vmem>> -> memref<1x104x64xf32, #tpu.memory_space<vmem>>
    %dma_start3A_68 = tpu.memref_squeeze %dma_start3A_67 : memref<1x104x64xf32, #tpu.memory_space<vmem>> -> memref<104x64xf32, #tpu.memory_space<vmem>>
    %dma_start3A_69 = arith.constant 0 : i32
    %dma_start3A_70 = tpu.memref_slice %arg6[%dma_start3A_62, %dma_start3A_69] : memref<128x200xi32, #tpu.memory_space<vmem>> -> memref<1x104xi32, #tpu.memory_space<vmem>>
    %dma_start3A_71 = tpu.memref_squeeze %dma_start3A_70 : memref<1x104xi32, #tpu.memory_space<vmem>> -> memref<104xi32, #tpu.memory_space<vmem>>
    %dma_start3A_72 = arith.constant 0 : i32
    %dma_start3A_73 = arith.constant 0 : i32
    %dma_start3A_74 = tpu.memref_slice %arg3[%dma_start3A_72, %dma_start3A_73] : memref<100000x64xf32, #tpu.memory_space<hbm>> -> memref<100000x64xf32, #tpu.memory_space<hbm>>
    %dma_start3A_75 = tpu.memref_slice %arg9[%dma_start3A_64] : memref<4x!tpu.dma_semaphore, #tpu.memory_space<semaphore_mem>> -> memref<1x!tpu.dma_semaphore, #tpu.memory_space<semaphore_mem>>
    %dma_start3A_76 = tpu.memref_squeeze %dma_start3A_75 : memref<1x!tpu.dma_semaphore, #tpu.memory_space<semaphore_mem>> -> memref<!tpu.dma_semaphore, #tpu.memory_space<semaphore_mem>>
    tpu.enqueue_indirect_dma source(%dma_start3A_74 : memref<100000x64xf32, #tpu.memory_space<hbm>>) target(%dma_start3A_68 : memref<104x64xf32, #tpu.memory_space<vmem>>) offsets(%dma_start3A_71 : memref<104xi32, #tpu.memory_space<vmem>>) semaphore(%dma_start3A_76 : memref<!tpu.dma_semaphore, #tpu.memory_space<semaphore_mem>>)
    %dma_start3A_77 = arith.constant 2 : i32
    %dma_start3A_78 = arith.constant 2 : i32
    %dma_start3A_79 = arith.constant 2 : i32
    %dma_start3A_80 = arith.constant 104 : i32
    %dma_start3A_81 = arith.constant 0 : i32
    %dma_start3A_82 = tpu.memref_slice %arg7[%dma_start3A_78, %dma_start3A_80, %dma_start3A_81] : memref<4x200x64xf32, #tpu.memory_space<vmem>> -> memref<1x96x64xf32, #tpu.memory_space<vmem>>
    %dma_start3A_83 = tpu.memref_squeeze %dma_start3A_82 : memref<1x96x64xf32, #tpu.memory_space<vmem>> -> memref<96x64xf32, #tpu.memory_space<vmem>>
    %dma_start3A_84 = arith.constant 104 : i32
    %dma_start3A_85 = tpu.memref_slice %arg6[%dma_start3A_77, %dma_start3A_84] : memref<128x200xi32, #tpu.memory_space<vmem>> -> memref<1x96xi32, #tpu.memory_space<vmem>>
    %dma_start3A_86 = tpu.memref_squeeze %dma_start3A_85 : memref<1x96xi32, #tpu.memory_space<vmem>> -> memref<96xi32, #tpu.memory_space<vmem>>
    %dma_start3A_87 = arith.constant 0 : i32
    %dma_start3A_88 = arith.constant 0 : i32
    %dma_start3A_89 = tpu.memref_slice %arg3[%dma_start3A_87, %dma_start3A_88] : memref<100000x64xf32, #tpu.memory_space<hbm>> -> memref<100000x64xf32, #tpu.memory_space<hbm>>
    %dma_start3A_90 = tpu.memref_slice %arg9[%dma_start3A_79] : memref<4x!tpu.dma_semaphore, #tpu.memory_space<semaphore_mem>> -> memref<1x!tpu.dma_semaphore, #tpu.memory_space<semaphore_mem>>
    %dma_start3A_91 = tpu.memref_squeeze %dma_start3A_90 : memref<1x!tpu.dma_semaphore, #tpu.memory_space<semaphore_mem>> -> memref<!tpu.dma_semaphore, #tpu.memory_space<semaphore_mem>>
    tpu.enqueue_indirect_dma source(%dma_start3A_89 : memref<100000x64xf32, #tpu.memory_space<hbm>>) target(%dma_start3A_83 : memref<96x64xf32, #tpu.memory_space<vmem>>) offsets(%dma_start3A_86 : memref<96xi32, #tpu.memory_space<vmem>>) semaphore(%dma_start3A_91 : memref<!tpu.dma_semaphore, #tpu.memory_space<semaphore_mem>>)
    %scan3A = arith.constant 0 : i32
    %scan3A_92 = arith.constant 0 : i32
    %scan3A_93 = arith.constant 32 : i32
    %scan3A_94 = arith.addi %scan3A_92, %scan3A_93 : i32
    %scan3A_95 = arith.constant 1 : i32
    scf.for %scan3A_116 = %scan3A_92 to %scan3A_94 step %scan3A_95  : i32 {
      %mul3A_117 = arith.constant 4 : i32
      %mul3A_118 = arith.muli %scan3A_116, %mul3A_117 : i32
      %add3A_119 = arith.constant 0 : i32
      %add3A_120 = arith.addi %mul3A_118, %add3A_119 : i32
      %dma_wait3A_121 = arith.constant 0 : i32
      %dma_wait3A_122 = arith.constant 0 : i32
      %dma_wait3A_123 = arith.constant 0 : i32
      %dma_wait3A_124 = arith.constant 0 : i32
      %dma_wait3A_125 = arith.constant 0 : i32
      %dma_wait3A_126 = tpu.memref_slice %arg7[%dma_wait3A_122, %dma_wait3A_124, %dma_wait3A_125] : memref<4x200x64xf32, #tpu.memory_space<vmem>> -> memref<1x104x64xf32, #tpu.memory_space<vmem>>
      %dma_wait3A_127 = tpu.memref_squeeze %dma_wait3A_126 : memref<1x104x64xf32, #tpu.memory_space<vmem>> -> memref<104x64xf32, #tpu.memory_space<vmem>>
      %dma_wait3A_128 = arith.constant 0 : i32
      %dma_wait3A_129 = tpu.memref_slice %arg6[%dma_wait3A_121, %dma_wait3A_128] : memref<128x200xi32, #tpu.memory_space<vmem>> -> memref<1x104xi32, #tpu.memory_space<vmem>>
      %dma_wait3A_130 = tpu.memref_squeeze %dma_wait3A_129 : memref<1x104xi32, #tpu.memory_space<vmem>> -> memref<104xi32, #tpu.memory_space<vmem>>
      %dma_wait3A_131 = arith.constant 0 : i32
      %dma_wait3A_132 = arith.constant 0 : i32
      %dma_wait3A_133 = tpu.memref_slice %arg3[%dma_wait3A_131, %dma_wait3A_132] : memref<100000x64xf32, #tpu.memory_space<hbm>> -> memref<100000x64xf32, #tpu.memory_space<hbm>>
      %dma_wait3A_134 = tpu.memref_slice %arg9[%dma_wait3A_123] : memref<4x!tpu.dma_semaphore, #tpu.memory_space<semaphore_mem>> -> memref<1x!tpu.dma_semaphore, #tpu.memory_space<semaphore_mem>>
      %dma_wait3A_135 = tpu.memref_squeeze %dma_wait3A_134 : memref<1x!tpu.dma_semaphore, #tpu.memory_space<semaphore_mem>> -> memref<!tpu.dma_semaphore, #tpu.memory_space<semaphore_mem>>
      tpu.wait_indirect_dma semaphore(%dma_wait3A_135 : memref<!tpu.dma_semaphore, #tpu.memory_space<semaphore_mem>>) src(%dma_wait3A_133 : memref<100000x64xf32, #tpu.memory_space<hbm>>) dst(%dma_wait3A_127 : memref<104x64xf32, #tpu.memory_space<vmem>>)
      %dma_wait3A_136 = arith.constant 0 : i32
      %dma_wait3A_137 = arith.constant 0 : i32
      %dma_wait3A_138 = arith.constant 0 : i32
      %dma_wait3A_139 = arith.constant 104 : i32
      %dma_wait3A_140 = arith.constant 0 : i32
      %dma_wait3A_141 = tpu.memref_slice %arg7[%dma_wait3A_137, %dma_wait3A_139, %dma_wait3A_140] : memref<4x200x64xf32, #tpu.memory_space<vmem>> -> memref<1x96x64xf32, #tpu.memory_space<vmem>>
      %dma_wait3A_142 = tpu.memref_squeeze %dma_wait3A_141 : memref<1x96x64xf32, #tpu.memory_space<vmem>> -> memref<96x64xf32, #tpu.memory_space<vmem>>
      %dma_wait3A_143 = arith.constant 104 : i32
      %dma_wait3A_144 = tpu.memref_slice %arg6[%dma_wait3A_136, %dma_wait3A_143] : memref<128x200xi32, #tpu.memory_space<vmem>> -> memref<1x96xi32, #tpu.memory_space<vmem>>
      %dma_wait3A_145 = tpu.memref_squeeze %dma_wait3A_144 : memref<1x96xi32, #tpu.memory_space<vmem>> -> memref<96xi32, #tpu.memory_space<vmem>>
      %dma_wait3A_146 = arith.constant 0 : i32
      %dma_wait3A_147 = arith.constant 0 : i32
      %dma_wait3A_148 = tpu.memref_slice %arg3[%dma_wait3A_146, %dma_wait3A_147] : memref<100000x64xf32, #tpu.memory_space<hbm>> -> memref<100000x64xf32, #tpu.memory_space<hbm>>
      %dma_wait3A_149 = tpu.memref_slice %arg9[%dma_wait3A_138] : memref<4x!tpu.dma_semaphore, #tpu.memory_space<semaphore_mem>> -> memref<1x!tpu.dma_semaphore, #tpu.memory_space<semaphore_mem>>
      %dma_wait3A_150 = tpu.memref_squeeze %dma_wait3A_149 : memref<1x!tpu.dma_semaphore, #tpu.memory_space<semaphore_mem>> -> memref<!tpu.dma_semaphore, #tpu.memory_space<semaphore_mem>>
      tpu.wait_indirect_dma semaphore(%dma_wait3A_150 : memref<!tpu.dma_semaphore, #tpu.memory_space<semaphore_mem>>) src(%dma_wait3A_148 : memref<100000x64xf32, #tpu.memory_space<hbm>>) dst(%dma_wait3A_142 : memref<96x64xf32, #tpu.memory_space<vmem>>)
      %scan3A_151 = arith.constant 0 : i32
      %scan3A_152 = arith.constant 0 : i32
      %scan3A_153 = arith.constant 200 : i32
      %scan3A_154 = arith.addi %scan3A_152, %scan3A_153 : i32
      %scan3A_155 = arith.constant 8 : i32
      scf.for %scan3A_399 = %scan3A_152 to %scan3A_154 step %scan3A_155  : i32 {
        %get3A = arith.index_cast %scan3A_399 : i32 to index
        %get3A_400 = arith.constant 0 : index
        %get3A_401 = tpu.vector_load %arg8[%get3A, %get3A_400] {strides = array<i32>} : memref<200x64xf32, #tpu.memory_space<vmem>>, vector<1x16xf32>,
        %get3A_402 = vector.shape_cast %get3A_401 : vector<1x16xf32> to vector<16xf32>
        %swap3A = arith.constant 0 : i32
        %swap3A_403 = arith.index_cast %swap3A : i32 to index
        %swap3A_404 = arith.index_cast %scan3A_399 : i32 to index
        %swap3A_405 = arith.constant 0 : index
        %swap3A_406 = tpu.vector_load %arg7[%swap3A_403, %swap3A_404, %swap3A_405] {strides = array<i32>} : memref<4x200x64xf32, #tpu.memory_space<vmem>>, vector<1x1x16xf32>,
        %swap3A_407 = vector.shape_cast %swap3A_406 : vector<1x1x16xf32> to vector<16xf32>
        %swap3A_408 = vector.shape_cast %get3A_402 : vector<16xf32> to vector<1x1x16xf32>
        tpu.vector_store %arg7[%swap3A_403, %swap3A_404, %swap3A_405], %swap3A_408 {add = true, strides = array<i32>} : memref<4x200x64xf32, #tpu.memory_space<vmem>>, vector<1x1x16xf32>,
        %get3A_409 = arith.index_cast %scan3A_399 : i32 to index
        %get3A_410 = arith.constant 16 : index
        %get3A_411 = tpu.vector_load %arg8[%get3A_409, %get3A_410] {strides = array<i32>} : memref<200x64xf32, #tpu.memory_space<vmem>>, vector<1x16xf32>,
        %get3A_412 = vector.shape_cast %get3A_411 : vector<1x16xf32> to vector<16xf32>
        %swap3A_413 = arith.constant 0 : i32
        %swap3A_414 = arith.index_cast %swap3A_413 : i32 to index
        %swap3A_415 = arith.index_cast %scan3A_399 : i32 to index
        %swap3A_416 = arith.constant 16 : index
        %swap3A_417 = tpu.vector_load %arg7[%swap3A_414, %swap3A_415, %swap3A_416] {strides = array<i32>} : memref<4x200x64xf32, #tpu.memory_space<vmem>>, vector<1x1x16xf32>,
        %swap3A_418 = vector.shape_cast %swap3A_417 : vector<1x1x16xf32> to vector<16xf32>
        %swap3A_419 = vector.shape_cast %get3A_412 : vector<16xf32> to vector<1x1x16xf32>
        tpu.vector_store %arg7[%swap3A_414, %swap3A_415, %swap3A_416], %swap3A_419 {add = true, strides = array<i32>} : memref<4x200x64xf32, #tpu.memory_space<vmem>>, vector<1x1x16xf32>,
        %get3A_420 = arith.index_cast %scan3A_399 : i32 to index
        %get3A_421 = arith.constant 32 : index
        %get3A_422 = tpu.vector_load %arg8[%get3A_420, %get3A_421] {strides = array<i32>} : memref<200x64xf32, #tpu.memory_space<vmem>>, vector<1x16xf32>,
        %get3A_423 = vector.shape_cast %get3A_422 : vector<1x16xf32> to vector<16xf32>
        %swap3A_424 = arith.constant 0 : i32
        %swap3A_425 = arith.index_cast %swap3A_424 : i32 to index
        %swap3A_426 = arith.index_cast %scan3A_399 : i32 to index
        %swap3A_427 = arith.constant 32 : index
        %swap3A_428 = tpu.vector_load %arg7[%swap3A_425, %swap3A_426, %swap3A_427] {strides = array<i32>} : memref<4x200x64xf32, #tpu.memory_space<vmem>>, vector<1x1x16xf32>,
        %swap3A_429 = vector.shape_cast %swap3A_428 : vector<1x1x16xf32> to vector<16xf32>
        %swap3A_430 = vector.shape_cast %get3A_423 : vector<16xf32> to vector<1x1x16xf32>
        tpu.vector_store %arg7[%swap3A_425, %swap3A_426, %swap3A_427], %swap3A_430 {add = true, strides = array<i32>} : memref<4x200x64xf32, #tpu.memory_space<vmem>>, vector<1x1x16xf32>,
        %get3A_431 = arith.index_cast %scan3A_399 : i32 to index
        %get3A_432 = arith.constant 48 : index
        %get3A_433 = tpu.vector_load %arg8[%get3A_431, %get3A_432] {strides = array<i32>} : memref<200x64xf32, #tpu.memory_space<vmem>>, vector<1x16xf32>,
        %get3A_434 = vector.shape_cast %get3A_433 : vector<1x16xf32> to vector<16xf32>
        %swap3A_435 = arith.constant 0 : i32
        %swap3A_436 = arith.index_cast %swap3A_435 : i32 to index
        %swap3A_437 = arith.index_cast %scan3A_399 : i32 to index
        %swap3A_438 = arith.constant 48 : index
        %swap3A_439 = tpu.vector_load %arg7[%swap3A_436, %swap3A_437, %swap3A_438] {strides = array<i32>} : memref<4x200x64xf32, #tpu.memory_space<vmem>>, vector<1x1x16xf32>,
        %swap3A_440 = vector.shape_cast %swap3A_439 : vector<1x1x16xf32> to vector<16xf32>
        %swap3A_441 = vector.shape_cast %get3A_434 : vector<16xf32> to vector<1x1x16xf32>
        tpu.vector_store %arg7[%swap3A_436, %swap3A_437, %swap3A_438], %swap3A_441 {add = true, strides = array<i32>} : memref<4x200x64xf32, #tpu.memory_space<vmem>>, vector<1x1x16xf32>,
        %scan3A_442 = arith.constant 1 : i32
        %scan3A_443 = arith.addi %scan3A_399, %scan3A_442 : i32
        %get3A_444 = arith.index_cast %scan3A_443 : i32 to index
        %get3A_445 = arith.constant 0 : index
        %get3A_446 = tpu.vector_load %arg8[%get3A_444, %get3A_445] {strides = array<i32>} : memref<200x64xf32, #tpu.memory_space<vmem>>, vector<1x16xf32>,
        %get3A_447 = vector.shape_cast %get3A_446 : vector<1x16xf32> to vector<16xf32>
        %swap3A_448 = arith.constant 0 : i32
        %swap3A_449 = arith.index_cast %swap3A_448 : i32 to index
        %swap3A_450 = arith.index_cast %scan3A_443 : i32 to index
        %swap3A_451 = arith.constant 0 : index
        %swap3A_452 = tpu.vector_load %arg7[%swap3A_449, %swap3A_450, %swap3A_451] {strides = array<i32>} : memref<4x200x64xf32, #tpu.memory_space<vmem>>, vector<1x1x16xf32>,
        %swap3A_453 = vector.shape_cast %swap3A_452 : vector<1x1x16xf32> to vector<16xf32>
        %swap3A_454 = vector.shape_cast %get3A_447 : vector<16xf32> to vector<1x1x16xf32>
        tpu.vector_store %arg7[%swap3A_449, %swap3A_450, %swap3A_451], %swap3A_454 {add = true, strides = array<i32>} : memref<4x200x64xf32, #tpu.memory_space<vmem>>, vector<1x1x16xf32>,
        %get3A_455 = arith.index_cast %scan3A_443 : i32 to index
        %get3A_456 = arith.constant 16 : index
        %get3A_457 = tpu.vector_load %arg8[%get3A_455, %get3A_456] {strides = array<i32>} : memref<200x64xf32, #tpu.memory_space<vmem>>, vector<1x16xf32>,
        %get3A_458 = vector.shape_cast %get3A_457 : vector<1x16xf32> to vector<16xf32>
        %swap3A_459 = arith.constant 0 : i32
        %swap3A_460 = arith.index_cast %swap3A_459 : i32 to index
        %swap3A_461 = arith.index_cast %scan3A_443 : i32 to index
        %swap3A_462 = arith.constant 16 : index
        %swap3A_463 = tpu.vector_load %arg7[%swap3A_460, %swap3A_461, %swap3A_462] {strides = array<i32>} : memref<4x200x64xf32, #tpu.memory_space<vmem>>, vector<1x1x16xf32>,
        %swap3A_464 = vector.shape_cast %swap3A_463 : vector<1x1x16xf32> to vector<16xf32>
        %swap3A_465 = vector.shape_cast %get3A_458 : vector<16xf32> to vector<1x1x16xf32>
        tpu.vector_store %arg7[%swap3A_460, %swap3A_461, %swap3A_462], %swap3A_465 {add = true, strides = array<i32>} : memref<4x200x64xf32, #tpu.memory_space<vmem>>, vector<1x1x16xf32>,
        %get3A_466 = arith.index_cast %scan3A_443 : i32 to index
        %get3A_467 = arith.constant 32 : index
        %get3A_468 = tpu.vector_load %arg8[%get3A_466, %get3A_467] {strides = array<i32>} : memref<200x64xf32, #tpu.memory_space<vmem>>, vector<1x16xf32>,
        %get3A_469 = vector.shape_cast %get3A_468 : vector<1x16xf32> to vector<16xf32>
        %swap3A_470 = arith.constant 0 : i32
        %swap3A_471 = arith.index_cast %swap3A_470 : i32 to index
        %swap3A_472 = arith.index_cast %scan3A_443 : i32 to index
        %swap3A_473 = arith.constant 32 : index
        %swap3A_474 = tpu.vector_load %arg7[%swap3A_471, %swap3A_472, %swap3A_473] {strides = array<i32>} : memref<4x200x64xf32, #tpu.memory_space<vmem>>, vector<1x1x16xf32>,
        %swap3A_475 = vector.shape_cast %swap3A_474 : vector<1x1x16xf32> to vector<16xf32>
        %swap3A_476 = vector.shape_cast %get3A_469 : vector<16xf32> to vector<1x1x16xf32>
        tpu.vector_store %arg7[%swap3A_471, %swap3A_472, %swap3A_473], %swap3A_476 {add = true, strides = array<i32>} : memref<4x200x64xf32, #tpu.memory_space<vmem>>, vector<1x1x16xf32>,
        %get3A_477 = arith.index_cast %scan3A_443 : i32 to index
        %get3A_478 = arith.constant 48 : index
        %get3A_479 = tpu.vector_load %arg8[%get3A_477, %get3A_478] {strides = array<i32>} : memref<200x64xf32, #tpu.memory_space<vmem>>, vector<1x16xf32>,
        %get3A_480 = vector.shape_cast %get3A_479 : vector<1x16xf32> to vector<16xf32>
        %swap3A_481 = arith.constant 0 : i32
        %swap3A_482 = arith.index_cast %swap3A_481 : i32 to index
        %swap3A_483 = arith.index_cast %scan3A_443 : i32 to index
        %swap3A_484 = arith.constant 48 : index
        %swap3A_485 = tpu.vector_load %arg7[%swap3A_482, %swap3A_483, %swap3A_484] {strides = array<i32>} : memref<4x200x64xf32, #tpu.memory_space<vmem>>, vector<1x1x16xf32>,
        %swap3A_486 = vector.shape_cast %swap3A_485 : vector<1x1x16xf32> to vector<16xf32>
        %swap3A_487 = vector.shape_cast %get3A_480 : vector<16xf32> to vector<1x1x16xf32>
        tpu.vector_store %arg7[%swap3A_482, %swap3A_483, %swap3A_484], %swap3A_487 {add = true, strides = array<i32>} : memref<4x200x64xf32, #tpu.memory_space<vmem>>, vector<1x1x16xf32>,
        %scan3A_488 = arith.constant 2 : i32
        %scan3A_489 = arith.addi %scan3A_399, %scan3A_488 : i32
        %get3A_490 = arith.index_cast %scan3A_489 : i32 to index
        %get3A_491 = arith.constant 0 : index
        %get3A_492 = tpu.vector_load %arg8[%get3A_490, %get3A_491] {strides = array<i32>} : memref<200x64xf32, #tpu.memory_space<vmem>>, vector<1x16xf32>,
        %get3A_493 = vector.shape_cast %get3A_492 : vector<1x16xf32> to vector<16xf32>
        %swap3A_494 = arith.constant 0 : i32
        %swap3A_495 = arith.index_cast %swap3A_494 : i32 to index
        %swap3A_496 = arith.index_cast %scan3A_489 : i32 to index
        %swap3A_497 = arith.constant 0 : index
        %swap3A_498 = tpu.vector_load %arg7[%swap3A_495, %swap3A_496, %swap3A_497] {strides = array<i32>} : memref<4x200x64xf32, #tpu.memory_space<vmem>>, vector<1x1x16xf32>,
        %swap3A_499 = vector.shape_cast %swap3A_498 : vector<1x1x16xf32> to vector<16xf32>
        %swap3A_500 = vector.shape_cast %get3A_493 : vector<16xf32> to vector<1x1x16xf32>
        tpu.vector_store %arg7[%swap3A_495, %swap3A_496, %swap3A_497], %swap3A_500 {add = true, strides = array<i32>} : memref<4x200x64xf32, #tpu.memory_space<vmem>>, vector<1x1x16xf32>,
        %get3A_501 = arith.index_cast %scan3A_489 : i32 to index
        %get3A_502 = arith.constant 16 : index
        %get3A_503 = tpu.vector_load %arg8[%get3A_501, %get3A_502] {strides = array<i32>} : memref<200x64xf32, #tpu.memory_space<vmem>>, vector<1x16xf32>,
        %get3A_504 = vector.shape_cast %get3A_503 : vector<1x16xf32> to vector<16xf32>
        %swap3A_505 = arith.constant 0 : i32
        %swap3A_506 = arith.index_cast %swap3A_505 : i32 to index
        %swap3A_507 = arith.index_cast %scan3A_489 : i32 to index
        %swap3A_508 = arith.constant 16 : index
        %swap3A_509 = tpu.vector_load %arg7[%swap3A_506, %swap3A_507, %swap3A_508] {strides = array<i32>} : memref<4x200x64xf32, #tpu.memory_space<vmem>>, vector<1x1x16xf32>,
        %swap3A_510 = vector.shape_cast %swap3A_509 : vector<1x1x16xf32> to vector<16xf32>
        %swap3A_511 = vector.shape_cast %get3A_504 : vector<16xf32> to vector<1x1x16xf32>
        tpu.vector_store %arg7[%swap3A_506, %swap3A_507, %swap3A_508], %swap3A_511 {add = true, strides = array<i32>} : memref<4x200x64xf32, #tpu.memory_space<vmem>>, vector<1x1x16xf32>,
        %get3A_512 = arith.index_cast %scan3A_489 : i32 to index
        %get3A_513 = arith.constant 32 : index
        %get3A_514 = tpu.vector_load %arg8[%get3A_512, %get3A_513] {strides = array<i32>} : memref<200x64xf32, #tpu.memory_space<vmem>>, vector<1x16xf32>,
        %get3A_515 = vector.shape_cast %get3A_514 : vector<1x16xf32> to vector<16xf32>
        %swap3A_516 = arith.constant 0 : i32
        %swap3A_517 = arith.index_cast %swap3A_516 : i32 to index
        %swap3A_518 = arith.index_cast %scan3A_489 : i32 to index
        %swap3A_519 = arith.constant 32 : index
        %swap3A_520 = tpu.vector_load %arg7[%swap3A_517, %swap3A_518, %swap3A_519] {strides = array<i32>} : memref<4x200x64xf32, #tpu.memory_space<vmem>>, vector<1x1x16xf32>,
        %swap3A_521 = vector.shape_cast %swap3A_520 : vector<1x1x16xf32> to vector<16xf32>
        %swap3A_522 = vector.shape_cast %get3A_515 : vector<16xf32> to vector<1x1x16xf32>
        tpu.vector_store %arg7[%swap3A_517, %swap3A_518, %swap3A_519], %swap3A_522 {add = true, strides = array<i32>} : memref<4x200x64xf32, #tpu.memory_space<vmem>>, vector<1x1x16xf32>,
        %get3A_523 = arith.index_cast %scan3A_489 : i32 to index
        %get3A_524 = arith.constant 48 : index
        %get3A_525 = tpu.vector_load %arg8[%get3A_523, %get3A_524] {strides = array<i32>} : memref<200x64xf32, #tpu.memory_space<vmem>>, vector<1x16xf32>,
        %get3A_526 = vector.shape_cast %get3A_525 : vector<1x16xf32> to vector<16xf32>
        %swap3A_527 = arith.constant 0 : i32
        %swap3A_528 = arith.index_cast %swap3A_527 : i32 to index
        %swap3A_529 = arith.index_cast %scan3A_489 : i32 to index
        %swap3A_530 = arith.constant 48 : index
        %swap3A_531 = tpu.vector_load %arg7[%swap3A_528, %swap3A_529, %swap3A_530] {strides = array<i32>} : memref<4x200x64xf32, #tpu.memory_space<vmem>>, vector<1x1x16xf32>,
        %swap3A_532 = vector.shape_cast %swap3A_531 : vector<1x1x16xf32> to vector<16xf32>
        %swap3A_533 = vector.shape_cast %get3A_526 : vector<16xf32> to vector<1x1x16xf32>
        tpu.vector_store %arg7[%swap3A_528, %swap3A_529, %swap3A_530], %swap3A_533 {add = true, strides = array<i32>} : memref<4x200x64xf32, #tpu.memory_space<vmem>>, vector<1x1x16xf32>,
        %scan3A_534 = arith.constant 3 : i32
        %scan3A_535 = arith.addi %scan3A_399, %scan3A_534 : i32
        %get3A_536 = arith.index_cast %scan3A_535 : i32 to index
        %get3A_537 = arith.constant 0 : index
        %get3A_538 = tpu.vector_load %arg8[%get3A_536, %get3A_537] {strides = array<i32>} : memref<200x64xf32, #tpu.memory_space<vmem>>, vector<1x16xf32>,
        %get3A_539 = vector.shape_cast %get3A_538 : vector<1x16xf32> to vector<16xf32>
        %swap3A_540 = arith.constant 0 : i32
        %swap3A_541 = arith.index_cast %swap3A_540 : i32 to index
        %swap3A_542 = arith.index_cast %scan3A_535 : i32 to index
        %swap3A_543 = arith.constant 0 : index
        %swap3A_544 = tpu.vector_load %arg7[%swap3A_541, %swap3A_542, %swap3A_543] {strides = array<i32>} : memref<4x200x64xf32, #tpu.memory_space<vmem>>, vector<1x1x16xf32>,
        %swap3A_545 = vector.shape_cast %swap3A_544 : vector<1x1x16xf32> to vector<16xf32>
        %swap3A_546 = vector.shape_cast %get3A_539 : vector<16xf32> to vector<1x1x16xf32>
        tpu.vector_store %arg7[%swap3A_541, %swap3A_542, %swap3A_543], %swap3A_546 {add = true, strides = array<i32>} : memref<4x200x64xf32, #tpu.memory_space<vmem>>, vector<1x1x16xf32>,
        %get3A_547 = arith.index_cast %scan3A_535 : i32 to index
        %get3A_548 = arith.constant 16 : index
        %get3A_549 = tpu.vector_load %arg8[%get3A_547, %get3A_548] {strides = array<i32>} : memref<200x64xf32, #tpu.memory_space<vmem>>, vector<1x16xf32>,
        %get3A_550 = vector.shape_cast %get3A_549 : vector<1x16xf32> to vector<16xf32>
        %swap3A_551 = arith.constant 0 : i32
        %swap3A_552 = arith.index_cast %swap3A_551 : i32 to index
        %swap3A_553 = arith.index_cast %scan3A_535 : i32 to index
        %swap3A_554 = arith.constant 16 : index
        %swap3A_555 = tpu.vector_load %arg7[%swap3A_552, %swap3A_553, %swap3A_554] {strides = array<i32>} : memref<4x200x64xf32, #tpu.memory_space<vmem>>, vector<1x1x16xf32>,
        %swap3A_556 = vector.shape_cast %swap3A_555 : vector<1x1x16xf32> to vector<16xf32>
        %swap3A_557 = vector.shape_cast %get3A_550 : vector<16xf32> to vector<1x1x16xf32>
        tpu.vector_store %arg7[%swap3A_552, %swap3A_553, %swap3A_554], %swap3A_557 {add = true, strides = array<i32>} : memref<4x200x64xf32, #tpu.memory_space<vmem>>, vector<1x1x16xf32>,
        %get3A_558 = arith.index_cast %scan3A_535 : i32 to index
        %get3A_559 = arith.constant 32 : index
        %get3A_560 = tpu.vector_load %arg8[%get3A_558, %get3A_559] {strides = array<i32>} : memref<200x64xf32, #tpu.memory_space<vmem>>, vector<1x16xf32>,
        %get3A_561 = vector.shape_cast %get3A_560 : vector<1x16xf32> to vector<16xf32>
        %swap3A_562 = arith.constant 0 : i32
        %swap3A_563 = arith.index_cast %swap3A_562 : i32 to index
        %swap3A_564 = arith.index_cast %scan3A_535 : i32 to index
        %swap3A_565 = arith.constant 32 : index
        %swap3A_566 = tpu.vector_load %arg7[%swap3A_563, %swap3A_564, %swap3A_565] {strides = array<i32>} : memref<4x200x64xf32, #tpu.memory_space<vmem>>, vector<1x1x16xf32>,
        %swap3A_567 = vector.shape_cast %swap3A_566 : vector<1x1x16xf32> to vector<16xf32>
        %swap3A_568 = vector.shape_cast %get3A_561 : vector<16xf32> to vector<1x1x16xf32>
        tpu.vector_store %arg7[%swap3A_563, %swap3A_564, %swap3A_565], %swap3A_568 {add = true, strides = array<i32>} : memref<4x200x64xf32, #tpu.memory_space<vmem>>, vector<1x1x16xf32>,
        %get3A_569 = arith.index_cast %scan3A_535 : i32 to index
        %get3A_570 = arith.constant 48 : index
        %get3A_571 = tpu.vector_load %arg8[%get3A_569, %get3A_570] {strides = array<i32>} : memref<200x64xf32, #tpu.memory_space<vmem>>, vector<1x16xf32>,
        %get3A_572 = vector.shape_cast %get3A_571 : vector<1x16xf32> to vector<16xf32>
        %swap3A_573 = arith.constant 0 : i32
        %swap3A_574 = arith.index_cast %swap3A_573 : i32 to index
        %swap3A_575 = arith.index_cast %scan3A_535 : i32 to index
        %swap3A_576 = arith.constant 48 : index
        %swap3A_577 = tpu.vector_load %arg7[%swap3A_574, %swap3A_575, %swap3A_576] {strides = array<i32>} : memref<4x200x64xf32, #tpu.memory_space<vmem>>, vector<1x1x16xf32>,
        %swap3A_578 = vector.shape_cast %swap3A_577 : vector<1x1x16xf32> to vector<16xf32>
        %swap3A_579 = vector.shape_cast %get3A_572 : vector<16xf32> to vector<1x1x16xf32>
        tpu.vector_store %arg7[%swap3A_574, %swap3A_575, %swap3A_576], %swap3A_579 {add = true, strides = array<i32>} : memref<4x200x64xf32, #tpu.memory_space<vmem>>, vector<1x1x16xf32>,
        %scan3A_580 = arith.constant 4 : i32
        %scan3A_581 = arith.addi %scan3A_399, %scan3A_580 : i32
        %get3A_582 = arith.index_cast %scan3A_581 : i32 to index
        %get3A_583 = arith.constant 0 : index
        %get3A_584 = tpu.vector_load %arg8[%get3A_582, %get3A_583] {strides = array<i32>} : memref<200x64xf32, #tpu.memory_space<vmem>>, vector<1x16xf32>,
        %get3A_585 = vector.shape_cast %get3A_584 : vector<1x16xf32> to vector<16xf32>
        %swap3A_586 = arith.constant 0 : i32
        %swap3A_587 = arith.index_cast %swap3A_586 : i32 to index
        %swap3A_588 = arith.index_cast %scan3A_581 : i32 to index
        %swap3A_589 = arith.constant 0 : index
        %swap3A_590 = tpu.vector_load %arg7[%swap3A_587, %swap3A_588, %swap3A_589] {strides = array<i32>} : memref<4x200x64xf32, #tpu.memory_space<vmem>>, vector<1x1x16xf32>,
        %swap3A_591 = vector.shape_cast %swap3A_590 : vector<1x1x16xf32> to vector<16xf32>
        %swap3A_592 = vector.shape_cast %get3A_585 : vector<16xf32> to vector<1x1x16xf32>
        tpu.vector_store %arg7[%swap3A_587, %swap3A_588, %swap3A_589], %swap3A_592 {add = true, strides = array<i32>} : memref<4x200x64xf32, #tpu.memory_space<vmem>>, vector<1x1x16xf32>,
        %get3A_593 = arith.index_cast %scan3A_581 : i32 to index
        %get3A_594 = arith.constant 16 : index
        %get3A_595 = tpu.vector_load %arg8[%get3A_593, %get3A_594] {strides = array<i32>} : memref<200x64xf32, #tpu.memory_space<vmem>>, vector<1x16xf32>,
        %get3A_596 = vector.shape_cast %get3A_595 : vector<1x16xf32> to vector<16xf32>
        %swap3A_597 = arith.constant 0 : i32
        %swap3A_598 = arith.index_cast %swap3A_597 : i32 to index
        %swap3A_599 = arith.index_cast %scan3A_581 : i32 to index
        %swap3A_600 = arith.constant 16 : index
        %swap3A_601 = tpu.vector_load %arg7[%swap3A_598, %swap3A_599, %swap3A_600] {strides = array<i32>} : memref<4x200x64xf32, #tpu.memory_space<vmem>>, vector<1x1x16xf32>,
        %swap3A_602 = vector.shape_cast %swap3A_601 : vector<1x1x16xf32> to vector<16xf32>
        %swap3A_603 = vector.shape_cast %get3A_596 : vector<16xf32> to vector<1x1x16xf32>
        tpu.vector_store %arg7[%swap3A_598, %swap3A_599, %swap3A_600], %swap3A_603 {add = true, strides = array<i32>} : memref<4x200x64xf32, #tpu.memory_space<vmem>>, vector<1x1x16xf32>,
        %get3A_604 = arith.index_cast %scan3A_581 : i32 to index
        %get3A_605 = arith.constant 32 : index
        %get3A_606 = tpu.vector_load %arg8[%get3A_604, %get3A_605] {strides = array<i32>} : memref<200x64xf32, #tpu.memory_space<vmem>>, vector<1x16xf32>,
        %get3A_607 = vector.shape_cast %get3A_606 : vector<1x16xf32> to vector<16xf32>
        %swap3A_608 = arith.constant 0 : i32
        %swap3A_609 = arith.index_cast %swap3A_608 : i32 to index
        %swap3A_610 = arith.index_cast %scan3A_581 : i32 to index
        %swap3A_611 = arith.constant 32 : index
        %swap3A_612 = tpu.vector_load %arg7[%swap3A_609, %swap3A_610, %swap3A_611] {strides = array<i32>} : memref<4x200x64xf32, #tpu.memory_space<vmem>>, vector<1x1x16xf32>,
        %swap3A_613 = vector.shape_cast %swap3A_612 : vector<1x1x16xf32> to vector<16xf32>
        %swap3A_614 = vector.shape_cast %get3A_607 : vector<16xf32> to vector<1x1x16xf32>
        tpu.vector_store %arg7[%swap3A_609, %swap3A_610, %swap3A_611], %swap3A_614 {add = true, strides = array<i32>} : memref<4x200x64xf32, #tpu.memory_space<vmem>>, vector<1x1x16xf32>,
        %get3A_615 = arith.index_cast %scan3A_581 : i32 to index
        %get3A_616 = arith.constant 48 : index
        %get3A_617 = tpu.vector_load %arg8[%get3A_615, %get3A_616] {strides = array<i32>} : memref<200x64xf32, #tpu.memory_space<vmem>>, vector<1x16xf32>,
        %get3A_618 = vector.shape_cast %get3A_617 : vector<1x16xf32> to vector<16xf32>
        %swap3A_619 = arith.constant 0 : i32
        %swap3A_620 = arith.index_cast %swap3A_619 : i32 to index
        %swap3A_621 = arith.index_cast %scan3A_581 : i32 to index
        %swap3A_622 = arith.constant 48 : index
        %swap3A_623 = tpu.vector_load %arg7[%swap3A_620, %swap3A_621, %swap3A_622] {strides = array<i32>} : memref<4x200x64xf32, #tpu.memory_space<vmem>>, vector<1x1x16xf32>,
        %swap3A_624 = vector.shape_cast %swap3A_623 : vector<1x1x16xf32> to vector<16xf32>
        %swap3A_625 = vector.shape_cast %get3A_618 : vector<16xf32> to vector<1x1x16xf32>
        tpu.vector_store %arg7[%swap3A_620, %swap3A_621, %swap3A_622], %swap3A_625 {add = true, strides = array<i32>} : memref<4x200x64xf32, #tpu.memory_space<vmem>>, vector<1x1x16xf32>,
        %scan3A_626 = arith.constant 5 : i32
        %scan3A_627 = arith.addi %scan3A_399, %scan3A_626 : i32
        %get3A_628 = arith.index_cast %scan3A_627 : i32 to index
        %get3A_629 = arith.constant 0 : index
        %get3A_630 = tpu.vector_load %arg8[%get3A_628, %get3A_629] {strides = array<i32>} : memref<200x64xf32, #tpu.memory_space<vmem>>, vector<1x16xf32>,
        %get3A_631 = vector.shape_cast %get3A_630 : vector<1x16xf32> to vector<16xf32>
        %swap3A_632 = arith.constant 0 : i32
        %swap3A_633 = arith.index_cast %swap3A_632 : i32 to index
        %swap3A_634 = arith.index_cast %scan3A_627 : i32 to index
        %swap3A_635 = arith.constant 0 : index
        %swap3A_636 = tpu.vector_load %arg7[%swap3A_633, %swap3A_634, %swap3A_635] {strides = array<i32>} : memref<4x200x64xf32, #tpu.memory_space<vmem>>, vector<1x1x16xf32>,
        %swap3A_637 = vector.shape_cast %swap3A_636 : vector<1x1x16xf32> to vector<16xf32>
        %swap3A_638 = vector.shape_cast %get3A_631 : vector<16xf32> to vector<1x1x16xf32>
        tpu.vector_store %arg7[%swap3A_633, %swap3A_634, %swap3A_635], %swap3A_638 {add = true, strides = array<i32>} : memref<4x200x64xf32, #tpu.memory_space<vmem>>, vector<1x1x16xf32>,
        %get3A_639 = arith.index_cast %scan3A_627 : i32 to index
        %get3A_640 = arith.constant 16 : index
        %get3A_641 = tpu.vector_load %arg8[%get3A_639, %get3A_640] {strides = array<i32>} : memref<200x64xf32, #tpu.memory_space<vmem>>, vector<1x16xf32>,
        %get3A_642 = vector.shape_cast %get3A_641 : vector<1x16xf32> to vector<16xf32>
        %swap3A_643 = arith.constant 0 : i32
        %swap3A_644 = arith.index_cast %swap3A_643 : i32 to index
        %swap3A_645 = arith.index_cast %scan3A_627 : i32 to index
        %swap3A_646 = arith.constant 16 : index
        %swap3A_647 = tpu.vector_load %arg7[%swap3A_644, %swap3A_645, %swap3A_646] {strides = array<i32>} : memref<4x200x64xf32, #tpu.memory_space<vmem>>, vector<1x1x16xf32>,
        %swap3A_648 = vector.shape_cast %swap3A_647 : vector<1x1x16xf32> to vector<16xf32>
        %swap3A_649 = vector.shape_cast %get3A_642 : vector<16xf32> to vector<1x1x16xf32>
        tpu.vector_store %arg7[%swap3A_644, %swap3A_645, %swap3A_646], %swap3A_649 {add = true, strides = array<i32>} : memref<4x200x64xf32, #tpu.memory_space<vmem>>, vector<1x1x16xf32>,
        %get3A_650 = arith.index_cast %scan3A_627 : i32 to index
        %get3A_651 = arith.constant 32 : index
        %get3A_652 = tpu.vector_load %arg8[%get3A_650, %get3A_651] {strides = array<i32>} : memref<200x64xf32, #tpu.memory_space<vmem>>, vector<1x16xf32>,
        %get3A_653 = vector.shape_cast %get3A_652 : vector<1x16xf32> to vector<16xf32>
        %swap3A_654 = arith.constant 0 : i32
        %swap3A_655 = arith.index_cast %swap3A_654 : i32 to index
        %swap3A_656 = arith.index_cast %scan3A_627 : i32 to index
        %swap3A_657 = arith.constant 32 : index
        %swap3A_658 = tpu.vector_load %arg7[%swap3A_655, %swap3A_656, %swap3A_657] {strides = array<i32>} : memref<4x200x64xf32, #tpu.memory_space<vmem>>, vector<1x1x16xf32>,
        %swap3A_659 = vector.shape_cast %swap3A_658 : vector<1x1x16xf32> to vector<16xf32>
        %swap3A_660 = vector.shape_cast %get3A_653 : vector<16xf32> to vector<1x1x16xf32>
        tpu.vector_store %arg7[%swap3A_655, %swap3A_656, %swap3A_657], %swap3A_660 {add = true, strides = array<i32>} : memref<4x200x64xf32, #tpu.memory_space<vmem>>, vector<1x1x16xf32>,
        %get3A_661 = arith.index_cast %scan3A_627 : i32 to index
        %get3A_662 = arith.constant 48 : index
        %get3A_663 = tpu.vector_load %arg8[%get3A_661, %get3A_662] {strides = array<i32>} : memref<200x64xf32, #tpu.memory_space<vmem>>, vector<1x16xf32>,
        %get3A_664 = vector.shape_cast %get3A_663 : vector<1x16xf32> to vector<16xf32>
        %swap3A_665 = arith.constant 0 : i32
        %swap3A_666 = arith.index_cast %swap3A_665 : i32 to index
        %swap3A_667 = arith.index_cast %scan3A_627 : i32 to index
        %swap3A_668 = arith.constant 48 : index
        %swap3A_669 = tpu.vector_load %arg7[%swap3A_666, %swap3A_667, %swap3A_668] {strides = array<i32>} : memref<4x200x64xf32, #tpu.memory_space<vmem>>, vector<1x1x16xf32>,
        %swap3A_670 = vector.shape_cast %swap3A_669 : vector<1x1x16xf32> to vector<16xf32>
        %swap3A_671 = vector.shape_cast %get3A_664 : vector<16xf32> to vector<1x1x16xf32>
        tpu.vector_store %arg7[%swap3A_666, %swap3A_667, %swap3A_668], %swap3A_671 {add = true, strides = array<i32>} : memref<4x200x64xf32, #tpu.memory_space<vmem>>, vector<1x1x16xf32>,
        %scan3A_672 = arith.constant 6 : i32
        %scan3A_673 = arith.addi %scan3A_399, %scan3A_672 : i32
        %get3A_674 = arith.index_cast %scan3A_673 : i32 to index
        %get3A_675 = arith.constant 0 : index
        %get3A_676 = tpu.vector_load %arg8[%get3A_674, %get3A_675] {strides = array<i32>} : memref<200x64xf32, #tpu.memory_space<vmem>>, vector<1x16xf32>,
        %get3A_677 = vector.shape_cast %get3A_676 : vector<1x16xf32> to vector<16xf32>
        %swap3A_678 = arith.constant 0 : i32
        %swap3A_679 = arith.index_cast %swap3A_678 : i32 to index
        %swap3A_680 = arith.index_cast %scan3A_673 : i32 to index
        %swap3A_681 = arith.constant 0 : index
        %swap3A_682 = tpu.vector_load %arg7[%swap3A_679, %swap3A_680, %swap3A_681] {strides = array<i32>} : memref<4x200x64xf32, #tpu.memory_space<vmem>>, vector<1x1x16xf32>,
        %swap3A_683 = vector.shape_cast %swap3A_682 : vector<1x1x16xf32> to vector<16xf32>
        %swap3A_684 = vector.shape_cast %get3A_677 : vector<16xf32> to vector<1x1x16xf32>
        tpu.vector_store %arg7[%swap3A_679, %swap3A_680, %swap3A_681], %swap3A_684 {add = true, strides = array<i32>} : memref<4x200x64xf32, #tpu.memory_space<vmem>>, vector<1x1x16xf32>,
        %get3A_685 = arith.index_cast %scan3A_673 : i32 to index
        %get3A_686 = arith.constant 16 : index
        %get3A_687 = tpu.vector_load %arg8[%get3A_685, %get3A_686] {strides = array<i32>} : memref<200x64xf32, #tpu.memory_space<vmem>>, vector<1x16xf32>,
        %get3A_688 = vector.shape_cast %get3A_687 : vector<1x16xf32> to vector<16xf32>
        %swap3A_689 = arith.constant 0 : i32
        %swap3A_690 = arith.index_cast %swap3A_689 : i32 to index
        %swap3A_691 = arith.index_cast %scan3A_673 : i32 to index
        %swap3A_692 = arith.constant 16 : index
        %swap3A_693 = tpu.vector_load %arg7[%swap3A_690, %swap3A_691, %swap3A_692] {strides = array<i32>} : memref<4x200x64xf32, #tpu.memory_space<vmem>>, vector<1x1x16xf32>,
        %swap3A_694 = vector.shape_cast %swap3A_693 : vector<1x1x16xf32> to vector<16xf32>
        %swap3A_695 = vector.shape_cast %get3A_688 : vector<16xf32> to vector<1x1x16xf32>
        tpu.vector_store %arg7[%swap3A_690, %swap3A_691, %swap3A_692], %swap3A_695 {add = true, strides = array<i32>} : memref<4x200x64xf32, #tpu.memory_space<vmem>>, vector<1x1x16xf32>,
        %get3A_696 = arith.index_cast %scan3A_673 : i32 to index
        %get3A_697 = arith.constant 32 : index
        %get3A_698 = tpu.vector_load %arg8[%get3A_696, %get3A_697] {strides = array<i32>} : memref<200x64xf32, #tpu.memory_space<vmem>>, vector<1x16xf32>,
        %get3A_699 = vector.shape_cast %get3A_698 : vector<1x16xf32> to vector<16xf32>
        %swap3A_700 = arith.constant 0 : i32
        %swap3A_701 = arith.index_cast %swap3A_700 : i32 to index
        %swap3A_702 = arith.index_cast %scan3A_673 : i32 to index
        %swap3A_703 = arith.constant 32 : index
        %swap3A_704 = tpu.vector_load %arg7[%swap3A_701, %swap3A_702, %swap3A_703] {strides = array<i32>} : memref<4x200x64xf32, #tpu.memory_space<vmem>>, vector<1x1x16xf32>,
        %swap3A_705 = vector.shape_cast %swap3A_704 : vector<1x1x16xf32> to vector<16xf32>
        %swap3A_706 = vector.shape_cast %get3A_699 : vector<16xf32> to vector<1x1x16xf32>
        tpu.vector_store %arg7[%swap3A_701, %swap3A_702, %swap3A_703], %swap3A_706 {add = true, strides = array<i32>} : memref<4x200x64xf32, #tpu.memory_space<vmem>>, vector<1x1x16xf32>,
        %get3A_707 = arith.index_cast %scan3A_673 : i32 to index
        %get3A_708 = arith.constant 48 : index
        %get3A_709 = tpu.vector_load %arg8[%get3A_707, %get3A_708] {strides = array<i32>} : memref<200x64xf32, #tpu.memory_space<vmem>>, vector<1x16xf32>,
        %get3A_710 = vector.shape_cast %get3A_709 : vector<1x16xf32> to vector<16xf32>
        %swap3A_711 = arith.constant 0 : i32
        %swap3A_712 = arith.index_cast %swap3A_711 : i32 to index
        %swap3A_713 = arith.index_cast %scan3A_673 : i32 to index
        %swap3A_714 = arith.constant 48 : index
        %swap3A_715 = tpu.vector_load %arg7[%swap3A_712, %swap3A_713, %swap3A_714] {strides = array<i32>} : memref<4x200x64xf32, #tpu.memory_space<vmem>>, vector<1x1x16xf32>,
        %swap3A_716 = vector.shape_cast %swap3A_715 : vector<1x1x16xf32> to vector<16xf32>
        %swap3A_717 = vector.shape_cast %get3A_710 : vector<16xf32> to vector<1x1x16xf32>
        tpu.vector_store %arg7[%swap3A_712, %swap3A_713, %swap3A_714], %swap3A_717 {add = true, strides = array<i32>} : memref<4x200x64xf32, #tpu.memory_space<vmem>>, vector<1x1x16xf32>,
        %scan3A_718 = arith.constant 7 : i32
        %scan3A_719 = arith.addi %scan3A_399, %scan3A_718 : i32
        %get3A_720 = arith.index_cast %scan3A_719 : i32 to index
        %get3A_721 = arith.constant 0 : index
        %get3A_722 = tpu.vector_load %arg8[%get3A_720, %get3A_721] {strides = array<i32>} : memref<200x64xf32, #tpu.memory_space<vmem>>, vector<1x16xf32>,
        %get3A_723 = vector.shape_cast %get3A_722 : vector<1x16xf32> to vector<16xf32>
        %swap3A_724 = arith.constant 0 : i32
        %swap3A_725 = arith.index_cast %swap3A_724 : i32 to index
        %swap3A_726 = arith.index_cast %scan3A_719 : i32 to index
        %swap3A_727 = arith.constant 0 : index
        %swap3A_728 = tpu.vector_load %arg7[%swap3A_725, %swap3A_726, %swap3A_727] {strides = array<i32>} : memref<4x200x64xf32, #tpu.memory_space<vmem>>, vector<1x1x16xf32>,
        %swap3A_729 = vector.shape_cast %swap3A_728 : vector<1x1x16xf32> to vector<16xf32>
        %swap3A_730 = vector.shape_cast %get3A_723 : vector<16xf32> to vector<1x1x16xf32>
        tpu.vector_store %arg7[%swap3A_725, %swap3A_726, %swap3A_727], %swap3A_730 {add = true, strides = array<i32>} : memref<4x200x64xf32, #tpu.memory_space<vmem>>, vector<1x1x16xf32>,
        %get3A_731 = arith.index_cast %scan3A_719 : i32 to index
        %get3A_732 = arith.constant 16 : index
        %get3A_733 = tpu.vector_load %arg8[%get3A_731, %get3A_732] {strides = array<i32>} : memref<200x64xf32, #tpu.memory_space<vmem>>, vector<1x16xf32>,
        %get3A_734 = vector.shape_cast %get3A_733 : vector<1x16xf32> to vector<16xf32>
        %swap3A_735 = arith.constant 0 : i32
        %swap3A_736 = arith.index_cast %swap3A_735 : i32 to index
        %swap3A_737 = arith.index_cast %scan3A_719 : i32 to index
        %swap3A_738 = arith.constant 16 : index
        %swap3A_739 = tpu.vector_load %arg7[%swap3A_736, %swap3A_737, %swap3A_738] {strides = array<i32>} : memref<4x200x64xf32, #tpu.memory_space<vmem>>, vector<1x1x16xf32>,
        %swap3A_740 = vector.shape_cast %swap3A_739 : vector<1x1x16xf32> to vector<16xf32>
        %swap3A_741 = vector.shape_cast %get3A_734 : vector<16xf32> to vector<1x1x16xf32>
        tpu.vector_store %arg7[%swap3A_736, %swap3A_737, %swap3A_738], %swap3A_741 {add = true, strides = array<i32>} : memref<4x200x64xf32, #tpu.memory_space<vmem>>, vector<1x1x16xf32>,
        %get3A_742 = arith.index_cast %scan3A_719 : i32 to index
        %get3A_743 = arith.constant 32 : index
        %get3A_744 = tpu.vector_load %arg8[%get3A_742, %get3A_743] {strides = array<i32>} : memref<200x64xf32, #tpu.memory_space<vmem>>, vector<1x16xf32>,
        %get3A_745 = vector.shape_cast %get3A_744 : vector<1x16xf32> to vector<16xf32>
        %swap3A_746 = arith.constant 0 : i32
        %swap3A_747 = arith.index_cast %swap3A_746 : i32 to index
        %swap3A_748 = arith.index_cast %scan3A_719 : i32 to index
        %swap3A_749 = arith.constant 32 : index
        %swap3A_750 = tpu.vector_load %arg7[%swap3A_747, %swap3A_748, %swap3A_749] {strides = array<i32>} : memref<4x200x64xf32, #tpu.memory_space<vmem>>, vector<1x1x16xf32>,
        %swap3A_751 = vector.shape_cast %swap3A_750 : vector<1x1x16xf32> to vector<16xf32>
        %swap3A_752 = vector.shape_cast %get3A_745 : vector<16xf32> to vector<1x1x16xf32>
        tpu.vector_store %arg7[%swap3A_747, %swap3A_748, %swap3A_749], %swap3A_752 {add = true, strides = array<i32>} : memref<4x200x64xf32, #tpu.memory_space<vmem>>, vector<1x1x16xf32>,
        %get3A_753 = arith.index_cast %scan3A_719 : i32 to index
        %get3A_754 = arith.constant 48 : index
        %get3A_755 = tpu.vector_load %arg8[%get3A_753, %get3A_754] {strides = array<i32>} : memref<200x64xf32, #tpu.memory_space<vmem>>, vector<1x16xf32>,
        %get3A_756 = vector.shape_cast %get3A_755 : vector<1x16xf32> to vector<16xf32>
        %swap3A_757 = arith.constant 0 : i32
        %swap3A_758 = arith.index_cast %swap3A_757 : i32 to index
        %swap3A_759 = arith.index_cast %scan3A_719 : i32 to index
        %swap3A_760 = arith.constant 48 : index
        %swap3A_761 = tpu.vector_load %arg7[%swap3A_758, %swap3A_759, %swap3A_760] {strides = array<i32>} : memref<4x200x64xf32, #tpu.memory_space<vmem>>, vector<1x1x16xf32>,
        %swap3A_762 = vector.shape_cast %swap3A_761 : vector<1x1x16xf32> to vector<16xf32>
        %swap3A_763 = vector.shape_cast %get3A_756 : vector<16xf32> to vector<1x1x16xf32>
        tpu.vector_store %arg7[%swap3A_758, %swap3A_759, %swap3A_760], %swap3A_763 {add = true, strides = array<i32>} : memref<4x200x64xf32, #tpu.memory_space<vmem>>, vector<1x1x16xf32>,
      }
      %scan3A_156 = arith.constant 200 : i32
      %add3A_157 = arith.addi %mul3A_2, %add3A_120 : i32
      %dma_start3A_158 = arith.constant 0 : i32
      %dma_start3A_159 = arith.constant 0 : i32
      %dma_start3A_160 = arith.constant 0 : i32
      %dma_start3A_161 = arith.constant 0 : i32
      %dma_start3A_162 = tpu.memref_slice %arg7[%dma_start3A_158, %dma_start3A_160, %dma_start3A_161] : memref<4x200x64xf32, #tpu.memory_space<vmem>> -> memref<1x200x64xf32, #tpu.memory_space<vmem>>
      %dma_start3A_163 = tpu.memref_squeeze %dma_start3A_162 : memref<1x200x64xf32, #tpu.memory_space<vmem>> -> memref<200x64xf32, #tpu.memory_space<vmem>>
      %dma_start3A_164 = arith.constant 0 : i32
      %dma_start3A_165 = arith.constant 0 : i32
      %dma_start3A_166 = tpu.memref_slice %arg5[%add3A_157, %dma_start3A_164, %dma_start3A_165] : memref<4096x200x128xf32, #tpu.memory_space<hbm>> -> memref<1x200x64xf32, #tpu.memory_space<hbm>>
      %dma_start3A_167 = tpu.memref_squeeze %dma_start3A_166 : memref<1x200x64xf32, #tpu.memory_space<hbm>> -> memref<200x64xf32, #tpu.memory_space<hbm>>
      %dma_start3A_168 = tpu.memref_slice %arg10[%dma_start3A_159] : memref<4x!tpu.dma_semaphore, #tpu.memory_space<semaphore_mem>> -> memref<1x!tpu.dma_semaphore, #tpu.memory_space<semaphore_mem>>
      %dma_start3A_169 = tpu.memref_squeeze %dma_start3A_168 : memref<1x!tpu.dma_semaphore, #tpu.memory_space<semaphore_mem>> -> memref<!tpu.dma_semaphore, #tpu.memory_space<semaphore_mem>>
      %dma_start3A_170 = arith.constant 0 : i32
      %dma_start3A_171 = arith.constant 0 : i32
      %dma_start3A_172 = tpu.memref_slice %arg5[%add3A_157, %dma_start3A_170, %dma_start3A_171] : memref<4096x200x128xf32, #tpu.memory_space<hbm>> -> memref<1x200x64xf32, #tpu.memory_space<hbm>>
      %dma_start3A_173 = tpu.memref_squeeze %dma_start3A_172 : memref<1x200x64xf32, #tpu.memory_space<hbm>> -> memref<200x64xf32, #tpu.memory_space<hbm>>
      %dma_start3A_174 = arith.constant 0 : i32
      %dma_start3A_175 = arith.constant 0 : i32
      %dma_start3A_176 = tpu.memref_slice %arg7[%dma_start3A_158, %dma_start3A_174, %dma_start3A_175] : memref<4x200x64xf32, #tpu.memory_space<vmem>> -> memref<1x200x64xf32, #tpu.memory_space<vmem>>
      %dma_start3A_177 = tpu.memref_squeeze %dma_start3A_176 : memref<1x200x64xf32, #tpu.memory_space<vmem>> -> memref<200x64xf32, #tpu.memory_space<vmem>>
      tpu.enqueue_dma source(%dma_start3A_177 : memref<200x64xf32, #tpu.memory_space<vmem>>) target(%dma_start3A_173 : memref<200x64xf32, #tpu.memory_space<hbm>>) target_semaphore(%dma_start3A_169 : memref<!tpu.dma_semaphore, #tpu.memory_space<semaphore_mem>>)
      %ge3A = arith.constant 1 : i32
      %ge3A_178 = arith.cmpi sge, %add3A_120, %ge3A : i32
      %convert_element_type3A = arith.extui %ge3A_178 : i1 to i32
      %cond3A = arith.constant 0 : i32
      %cond3A_179 = arith.cmpi ne, %convert_element_type3A, %cond3A : i32
      scf.if %cond3A_179 {
        %dma_wait3A_399 = arith.constant 3 : i32
        %dma_wait3A_400 = arith.constant 3 : i32
        %dma_wait3A_401 = arith.constant 0 : i32
        %dma_wait3A_402 = arith.constant 0 : i32
        %dma_wait3A_403 = tpu.memref_slice %arg7[%dma_wait3A_399, %dma_wait3A_401, %dma_wait3A_402] : memref<4x200x64xf32, #tpu.memory_space<vmem>> -> memref<1x200x64xf32, #tpu.memory_space<vmem>>
        %dma_wait3A_404 = tpu.memref_squeeze %dma_wait3A_403 : memref<1x200x64xf32, #tpu.memory_space<vmem>> -> memref<200x64xf32, #tpu.memory_space<vmem>>
        %dma_wait3A_405 = arith.constant 0 : i32
        %dma_wait3A_406 = arith.constant 0 : i32
        %dma_wait3A_407 = tpu.memref_slice %arg5[%mul3A_2, %dma_wait3A_405, %dma_wait3A_406] : memref<4096x200x128xf32, #tpu.memory_space<hbm>> -> memref<1x200x64xf32, #tpu.memory_space<hbm>>
        %dma_wait3A_408 = tpu.memref_squeeze %dma_wait3A_407 : memref<1x200x64xf32, #tpu.memory_space<hbm>> -> memref<200x64xf32, #tpu.memory_space<hbm>>
        %dma_wait3A_409 = tpu.memref_slice %arg10[%dma_wait3A_400] : memref<4x!tpu.dma_semaphore, #tpu.memory_space<semaphore_mem>> -> memref<1x!tpu.dma_semaphore, #tpu.memory_space<semaphore_mem>>
        %dma_wait3A_410 = tpu.memref_squeeze %dma_wait3A_409 : memref<1x!tpu.dma_semaphore, #tpu.memory_space<semaphore_mem>> -> memref<!tpu.dma_semaphore, #tpu.memory_space<semaphore_mem>>
        %dma_wait3A_411 = arith.constant 0 : i32
        %dma_wait3A_412 = arith.constant 0 : i32
        %dma_wait3A_413 = tpu.memref_slice %arg5[%mul3A_2, %dma_wait3A_411, %dma_wait3A_412] : memref<4096x200x128xf32, #tpu.memory_space<hbm>> -> memref<1x200x64xf32, #tpu.memory_space<hbm>>
        %dma_wait3A_414 = tpu.memref_squeeze %dma_wait3A_413 : memref<1x200x64xf32, #tpu.memory_space<hbm>> -> memref<200x64xf32, #tpu.memory_space<hbm>>
        %dma_wait3A_415 = arith.constant 0 : i32
        %dma_wait3A_416 = arith.constant 0 : i32
        %dma_wait3A_417 = tpu.memref_slice %arg7[%dma_wait3A_399, %dma_wait3A_415, %dma_wait3A_416] : memref<4x200x64xf32, #tpu.memory_space<vmem>> -> memref<1x200x64xf32, #tpu.memory_space<vmem>>
        %dma_wait3A_418 = tpu.memref_squeeze %dma_wait3A_417 : memref<1x200x64xf32, #tpu.memory_space<vmem>> -> memref<200x64xf32, #tpu.memory_space<vmem>>
        tpu.wait_dma2 semaphore(%dma_wait3A_410 : memref<!tpu.dma_semaphore, #tpu.memory_space<semaphore_mem>>) src(%dma_wait3A_418 : memref<200x64xf32, #tpu.memory_space<vmem>>) dst(%dma_wait3A_414 : memref<200x64xf32, #tpu.memory_space<hbm>>)
      } else {
      }
      %add3A_180 = arith.constant 3 : i32
      %add3A_181 = arith.addi %add3A_120, %add3A_180 : i32
      %lt3A = arith.constant 128 : i32
      %lt3A_182 = arith.cmpi slt, %add3A_181, %lt3A : i32
      %convert_element_type3A_183 = arith.extui %lt3A_182 : i1 to i32
      %cond3A_184 = arith.constant 0 : i32
      %cond3A_185 = arith.cmpi ne, %convert_element_type3A_183, %cond3A_184 : i32
      scf.if %cond3A_185 {
        %add3A_399 = arith.constant 3 : i32
        %add3A_400 = arith.addi %add3A_120, %add3A_399 : i32
        %dma_start3A_401 = arith.constant 3 : i32
        %dma_start3A_402 = arith.constant 3 : i32
        %dma_start3A_403 = arith.constant 0 : i32
        %dma_start3A_404 = arith.constant 0 : i32
        %dma_start3A_405 = tpu.memref_slice %arg7[%dma_start3A_401, %dma_start3A_403, %dma_start3A_404] : memref<4x200x64xf32, #tpu.memory_space<vmem>> -> memref<1x104x64xf32, #tpu.memory_space<vmem>>
        %dma_start3A_406 = tpu.memref_squeeze %dma_start3A_405 : memref<1x104x64xf32, #tpu.memory_space<vmem>> -> memref<104x64xf32, #tpu.memory_space<vmem>>
        %dma_start3A_407 = arith.constant 0 : i32
        %dma_start3A_408 = tpu.memref_slice %arg6[%add3A_400, %dma_start3A_407] : memref<128x200xi32, #tpu.memory_space<vmem>> -> memref<1x104xi32, #tpu.memory_space<vmem>>
        %dma_start3A_409 = tpu.memref_squeeze %dma_start3A_408 : memref<1x104xi32, #tpu.memory_space<vmem>> -> memref<104xi32, #tpu.memory_space<vmem>>
        %dma_start3A_410 = arith.constant 0 : i32
        %dma_start3A_411 = arith.constant 0 : i32
        %dma_start3A_412 = tpu.memref_slice %arg3[%dma_start3A_410, %dma_start3A_411] : memref<100000x64xf32, #tpu.memory_space<hbm>> -> memref<100000x64xf32, #tpu.memory_space<hbm>>
        %dma_start3A_413 = tpu.memref_slice %arg9[%dma_start3A_402] : memref<4x!tpu.dma_semaphore, #tpu.memory_space<semaphore_mem>> -> memref<1x!tpu.dma_semaphore, #tpu.memory_space<semaphore_mem>>
        %dma_start3A_414 = tpu.memref_squeeze %dma_start3A_413 : memref<1x!tpu.dma_semaphore, #tpu.memory_space<semaphore_mem>> -> memref<!tpu.dma_semaphore, #tpu.memory_space<semaphore_mem>>
        tpu.enqueue_indirect_dma source(%dma_start3A_412 : memref<100000x64xf32, #tpu.memory_space<hbm>>) target(%dma_start3A_406 : memref<104x64xf32, #tpu.memory_space<vmem>>) offsets(%dma_start3A_409 : memref<104xi32, #tpu.memory_space<vmem>>) semaphore(%dma_start3A_414 : memref<!tpu.dma_semaphore, #tpu.memory_space<semaphore_mem>>)
        %dma_start3A_415 = arith.constant 3 : i32
        %dma_start3A_416 = arith.constant 3 : i32
        %dma_start3A_417 = arith.constant 104 : i32
        %dma_start3A_418 = arith.constant 0 : i32
        %dma_start3A_419 = tpu.memref_slice %arg7[%dma_start3A_415, %dma_start3A_417, %dma_start3A_418] : memref<4x200x64xf32, #tpu.memory_space<vmem>> -> memref<1x96x64xf32, #tpu.memory_space<vmem>>
        %dma_start3A_420 = tpu.memref_squeeze %dma_start3A_419 : memref<1x96x64xf32, #tpu.memory_space<vmem>> -> memref<96x64xf32, #tpu.memory_space<vmem>>
        %dma_start3A_421 = arith.constant 104 : i32
        %dma_start3A_422 = tpu.memref_slice %arg6[%add3A_400, %dma_start3A_421] : memref<128x200xi32, #tpu.memory_space<vmem>> -> memref<1x96xi32, #tpu.memory_space<vmem>>
        %dma_start3A_423 = tpu.memref_squeeze %dma_start3A_422 : memref<1x96xi32, #tpu.memory_space<vmem>> -> memref<96xi32, #tpu.memory_space<vmem>>
        %dma_start3A_424 = arith.constant 0 : i32
        %dma_start3A_425 = arith.constant 0 : i32
        %dma_start3A_426 = tpu.memref_slice %arg3[%dma_start3A_424, %dma_start3A_425] : memref<100000x64xf32, #tpu.memory_space<hbm>> -> memref<100000x64xf32, #tpu.memory_space<hbm>>
        %dma_start3A_427 = tpu.memref_slice %arg9[%dma_start3A_416] : memref<4x!tpu.dma_semaphore, #tpu.memory_space<semaphore_mem>> -> memref<1x!tpu.dma_semaphore, #tpu.memory_space<semaphore_mem>>
        %dma_start3A_428 = tpu.memref_squeeze %dma_start3A_427 : memref<1x!tpu.dma_semaphore, #tpu.memory_space<semaphore_mem>> -> memref<!tpu.dma_semaphore, #tpu.memory_space<semaphore_mem>>
        tpu.enqueue_indirect_dma source(%dma_start3A_426 : memref<100000x64xf32, #tpu.memory_space<hbm>>) target(%dma_start3A_420 : memref<96x64xf32, #tpu.memory_space<vmem>>) offsets(%dma_start3A_423 : memref<96xi32, #tpu.memory_space<vmem>>) semaphore(%dma_start3A_428 : memref<!tpu.dma_semaphore, #tpu.memory_space<semaphore_mem>>)
      } else {
      }
      %add3A_186 = arith.constant 1 : i32
      %add3A_187 = arith.addi %mul3A_118, %add3A_186 : i32
      %dma_wait3A_188 = arith.constant 0 : i32
      %dma_wait3A_189 = arith.constant 1 : i32
      %dma_wait3A_190 = arith.constant 1 : i32
      %dma_wait3A_191 = arith.constant 0 : i32
      %dma_wait3A_192 = arith.constant 0 : i32
      %dma_wait3A_193 = tpu.memref_slice %arg7[%dma_wait3A_189, %dma_wait3A_191, %dma_wait3A_192] : memref<4x200x64xf32, #tpu.memory_space<vmem>> -> memref<1x104x64xf32, #tpu.memory_space<vmem>>
      %dma_wait3A_194 = tpu.memref_squeeze %dma_wait3A_193 : memref<1x104x64xf32, #tpu.memory_space<vmem>> -> memref<104x64xf32, #tpu.memory_space<vmem>>
      %dma_wait3A_195 = arith.constant 0 : i32
      %dma_wait3A_196 = tpu.memref_slice %arg6[%dma_wait3A_188, %dma_wait3A_195] : memref<128x200xi32, #tpu.memory_space<vmem>> -> memref<1x104xi32, #tpu.memory_space<vmem>>
      %dma_wait3A_197 = tpu.memref_squeeze %dma_wait3A_196 : memref<1x104xi32, #tpu.memory_space<vmem>> -> memref<104xi32, #tpu.memory_space<vmem>>
      %dma_wait3A_198 = arith.constant 0 : i32
      %dma_wait3A_199 = arith.constant 0 : i32
      %dma_wait3A_200 = tpu.memref_slice %arg3[%dma_wait3A_198, %dma_wait3A_199] : memref<100000x64xf32, #tpu.memory_space<hbm>> -> memref<100000x64xf32, #tpu.memory_space<hbm>>
      %dma_wait3A_201 = tpu.memref_slice %arg9[%dma_wait3A_190] : memref<4x!tpu.dma_semaphore, #tpu.memory_space<semaphore_mem>> -> memref<1x!tpu.dma_semaphore, #tpu.memory_space<semaphore_mem>>
      %dma_wait3A_202 = tpu.memref_squeeze %dma_wait3A_201 : memref<1x!tpu.dma_semaphore, #tpu.memory_space<semaphore_mem>> -> memref<!tpu.dma_semaphore, #tpu.memory_space<semaphore_mem>>
      tpu.wait_indirect_dma semaphore(%dma_wait3A_202 : memref<!tpu.dma_semaphore, #tpu.memory_space<semaphore_mem>>) src(%dma_wait3A_200 : memref<100000x64xf32, #tpu.memory_space<hbm>>) dst(%dma_wait3A_194 : memref<104x64xf32, #tpu.memory_space<vmem>>)
      %dma_wait3A_203 = arith.constant 0 : i32
      %dma_wait3A_204 = arith.constant 1 : i32
      %dma_wait3A_205 = arith.constant 1 : i32
      %dma_wait3A_206 = arith.constant 104 : i32
      %dma_wait3A_207 = arith.constant 0 : i32
      %dma_wait3A_208 = tpu.memref_slice %arg7[%dma_wait3A_204, %dma_wait3A_206, %dma_wait3A_207] : memref<4x200x64xf32, #tpu.memory_space<vmem>> -> memref<1x96x64xf32, #tpu.memory_space<vmem>>
      %dma_wait3A_209 = tpu.memref_squeeze %dma_wait3A_208 : memref<1x96x64xf32, #tpu.memory_space<vmem>> -> memref<96x64xf32, #tpu.memory_space<vmem>>
      %dma_wait3A_210 = arith.constant 104 : i32
      %dma_wait3A_211 = tpu.memref_slice %arg6[%dma_wait3A_203, %dma_wait3A_210] : memref<128x200xi32, #tpu.memory_space<vmem>> -> memref<1x96xi32, #tpu.memory_space<vmem>>
      %dma_wait3A_212 = tpu.memref_squeeze %dma_wait3A_211 : memref<1x96xi32, #tpu.memory_space<vmem>> -> memref<96xi32, #tpu.memory_space<vmem>>
      %dma_wait3A_213 = arith.constant 0 : i32
      %dma_wait3A_214 = arith.constant 0 : i32
      %dma_wait3A_215 = tpu.memref_slice %arg3[%dma_wait3A_213, %dma_wait3A_214] : memref<100000x64xf32, #tpu.memory_space<hbm>> -> memref<100000x64xf32, #tpu.memory_space<hbm>>
      %dma_wait3A_216 = tpu.memref_slice %arg9[%dma_wait3A_205] : memref<4x!tpu.dma_semaphore, #tpu.memory_space<semaphore_mem>> -> memref<1x!tpu.dma_semaphore, #tpu.memory_space<semaphore_mem>>
      %dma_wait3A_217 = tpu.memref_squeeze %dma_wait3A_216 : memref<1x!tpu.dma_semaphore, #tpu.memory_space<semaphore_mem>> -> memref<!tpu.dma_semaphore, #tpu.memory_space<semaphore_mem>>
      tpu.wait_indirect_dma semaphore(%dma_wait3A_217 : memref<!tpu.dma_semaphore, #tpu.memory_space<semaphore_mem>>) src(%dma_wait3A_215 : memref<100000x64xf32, #tpu.memory_space<hbm>>) dst(%dma_wait3A_209 : memref<96x64xf32, #tpu.memory_space<vmem>>)
      %scan3A_218 = arith.constant 0 : i32
      %scan3A_219 = arith.constant 0 : i32
      %scan3A_220 = arith.constant 200 : i32
      %scan3A_221 = arith.addi %scan3A_219, %scan3A_220 : i32
      %scan3A_222 = arith.constant 8 : i32
      scf.for %scan3A_399 = %scan3A_219 to %scan3A_221 step %scan3A_222  : i32 {
        %get3A = arith.index_cast %scan3A_399 : i32 to index
        %get3A_400 = arith.constant 0 : index
        %get3A_401 = tpu.vector_load %arg8[%get3A, %get3A_400] {strides = array<i32>} : memref<200x64xf32, #tpu.memory_space<vmem>>, vector<1x16xf32>,
        %get3A_402 = vector.shape_cast %get3A_401 : vector<1x16xf32> to vector<16xf32>
        %swap3A = arith.constant 1 : i32
        %swap3A_403 = arith.index_cast %swap3A : i32 to index
        %swap3A_404 = arith.index_cast %scan3A_399 : i32 to index
        %swap3A_405 = arith.constant 0 : index
        %swap3A_406 = tpu.vector_load %arg7[%swap3A_403, %swap3A_404, %swap3A_405] {strides = array<i32>} : memref<4x200x64xf32, #tpu.memory_space<vmem>>, vector<1x1x16xf32>,
        %swap3A_407 = vector.shape_cast %swap3A_406 : vector<1x1x16xf32> to vector<16xf32>
        %swap3A_408 = vector.shape_cast %get3A_402 : vector<16xf32> to vector<1x1x16xf32>
        tpu.vector_store %arg7[%swap3A_403, %swap3A_404, %swap3A_405], %swap3A_408 {add = true, strides = array<i32>} : memref<4x200x64xf32, #tpu.memory_space<vmem>>, vector<1x1x16xf32>,
        %get3A_409 = arith.index_cast %scan3A_399 : i32 to index
        %get3A_410 = arith.constant 16 : index
        %get3A_411 = tpu.vector_load %arg8[%get3A_409, %get3A_410] {strides = array<i32>} : memref<200x64xf32, #tpu.memory_space<vmem>>, vector<1x16xf32>,
        %get3A_412 = vector.shape_cast %get3A_411 : vector<1x16xf32> to vector<16xf32>
        %swap3A_413 = arith.constant 1 : i32
        %swap3A_414 = arith.index_cast %swap3A_413 : i32 to index
        %swap3A_415 = arith.index_cast %scan3A_399 : i32 to index
        %swap3A_416 = arith.constant 16 : index
        %swap3A_417 = tpu.vector_load %arg7[%swap3A_414, %swap3A_415, %swap3A_416] {strides = array<i32>} : memref<4x200x64xf32, #tpu.memory_space<vmem>>, vector<1x1x16xf32>,
        %swap3A_418 = vector.shape_cast %swap3A_417 : vector<1x1x16xf32> to vector<16xf32>
        %swap3A_419 = vector.shape_cast %get3A_412 : vector<16xf32> to vector<1x1x16xf32>
        tpu.vector_store %arg7[%swap3A_414, %swap3A_415, %swap3A_416], %swap3A_419 {add = true, strides = array<i32>} : memref<4x200x64xf32, #tpu.memory_space<vmem>>, vector<1x1x16xf32>,
        %get3A_420 = arith.index_cast %scan3A_399 : i32 to index
        %get3A_421 = arith.constant 32 : index
        %get3A_422 = tpu.vector_load %arg8[%get3A_420, %get3A_421] {strides = array<i32>} : memref<200x64xf32, #tpu.memory_space<vmem>>, vector<1x16xf32>,
        %get3A_423 = vector.shape_cast %get3A_422 : vector<1x16xf32> to vector<16xf32>
        %swap3A_424 = arith.constant 1 : i32
        %swap3A_425 = arith.index_cast %swap3A_424 : i32 to index
        %swap3A_426 = arith.index_cast %scan3A_399 : i32 to index
        %swap3A_427 = arith.constant 32 : index
        %swap3A_428 = tpu.vector_load %arg7[%swap3A_425, %swap3A_426, %swap3A_427] {strides = array<i32>} : memref<4x200x64xf32, #tpu.memory_space<vmem>>, vector<1x1x16xf32>,
        %swap3A_429 = vector.shape_cast %swap3A_428 : vector<1x1x16xf32> to vector<16xf32>
        %swap3A_430 = vector.shape_cast %get3A_423 : vector<16xf32> to vector<1x1x16xf32>
        tpu.vector_store %arg7[%swap3A_425, %swap3A_426, %swap3A_427], %swap3A_430 {add = true, strides = array<i32>} : memref<4x200x64xf32, #tpu.memory_space<vmem>>, vector<1x1x16xf32>,
        %get3A_431 = arith.index_cast %scan3A_399 : i32 to index
        %get3A_432 = arith.constant 48 : index
        %get3A_433 = tpu.vector_load %arg8[%get3A_431, %get3A_432] {strides = array<i32>} : memref<200x64xf32, #tpu.memory_space<vmem>>, vector<1x16xf32>,
        %get3A_434 = vector.shape_cast %get3A_433 : vector<1x16xf32> to vector<16xf32>
        %swap3A_435 = arith.constant 1 : i32
        %swap3A_436 = arith.index_cast %swap3A_435 : i32 to index
        %swap3A_437 = arith.index_cast %scan3A_399 : i32 to index
        %swap3A_438 = arith.constant 48 : index
        %swap3A_439 = tpu.vector_load %arg7[%swap3A_436, %swap3A_437, %swap3A_438] {strides = array<i32>} : memref<4x200x64xf32, #tpu.memory_space<vmem>>, vector<1x1x16xf32>,
        %swap3A_440 = vector.shape_cast %swap3A_439 : vector<1x1x16xf32> to vector<16xf32>
        %swap3A_441 = vector.shape_cast %get3A_434 : vector<16xf32> to vector<1x1x16xf32>
        tpu.vector_store %arg7[%swap3A_436, %swap3A_437, %swap3A_438], %swap3A_441 {add = true, strides = array<i32>} : memref<4x200x64xf32, #tpu.memory_space<vmem>>, vector<1x1x16xf32>,
        %scan3A_442 = arith.constant 1 : i32
        %scan3A_443 = arith.addi %scan3A_399, %scan3A_442 : i32
        %get3A_444 = arith.index_cast %scan3A_443 : i32 to index
        %get3A_445 = arith.constant 0 : index
        %get3A_446 = tpu.vector_load %arg8[%get3A_444, %get3A_445] {strides = array<i32>} : memref<200x64xf32, #tpu.memory_space<vmem>>, vector<1x16xf32>,
        %get3A_447 = vector.shape_cast %get3A_446 : vector<1x16xf32> to vector<16xf32>
        %swap3A_448 = arith.constant 1 : i32
        %swap3A_449 = arith.index_cast %swap3A_448 : i32 to index
        %swap3A_450 = arith.index_cast %scan3A_443 : i32 to index
        %swap3A_451 = arith.constant 0 : index
        %swap3A_452 = tpu.vector_load %arg7[%swap3A_449, %swap3A_450, %swap3A_451] {strides = array<i32>} : memref<4x200x64xf32, #tpu.memory_space<vmem>>, vector<1x1x16xf32>,
        %swap3A_453 = vector.shape_cast %swap3A_452 : vector<1x1x16xf32> to vector<16xf32>
        %swap3A_454 = vector.shape_cast %get3A_447 : vector<16xf32> to vector<1x1x16xf32>
        tpu.vector_store %arg7[%swap3A_449, %swap3A_450, %swap3A_451], %swap3A_454 {add = true, strides = array<i32>} : memref<4x200x64xf32, #tpu.memory_space<vmem>>, vector<1x1x16xf32>,
        %get3A_455 = arith.index_cast %scan3A_443 : i32 to index
        %get3A_456 = arith.constant 16 : index
        %get3A_457 = tpu.vector_load %arg8[%get3A_455, %get3A_456] {strides = array<i32>} : memref<200x64xf32, #tpu.memory_space<vmem>>, vector<1x16xf32>,
        %get3A_458 = vector.shape_cast %get3A_457 : vector<1x16xf32> to vector<16xf32>
        %swap3A_459 = arith.constant 1 : i32
        %swap3A_460 = arith.index_cast %swap3A_459 : i32 to index
        %swap3A_461 = arith.index_cast %scan3A_443 : i32 to index
        %swap3A_462 = arith.constant 16 : index
        %swap3A_463 = tpu.vector_load %arg7[%swap3A_460, %swap3A_461, %swap3A_462] {strides = array<i32>} : memref<4x200x64xf32, #tpu.memory_space<vmem>>, vector<1x1x16xf32>,
        %swap3A_464 = vector.shape_cast %swap3A_463 : vector<1x1x16xf32> to vector<16xf32>
        %swap3A_465 = vector.shape_cast %get3A_458 : vector<16xf32> to vector<1x1x16xf32>
        tpu.vector_store %arg7[%swap3A_460, %swap3A_461, %swap3A_462], %swap3A_465 {add = true, strides = array<i32>} : memref<4x200x64xf32, #tpu.memory_space<vmem>>, vector<1x1x16xf32>,
        %get3A_466 = arith.index_cast %scan3A_443 : i32 to index
        %get3A_467 = arith.constant 32 : index
        %get3A_468 = tpu.vector_load %arg8[%get3A_466, %get3A_467] {strides = array<i32>} : memref<200x64xf32, #tpu.memory_space<vmem>>, vector<1x16xf32>,
        %get3A_469 = vector.shape_cast %get3A_468 : vector<1x16xf32> to vector<16xf32>
        %swap3A_470 = arith.constant 1 : i32
        %swap3A_471 = arith.index_cast %swap3A_470 : i32 to index
        %swap3A_472 = arith.index_cast %scan3A_443 : i32 to index
        %swap3A_473 = arith.constant 32 : index
        %swap3A_474 = tpu.vector_load %arg7[%swap3A_471, %swap3A_472, %swap3A_473] {strides = array<i32>} : memref<4x200x64xf32, #tpu.memory_space<vmem>>, vector<1x1x16xf32>,
        %swap3A_475 = vector.shape_cast %swap3A_474 : vector<1x1x16xf32> to vector<16xf32>
        %swap3A_476 = vector.shape_cast %get3A_469 : vector<16xf32> to vector<1x1x16xf32>
        tpu.vector_store %arg7[%swap3A_471, %swap3A_472, %swap3A_473], %swap3A_476 {add = true, strides = array<i32>} : memref<4x200x64xf32, #tpu.memory_space<vmem>>, vector<1x1x16xf32>,
        %get3A_477 = arith.index_cast %scan3A_443 : i32 to index
        %get3A_478 = arith.constant 48 : index
        %get3A_479 = tpu.vector_load %arg8[%get3A_477, %get3A_478] {strides = array<i32>} : memref<200x64xf32, #tpu.memory_space<vmem>>, vector<1x16xf32>,
        %get3A_480 = vector.shape_cast %get3A_479 : vector<1x16xf32> to vector<16xf32>
        %swap3A_481 = arith.constant 1 : i32
        %swap3A_482 = arith.index_cast %swap3A_481 : i32 to index
        %swap3A_483 = arith.index_cast %scan3A_443 : i32 to index
        %swap3A_484 = arith.constant 48 : index
        %swap3A_485 = tpu.vector_load %arg7[%swap3A_482, %swap3A_483, %swap3A_484] {strides = array<i32>} : memref<4x200x64xf32, #tpu.memory_space<vmem>>, vector<1x1x16xf32>,
        %swap3A_486 = vector.shape_cast %swap3A_485 : vector<1x1x16xf32> to vector<16xf32>
        %swap3A_487 = vector.shape_cast %get3A_480 : vector<16xf32> to vector<1x1x16xf32>
        tpu.vector_store %arg7[%swap3A_482, %swap3A_483, %swap3A_484], %swap3A_487 {add = true, strides = array<i32>} : memref<4x200x64xf32, #tpu.memory_space<vmem>>, vector<1x1x16xf32>,
        %scan3A_488 = arith.constant 2 : i32
        %scan3A_489 = arith.addi %scan3A_399, %scan3A_488 : i32
        %get3A_490 = arith.index_cast %scan3A_489 : i32 to index
        %get3A_491 = arith.constant 0 : index
        %get3A_492 = tpu.vector_load %arg8[%get3A_490, %get3A_491] {strides = array<i32>} : memref<200x64xf32, #tpu.memory_space<vmem>>, vector<1x16xf32>,
        %get3A_493 = vector.shape_cast %get3A_492 : vector<1x16xf32> to vector<16xf32>
        %swap3A_494 = arith.constant 1 : i32
        %swap3A_495 = arith.index_cast %swap3A_494 : i32 to index
        %swap3A_496 = arith.index_cast %scan3A_489 : i32 to index
        %swap3A_497 = arith.constant 0 : index
        %swap3A_498 = tpu.vector_load %arg7[%swap3A_495, %swap3A_496, %swap3A_497] {strides = array<i32>} : memref<4x200x64xf32, #tpu.memory_space<vmem>>, vector<1x1x16xf32>,
        %swap3A_499 = vector.shape_cast %swap3A_498 : vector<1x1x16xf32> to vector<16xf32>
        %swap3A_500 = vector.shape_cast %get3A_493 : vector<16xf32> to vector<1x1x16xf32>
        tpu.vector_store %arg7[%swap3A_495, %swap3A_496, %swap3A_497], %swap3A_500 {add = true, strides = array<i32>} : memref<4x200x64xf32, #tpu.memory_space<vmem>>, vector<1x1x16xf32>,
        %get3A_501 = arith.index_cast %scan3A_489 : i32 to index
        %get3A_502 = arith.constant 16 : index
        %get3A_503 = tpu.vector_load %arg8[%get3A_501, %get3A_502] {strides = array<i32>} : memref<200x64xf32, #tpu.memory_space<vmem>>, vector<1x16xf32>,
        %get3A_504 = vector.shape_cast %get3A_503 : vector<1x16xf32> to vector<16xf32>
        %swap3A_505 = arith.constant 1 : i32
        %swap3A_506 = arith.index_cast %swap3A_505 : i32 to index
        %swap3A_507 = arith.index_cast %scan3A_489 : i32 to index
        %swap3A_508 = arith.constant 16 : index
        %swap3A_509 = tpu.vector_load %arg7[%swap3A_506, %swap3A_507, %swap3A_508] {strides = array<i32>} : memref<4x200x64xf32, #tpu.memory_space<vmem>>, vector<1x1x16xf32>,
        %swap3A_510 = vector.shape_cast %swap3A_509 : vector<1x1x16xf32> to vector<16xf32>
        %swap3A_511 = vector.shape_cast %get3A_504 : vector<16xf32> to vector<1x1x16xf32>
        tpu.vector_store %arg7[%swap3A_506, %swap3A_507, %swap3A_508], %swap3A_511 {add = true, strides = array<i32>} : memref<4x200x64xf32, #tpu.memory_space<vmem>>, vector<1x1x16xf32>,
        %get3A_512 = arith.index_cast %scan3A_489 : i32 to index
        %get3A_513 = arith.constant 32 : index
        %get3A_514 = tpu.vector_load %arg8[%get3A_512, %get3A_513] {strides = array<i32>} : memref<200x64xf32, #tpu.memory_space<vmem>>, vector<1x16xf32>,
        %get3A_515 = vector.shape_cast %get3A_514 : vector<1x16xf32> to vector<16xf32>
        %swap3A_516 = arith.constant 1 : i32
        %swap3A_517 = arith.index_cast %swap3A_516 : i32 to index
        %swap3A_518 = arith.index_cast %scan3A_489 : i32 to index
        %swap3A_519 = arith.constant 32 : index
        %swap3A_520 = tpu.vector_load %arg7[%swap3A_517, %swap3A_518, %swap3A_519] {strides = array<i32>} : memref<4x200x64xf32, #tpu.memory_space<vmem>>, vector<1x1x16xf32>,
        %swap3A_521 = vector.shape_cast %swap3A_520 : vector<1x1x16xf32> to vector<16xf32>
        %swap3A_522 = vector.shape_cast %get3A_515 : vector<16xf32> to vector<1x1x16xf32>
        tpu.vector_store %arg7[%swap3A_517, %swap3A_518, %swap3A_519], %swap3A_522 {add = true, strides = array<i32>} : memref<4x200x64xf32, #tpu.memory_space<vmem>>, vector<1x1x16xf32>,
        %get3A_523 = arith.index_cast %scan3A_489 : i32 to index
        %get3A_524 = arith.constant 48 : index
        %get3A_525 = tpu.vector_load %arg8[%get3A_523, %get3A_524] {strides = array<i32>} : memref<200x64xf32, #tpu.memory_space<vmem>>, vector<1x16xf32>,
        %get3A_526 = vector.shape_cast %get3A_525 : vector<1x16xf32> to vector<16xf32>
        %swap3A_527 = arith.constant 1 : i32
        %swap3A_528 = arith.index_cast %swap3A_527 : i32 to index
        %swap3A_529 = arith.index_cast %scan3A_489 : i32 to index
        %swap3A_530 = arith.constant 48 : index
        %swap3A_531 = tpu.vector_load %arg7[%swap3A_528, %swap3A_529, %swap3A_530] {strides = array<i32>} : memref<4x200x64xf32, #tpu.memory_space<vmem>>, vector<1x1x16xf32>,
        %swap3A_532 = vector.shape_cast %swap3A_531 : vector<1x1x16xf32> to vector<16xf32>
        %swap3A_533 = vector.shape_cast %get3A_526 : vector<16xf32> to vector<1x1x16xf32>
        tpu.vector_store %arg7[%swap3A_528, %swap3A_529, %swap3A_530], %swap3A_533 {add = true, strides = array<i32>} : memref<4x200x64xf32, #tpu.memory_space<vmem>>, vector<1x1x16xf32>,
        %scan3A_534 = arith.constant 3 : i32
        %scan3A_535 = arith.addi %scan3A_399, %scan3A_534 : i32
        %get3A_536 = arith.index_cast %scan3A_535 : i32 to index
        %get3A_537 = arith.constant 0 : index
        %get3A_538 = tpu.vector_load %arg8[%get3A_536, %get3A_537] {strides = array<i32>} : memref<200x64xf32, #tpu.memory_space<vmem>>, vector<1x16xf32>,
        %get3A_539 = vector.shape_cast %get3A_538 : vector<1x16xf32> to vector<16xf32>
        %swap3A_540 = arith.constant 1 : i32
        %swap3A_541 = arith.index_cast %swap3A_540 : i32 to index
        %swap3A_542 = arith.index_cast %scan3A_535 : i32 to index
        %swap3A_543 = arith.constant 0 : index
        %swap3A_544 = tpu.vector_load %arg7[%swap3A_541, %swap3A_542, %swap3A_543] {strides = array<i32>} : memref<4x200x64xf32, #tpu.memory_space<vmem>>, vector<1x1x16xf32>,
        %swap3A_545 = vector.shape_cast %swap3A_544 : vector<1x1x16xf32> to vector<16xf32>
        %swap3A_546 = vector.shape_cast %get3A_539 : vector<16xf32> to vector<1x1x16xf32>
        tpu.vector_store %arg7[%swap3A_541, %swap3A_542, %swap3A_543], %swap3A_546 {add = true, strides = array<i32>} : memref<4x200x64xf32, #tpu.memory_space<vmem>>, vector<1x1x16xf32>,
        %get3A_547 = arith.index_cast %scan3A_535 : i32 to index
        %get3A_548 = arith.constant 16 : index
        %get3A_549 = tpu.vector_load %arg8[%get3A_547, %get3A_548] {strides = array<i32>} : memref<200x64xf32, #tpu.memory_space<vmem>>, vector<1x16xf32>,
        %get3A_550 = vector.shape_cast %get3A_549 : vector<1x16xf32> to vector<16xf32>
        %swap3A_551 = arith.constant 1 : i32
        %swap3A_552 = arith.index_cast %swap3A_551 : i32 to index
        %swap3A_553 = arith.index_cast %scan3A_535 : i32 to index
        %swap3A_554 = arith.constant 16 : index
        %swap3A_555 = tpu.vector_load %arg7[%swap3A_552, %swap3A_553, %swap3A_554] {strides = array<i32>} : memref<4x200x64xf32, #tpu.memory_space<vmem>>, vector<1x1x16xf32>,
        %swap3A_556 = vector.shape_cast %swap3A_555 : vector<1x1x16xf32> to vector<16xf32>
        %swap3A_557 = vector.shape_cast %get3A_550 : vector<16xf32> to vector<1x1x16xf32>
        tpu.vector_store %arg7[%swap3A_552, %swap3A_553, %swap3A_554], %swap3A_557 {add = true, strides = array<i32>} : memref<4x200x64xf32, #tpu.memory_space<vmem>>, vector<1x1x16xf32>,
        %get3A_558 = arith.index_cast %scan3A_535 : i32 to index
        %get3A_559 = arith.constant 32 : index
        %get3A_560 = tpu.vector_load %arg8[%get3A_558, %get3A_559] {strides = array<i32>} : memref<200x64xf32, #tpu.memory_space<vmem>>, vector<1x16xf32>,
        %get3A_561 = vector.shape_cast %get3A_560 : vector<1x16xf32> to vector<16xf32>
        %swap3A_562 = arith.constant 1 : i32
        %swap3A_563 = arith.index_cast %swap3A_562 : i32 to index
        %swap3A_564 = arith.index_cast %scan3A_535 : i32 to index
        %swap3A_565 = arith.constant 32 : index
        %swap3A_566 = tpu.vector_load %arg7[%swap3A_563, %swap3A_564, %swap3A_565] {strides = array<i32>} : memref<4x200x64xf32, #tpu.memory_space<vmem>>, vector<1x1x16xf32>,
        %swap3A_567 = vector.shape_cast %swap3A_566 : vector<1x1x16xf32> to vector<16xf32>
        %swap3A_568 = vector.shape_cast %get3A_561 : vector<16xf32> to vector<1x1x16xf32>
        tpu.vector_store %arg7[%swap3A_563, %swap3A_564, %swap3A_565], %swap3A_568 {add = true, strides = array<i32>} : memref<4x200x64xf32, #tpu.memory_space<vmem>>, vector<1x1x16xf32>,
        %get3A_569 = arith.index_cast %scan3A_535 : i32 to index
        %get3A_570 = arith.constant 48 : index
        %get3A_571 = tpu.vector_load %arg8[%get3A_569, %get3A_570] {strides = array<i32>} : memref<200x64xf32, #tpu.memory_space<vmem>>, vector<1x16xf32>,
        %get3A_572 = vector.shape_cast %get3A_571 : vector<1x16xf32> to vector<16xf32>
        %swap3A_573 = arith.constant 1 : i32
        %swap3A_574 = arith.index_cast %swap3A_573 : i32 to index
        %swap3A_575 = arith.index_cast %scan3A_535 : i32 to index
        %swap3A_576 = arith.constant 48 : index
        %swap3A_577 = tpu.vector_load %arg7[%swap3A_574, %swap3A_575, %swap3A_576] {strides = array<i32>} : memref<4x200x64xf32, #tpu.memory_space<vmem>>, vector<1x1x16xf32>,
        %swap3A_578 = vector.shape_cast %swap3A_577 : vector<1x1x16xf32> to vector<16xf32>
        %swap3A_579 = vector.shape_cast %get3A_572 : vector<16xf32> to vector<1x1x16xf32>
        tpu.vector_store %arg7[%swap3A_574, %swap3A_575, %swap3A_576], %swap3A_579 {add = true, strides = array<i32>} : memref<4x200x64xf32, #tpu.memory_space<vmem>>, vector<1x1x16xf32>,
        %scan3A_580 = arith.constant 4 : i32
        %scan3A_581 = arith.addi %scan3A_399, %scan3A_580 : i32
        %get3A_582 = arith.index_cast %scan3A_581 : i32 to index
        %get3A_583 = arith.constant 0 : index
        %get3A_584 = tpu.vector_load %arg8[%get3A_582, %get3A_583] {strides = array<i32>} : memref<200x64xf32, #tpu.memory_space<vmem>>, vector<1x16xf32>,
        %get3A_585 = vector.shape_cast %get3A_584 : vector<1x16xf32> to vector<16xf32>
        %swap3A_586 = arith.constant 1 : i32
        %swap3A_587 = arith.index_cast %swap3A_586 : i32 to index
        %swap3A_588 = arith.index_cast %scan3A_581 : i32 to index
        %swap3A_589 = arith.constant 0 : index
        %swap3A_590 = tpu.vector_load %arg7[%swap3A_587, %swap3A_588, %swap3A_589] {strides = array<i32>} : memref<4x200x64xf32, #tpu.memory_space<vmem>>, vector<1x1x16xf32>,
        %swap3A_591 = vector.shape_cast %swap3A_590 : vector<1x1x16xf32> to vector<16xf32>
        %swap3A_592 = vector.shape_cast %get3A_585 : vector<16xf32> to vector<1x1x16xf32>
        tpu.vector_store %arg7[%swap3A_587, %swap3A_588, %swap3A_589], %swap3A_592 {add = true, strides = array<i32>} : memref<4x200x64xf32, #tpu.memory_space<vmem>>, vector<1x1x16xf32>,
        %get3A_593 = arith.index_cast %scan3A_581 : i32 to index
        %get3A_594 = arith.constant 16 : index
        %get3A_595 = tpu.vector_load %arg8[%get3A_593, %get3A_594] {strides = array<i32>} : memref<200x64xf32, #tpu.memory_space<vmem>>, vector<1x16xf32>,
        %get3A_596 = vector.shape_cast %get3A_595 : vector<1x16xf32> to vector<16xf32>
        %swap3A_597 = arith.constant 1 : i32
        %swap3A_598 = arith.index_cast %swap3A_597 : i32 to index
        %swap3A_599 = arith.index_cast %scan3A_581 : i32 to index
        %swap3A_600 = arith.constant 16 : index
        %swap3A_601 = tpu.vector_load %arg7[%swap3A_598, %swap3A_599, %swap3A_600] {strides = array<i32>} : memref<4x200x64xf32, #tpu.memory_space<vmem>>, vector<1x1x16xf32>,
        %swap3A_602 = vector.shape_cast %swap3A_601 : vector<1x1x16xf32> to vector<16xf32>
        %swap3A_603 = vector.shape_cast %get3A_596 : vector<16xf32> to vector<1x1x16xf32>
        tpu.vector_store %arg7[%swap3A_598, %swap3A_599, %swap3A_600], %swap3A_603 {add = true, strides = array<i32>} : memref<4x200x64xf32, #tpu.memory_space<vmem>>, vector<1x1x16xf32>,
        %get3A_604 = arith.index_cast %scan3A_581 : i32 to index
        %get3A_605 = arith.constant 32 : index
        %get3A_606 = tpu.vector_load %arg8[%get3A_604, %get3A_605] {strides = array<i32>} : memref<200x64xf32, #tpu.memory_space<vmem>>, vector<1x16xf32>,
        %get3A_607 = vector.shape_cast %get3A_606 : vector<1x16xf32> to vector<16xf32>
        %swap3A_608 = arith.constant 1 : i32
        %swap3A_609 = arith.index_cast %swap3A_608 : i32 to index
        %swap3A_610 = arith.index_cast %scan3A_581 : i32 to index
        %swap3A_611 = arith.constant 32 : index
        %swap3A_612 = tpu.vector_load %arg7[%swap3A_609, %swap3A_610, %swap3A_611] {strides = array<i32>} : memref<4x200x64xf32, #tpu.memory_space<vmem>>, vector<1x1x16xf32>,
        %swap3A_613 = vector.shape_cast %swap3A_612 : vector<1x1x16xf32> to vector<16xf32>
        %swap3A_614 = vector.shape_cast %get3A_607 : vector<16xf32> to vector<1x1x16xf32>
        tpu.vector_store %arg7[%swap3A_609, %swap3A_610, %swap3A_611], %swap3A_614 {add = true, strides = array<i32>} : memref<4x200x64xf32, #tpu.memory_space<vmem>>, vector<1x1x16xf32>,
        %get3A_615 = arith.index_cast %scan3A_581 : i32 to index
        %get3A_616 = arith.constant 48 : index
        %get3A_617 = tpu.vector_load %arg8[%get3A_615, %get3A_616] {strides = array<i32>} : memref<200x64xf32, #tpu.memory_space<vmem>>, vector<1x16xf32>,
        %get3A_618 = vector.shape_cast %get3A_617 : vector<1x16xf32> to vector<16xf32>
        %swap3A_619 = arith.constant 1 : i32
        %swap3A_620 = arith.index_cast %swap3A_619 : i32 to index
        %swap3A_621 = arith.index_cast %scan3A_581 : i32 to index
        %swap3A_622 = arith.constant 48 : index
        %swap3A_623 = tpu.vector_load %arg7[%swap3A_620, %swap3A_621, %swap3A_622] {strides = array<i32>} : memref<4x200x64xf32, #tpu.memory_space<vmem>>, vector<1x1x16xf32>,
        %swap3A_624 = vector.shape_cast %swap3A_623 : vector<1x1x16xf32> to vector<16xf32>
        %swap3A_625 = vector.shape_cast %get3A_618 : vector<16xf32> to vector<1x1x16xf32>
        tpu.vector_store %arg7[%swap3A_620, %swap3A_621, %swap3A_622], %swap3A_625 {add = true, strides = array<i32>} : memref<4x200x64xf32, #tpu.memory_space<vmem>>, vector<1x1x16xf32>,
        %scan3A_626 = arith.constant 5 : i32
        %scan3A_627 = arith.addi %scan3A_399, %scan3A_626 : i32
        %get3A_628 = arith.index_cast %scan3A_627 : i32 to index
        %get3A_629 = arith.constant 0 : index
        %get3A_630 = tpu.vector_load %arg8[%get3A_628, %get3A_629] {strides = array<i32>} : memref<200x64xf32, #tpu.memory_space<vmem>>, vector<1x16xf32>,
        %get3A_631 = vector.shape_cast %get3A_630 : vector<1x16xf32> to vector<16xf32>
        %swap3A_632 = arith.constant 1 : i32
        %swap3A_633 = arith.index_cast %swap3A_632 : i32 to index
        %swap3A_634 = arith.index_cast %scan3A_627 : i32 to index
        %swap3A_635 = arith.constant 0 : index
        %swap3A_636 = tpu.vector_load %arg7[%swap3A_633, %swap3A_634, %swap3A_635] {strides = array<i32>} : memref<4x200x64xf32, #tpu.memory_space<vmem>>, vector<1x1x16xf32>,
        %swap3A_637 = vector.shape_cast %swap3A_636 : vector<1x1x16xf32> to vector<16xf32>
        %swap3A_638 = vector.shape_cast %get3A_631 : vector<16xf32> to vector<1x1x16xf32>
        tpu.vector_store %arg7[%swap3A_633, %swap3A_634, %swap3A_635], %swap3A_638 {add = true, strides = array<i32>} : memref<4x200x64xf32, #tpu.memory_space<vmem>>, vector<1x1x16xf32>,
        %get3A_639 = arith.index_cast %scan3A_627 : i32 to index
        %get3A_640 = arith.constant 16 : index
        %get3A_641 = tpu.vector_load %arg8[%get3A_639, %get3A_640] {strides = array<i32>} : memref<200x64xf32, #tpu.memory_space<vmem>>, vector<1x16xf32>,
        %get3A_642 = vector.shape_cast %get3A_641 : vector<1x16xf32> to vector<16xf32>
        %swap3A_643 = arith.constant 1 : i32
        %swap3A_644 = arith.index_cast %swap3A_643 : i32 to index
        %swap3A_645 = arith.index_cast %scan3A_627 : i32 to index
        %swap3A_646 = arith.constant 16 : index
        %swap3A_647 = tpu.vector_load %arg7[%swap3A_644, %swap3A_645, %swap3A_646] {strides = array<i32>} : memref<4x200x64xf32, #tpu.memory_space<vmem>>, vector<1x1x16xf32>,
        %swap3A_648 = vector.shape_cast %swap3A_647 : vector<1x1x16xf32> to vector<16xf32>
        %swap3A_649 = vector.shape_cast %get3A_642 : vector<16xf32> to vector<1x1x16xf32>
        tpu.vector_store %arg7[%swap3A_644, %swap3A_645, %swap3A_646], %swap3A_649 {add = true, strides = array<i32>} : memref<4x200x64xf32, #tpu.memory_space<vmem>>, vector<1x1x16xf32>,
        %get3A_650 = arith.index_cast %scan3A_627 : i32 to index
        %get3A_651 = arith.constant 32 : index
        %get3A_652 = tpu.vector_load %arg8[%get3A_650, %get3A_651] {strides = array<i32>} : memref<200x64xf32, #tpu.memory_space<vmem>>, vector<1x16xf32>,
        %get3A_653 = vector.shape_cast %get3A_652 : vector<1x16xf32> to vector<16xf32>
        %swap3A_654 = arith.constant 1 : i32
        %swap3A_655 = arith.index_cast %swap3A_654 : i32 to index
        %swap3A_656 = arith.index_cast %scan3A_627 : i32 to index
        %swap3A_657 = arith.constant 32 : index
        %swap3A_658 = tpu.vector_load %arg7[%swap3A_655, %swap3A_656, %swap3A_657] {strides = array<i32>} : memref<4x200x64xf32, #tpu.memory_space<vmem>>, vector<1x1x16xf32>,
        %swap3A_659 = vector.shape_cast %swap3A_658 : vector<1x1x16xf32> to vector<16xf32>
        %swap3A_660 = vector.shape_cast %get3A_653 : vector<16xf32> to vector<1x1x16xf32>
        tpu.vector_store %arg7[%swap3A_655, %swap3A_656, %swap3A_657], %swap3A_660 {add = true, strides = array<i32>} : memref<4x200x64xf32, #tpu.memory_space<vmem>>, vector<1x1x16xf32>,
        %get3A_661 = arith.index_cast %scan3A_627 : i32 to index
        %get3A_662 = arith.constant 48 : index
        %get3A_663 = tpu.vector_load %arg8[%get3A_661, %get3A_662] {strides = array<i32>} : memref<200x64xf32, #tpu.memory_space<vmem>>, vector<1x16xf32>,
        %get3A_664 = vector.shape_cast %get3A_663 : vector<1x16xf32> to vector<16xf32>
        %swap3A_665 = arith.constant 1 : i32
        %swap3A_666 = arith.index_cast %swap3A_665 : i32 to index
        %swap3A_667 = arith.index_cast %scan3A_627 : i32 to index
        %swap3A_668 = arith.constant 48 : index
        %swap3A_669 = tpu.vector_load %arg7[%swap3A_666, %swap3A_667, %swap3A_668] {strides = array<i32>} : memref<4x200x64xf32, #tpu.memory_space<vmem>>, vector<1x1x16xf32>,
        %swap3A_670 = vector.shape_cast %swap3A_669 : vector<1x1x16xf32> to vector<16xf32>
        %swap3A_671 = vector.shape_cast %get3A_664 : vector<16xf32> to vector<1x1x16xf32>
        tpu.vector_store %arg7[%swap3A_666, %swap3A_667, %swap3A_668], %swap3A_671 {add = true, strides = array<i32>} : memref<4x200x64xf32, #tpu.memory_space<vmem>>, vector<1x1x16xf32>,
        %scan3A_672 = arith.constant 6 : i32
        %scan3A_673 = arith.addi %scan3A_399, %scan3A_672 : i32
        %get3A_674 = arith.index_cast %scan3A_673 : i32 to index
        %get3A_675 = arith.constant 0 : index
        %get3A_676 = tpu.vector_load %arg8[%get3A_674, %get3A_675] {strides = array<i32>} : memref<200x64xf32, #tpu.memory_space<vmem>>, vector<1x16xf32>,
        %get3A_677 = vector.shape_cast %get3A_676 : vector<1x16xf32> to vector<16xf32>
        %swap3A_678 = arith.constant 1 : i32
        %swap3A_679 = arith.index_cast %swap3A_678 : i32 to index
        %swap3A_680 = arith.index_cast %scan3A_673 : i32 to index
        %swap3A_681 = arith.constant 0 : index
        %swap3A_682 = tpu.vector_load %arg7[%swap3A_679, %swap3A_680, %swap3A_681] {strides = array<i32>} : memref<4x200x64xf32, #tpu.memory_space<vmem>>, vector<1x1x16xf32>,
        %swap3A_683 = vector.shape_cast %swap3A_682 : vector<1x1x16xf32> to vector<16xf32>
        %swap3A_684 = vector.shape_cast %get3A_677 : vector<16xf32> to vector<1x1x16xf32>
        tpu.vector_store %arg7[%swap3A_679, %swap3A_680, %swap3A_681], %swap3A_684 {add = true, strides = array<i32>} : memref<4x200x64xf32, #tpu.memory_space<vmem>>, vector<1x1x16xf32>,
        %get3A_685 = arith.index_cast %scan3A_673 : i32 to index
        %get3A_686 = arith.constant 16 : index
        %get3A_687 = tpu.vector_load %arg8[%get3A_685, %get3A_686] {strides = array<i32>} : memref<200x64xf32, #tpu.memory_space<vmem>>, vector<1x16xf32>,
        %get3A_688 = vector.shape_cast %get3A_687 : vector<1x16xf32> to vector<16xf32>
        %swap3A_689 = arith.constant 1 : i32
        %swap3A_690 = arith.index_cast %swap3A_689 : i32 to index
        %swap3A_691 = arith.index_cast %scan3A_673 : i32 to index
        %swap3A_692 = arith.constant 16 : index
        %swap3A_693 = tpu.vector_load %arg7[%swap3A_690, %swap3A_691, %swap3A_692] {strides = array<i32>} : memref<4x200x64xf32, #tpu.memory_space<vmem>>, vector<1x1x16xf32>,
        %swap3A_694 = vector.shape_cast %swap3A_693 : vector<1x1x16xf32> to vector<16xf32>
        %swap3A_695 = vector.shape_cast %get3A_688 : vector<16xf32> to vector<1x1x16xf32>
        tpu.vector_store %arg7[%swap3A_690, %swap3A_691, %swap3A_692], %swap3A_695 {add = true, strides = array<i32>} : memref<4x200x64xf32, #tpu.memory_space<vmem>>, vector<1x1x16xf32>,
        %get3A_696 = arith.index_cast %scan3A_673 : i32 to index
        %get3A_697 = arith.constant 32 : index
        %get3A_698 = tpu.vector_load %arg8[%get3A_696, %get3A_697] {strides = array<i32>} : memref<200x64xf32, #tpu.memory_space<vmem>>, vector<1x16xf32>,
        %get3A_699 = vector.shape_cast %get3A_698 : vector<1x16xf32> to vector<16xf32>
        %swap3A_700 = arith.constant 1 : i32
        %swap3A_701 = arith.index_cast %swap3A_700 : i32 to index
        %swap3A_702 = arith.index_cast %scan3A_673 : i32 to index
        %swap3A_703 = arith.constant 32 : index
        %swap3A_704 = tpu.vector_load %arg7[%swap3A_701, %swap3A_702, %swap3A_703] {strides = array<i32>} : memref<4x200x64xf32, #tpu.memory_space<vmem>>, vector<1x1x16xf32>,
        %swap3A_705 = vector.shape_cast %swap3A_704 : vector<1x1x16xf32> to vector<16xf32>
        %swap3A_706 = vector.shape_cast %get3A_699 : vector<16xf32> to vector<1x1x16xf32>
        tpu.vector_store %arg7[%swap3A_701, %swap3A_702, %swap3A_703], %swap3A_706 {add = true, strides = array<i32>} : memref<4x200x64xf32, #tpu.memory_space<vmem>>, vector<1x1x16xf32>,
        %get3A_707 = arith.index_cast %scan3A_673 : i32 to index
        %get3A_708 = arith.constant 48 : index
        %get3A_709 = tpu.vector_load %arg8[%get3A_707, %get3A_708] {strides = array<i32>} : memref<200x64xf32, #tpu.memory_space<vmem>>, vector<1x16xf32>,
        %get3A_710 = vector.shape_cast %get3A_709 : vector<1x16xf32> to vector<16xf32>
        %swap3A_711 = arith.constant 1 : i32
        %swap3A_712 = arith.index_cast %swap3A_711 : i32 to index
        %swap3A_713 = arith.index_cast %scan3A_673 : i32 to index
        %swap3A_714 = arith.constant 48 : index
        %swap3A_715 = tpu.vector_load %arg7[%swap3A_712, %swap3A_713, %swap3A_714] {strides = array<i32>} : memref<4x200x64xf32, #tpu.memory_space<vmem>>, vector<1x1x16xf32>,
        %swap3A_716 = vector.shape_cast %swap3A_715 : vector<1x1x16xf32> to vector<16xf32>
        %swap3A_717 = vector.shape_cast %get3A_710 : vector<16xf32> to vector<1x1x16xf32>
        tpu.vector_store %arg7[%swap3A_712, %swap3A_713, %swap3A_714], %swap3A_717 {add = true, strides = array<i32>} : memref<4x200x64xf32, #tpu.memory_space<vmem>>, vector<1x1x16xf32>,
        %scan3A_718 = arith.constant 7 : i32
        %scan3A_719 = arith.addi %scan3A_399, %scan3A_718 : i32
        %get3A_720 = arith.index_cast %scan3A_719 : i32 to index
        %get3A_721 = arith.constant 0 : index
        %get3A_722 = tpu.vector_load %arg8[%get3A_720, %get3A_721] {strides = array<i32>} : memref<200x64xf32, #tpu.memory_space<vmem>>, vector<1x16xf32>,
        %get3A_723 = vector.shape_cast %get3A_722 : vector<1x16xf32> to vector<16xf32>
        %swap3A_724 = arith.constant 1 : i32
        %swap3A_725 = arith.index_cast %swap3A_724 : i32 to index
        %swap3A_726 = arith.index_cast %scan3A_719 : i32 to index
        %swap3A_727 = arith.constant 0 : index
        %swap3A_728 = tpu.vector_load %arg7[%swap3A_725, %swap3A_726, %swap3A_727] {strides = array<i32>} : memref<4x200x64xf32, #tpu.memory_space<vmem>>, vector<1x1x16xf32>,
        %swap3A_729 = vector.shape_cast %swap3A_728 : vector<1x1x16xf32> to vector<16xf32>
        %swap3A_730 = vector.shape_cast %get3A_723 : vector<16xf32> to vector<1x1x16xf32>
        tpu.vector_store %arg7[%swap3A_725, %swap3A_726, %swap3A_727], %swap3A_730 {add = true, strides = array<i32>} : memref<4x200x64xf32, #tpu.memory_space<vmem>>, vector<1x1x16xf32>,
        %get3A_731 = arith.index_cast %scan3A_719 : i32 to index
        %get3A_732 = arith.constant 16 : index
        %get3A_733 = tpu.vector_load %arg8[%get3A_731, %get3A_732] {strides = array<i32>} : memref<200x64xf32, #tpu.memory_space<vmem>>, vector<1x16xf32>,
        %get3A_734 = vector.shape_cast %get3A_733 : vector<1x16xf32> to vector<16xf32>
        %swap3A_735 = arith.constant 1 : i32
        %swap3A_736 = arith.index_cast %swap3A_735 : i32 to index
        %swap3A_737 = arith.index_cast %scan3A_719 : i32 to index
        %swap3A_738 = arith.constant 16 : index
        %swap3A_739 = tpu.vector_load %arg7[%swap3A_736, %swap3A_737, %swap3A_738] {strides = array<i32>} : memref<4x200x64xf32, #tpu.memory_space<vmem>>, vector<1x1x16xf32>,
        %swap3A_740 = vector.shape_cast %swap3A_739 : vector<1x1x16xf32> to vector<16xf32>
        %swap3A_741 = vector.shape_cast %get3A_734 : vector<16xf32> to vector<1x1x16xf32>
        tpu.vector_store %arg7[%swap3A_736, %swap3A_737, %swap3A_738], %swap3A_741 {add = true, strides = array<i32>} : memref<4x200x64xf32, #tpu.memory_space<vmem>>, vector<1x1x16xf32>,
        %get3A_742 = arith.index_cast %scan3A_719 : i32 to index
        %get3A_743 = arith.constant 32 : index
        %get3A_744 = tpu.vector_load %arg8[%get3A_742, %get3A_743] {strides = array<i32>} : memref<200x64xf32, #tpu.memory_space<vmem>>, vector<1x16xf32>,
        %get3A_745 = vector.shape_cast %get3A_744 : vector<1x16xf32> to vector<16xf32>
        %swap3A_746 = arith.constant 1 : i32
        %swap3A_747 = arith.index_cast %swap3A_746 : i32 to index
        %swap3A_748 = arith.index_cast %scan3A_719 : i32 to index
        %swap3A_749 = arith.constant 32 : index
        %swap3A_750 = tpu.vector_load %arg7[%swap3A_747, %swap3A_748, %swap3A_749] {strides = array<i32>} : memref<4x200x64xf32, #tpu.memory_space<vmem>>, vector<1x1x16xf32>,
        %swap3A_751 = vector.shape_cast %swap3A_750 : vector<1x1x16xf32> to vector<16xf32>
        %swap3A_752 = vector.shape_cast %get3A_745 : vector<16xf32> to vector<1x1x16xf32>
        tpu.vector_store %arg7[%swap3A_747, %swap3A_748, %swap3A_749], %swap3A_752 {add = true, strides = array<i32>} : memref<4x200x64xf32, #tpu.memory_space<vmem>>, vector<1x1x16xf32>,
        %get3A_753 = arith.index_cast %scan3A_719 : i32 to index
        %get3A_754 = arith.constant 48 : index
        %get3A_755 = tpu.vector_load %arg8[%get3A_753, %get3A_754] {strides = array<i32>} : memref<200x64xf32, #tpu.memory_space<vmem>>, vector<1x16xf32>,
        %get3A_756 = vector.shape_cast %get3A_755 : vector<1x16xf32> to vector<16xf32>
        %swap3A_757 = arith.constant 1 : i32
        %swap3A_758 = arith.index_cast %swap3A_757 : i32 to index
        %swap3A_759 = arith.index_cast %scan3A_719 : i32 to index
        %swap3A_760 = arith.constant 48 : index
        %swap3A_761 = tpu.vector_load %arg7[%swap3A_758, %swap3A_759, %swap3A_760] {strides = array<i32>} : memref<4x200x64xf32, #tpu.memory_space<vmem>>, vector<1x1x16xf32>,
        %swap3A_762 = vector.shape_cast %swap3A_761 : vector<1x1x16xf32> to vector<16xf32>
        %swap3A_763 = vector.shape_cast %get3A_756 : vector<16xf32> to vector<1x1x16xf32>
        tpu.vector_store %arg7[%swap3A_758, %swap3A_759, %swap3A_760], %swap3A_763 {add = true, strides = array<i32>} : memref<4x200x64xf32, #tpu.memory_space<vmem>>, vector<1x1x16xf32>,
      }
      %scan3A_223 = arith.constant 200 : i32
      %add3A_224 = arith.addi %mul3A_2, %add3A_187 : i32
      %dma_start3A_225 = arith.constant 1 : i32
      %dma_start3A_226 = arith.constant 1 : i32
      %dma_start3A_227 = arith.constant 0 : i32
      %dma_start3A_228 = arith.constant 0 : i32
      %dma_start3A_229 = tpu.memref_slice %arg7[%dma_start3A_225, %dma_start3A_227, %dma_start3A_228] : memref<4x200x64xf32, #tpu.memory_space<vmem>> -> memref<1x200x64xf32, #tpu.memory_space<vmem>>
      %dma_start3A_230 = tpu.memref_squeeze %dma_start3A_229 : memref<1x200x64xf32, #tpu.memory_space<vmem>> -> memref<200x64xf32, #tpu.memory_space<vmem>>
      %dma_start3A_231 = arith.constant 0 : i32
      %dma_start3A_232 = arith.constant 0 : i32
      %dma_start3A_233 = tpu.memref_slice %arg5[%add3A_224, %dma_start3A_231, %dma_start3A_232] : memref<4096x200x128xf32, #tpu.memory_space<hbm>> -> memref<1x200x64xf32, #tpu.memory_space<hbm>>
      %dma_start3A_234 = tpu.memref_squeeze %dma_start3A_233 : memref<1x200x64xf32, #tpu.memory_space<hbm>> -> memref<200x64xf32, #tpu.memory_space<hbm>>
      %dma_start3A_235 = tpu.memref_slice %arg10[%dma_start3A_226] : memref<4x!tpu.dma_semaphore, #tpu.memory_space<semaphore_mem>> -> memref<1x!tpu.dma_semaphore, #tpu.memory_space<semaphore_mem>>
      %dma_start3A_236 = tpu.memref_squeeze %dma_start3A_235 : memref<1x!tpu.dma_semaphore, #tpu.memory_space<semaphore_mem>> -> memref<!tpu.dma_semaphore, #tpu.memory_space<semaphore_mem>>
      %dma_start3A_237 = arith.constant 0 : i32
      %dma_start3A_238 = arith.constant 0 : i32
      %dma_start3A_239 = tpu.memref_slice %arg5[%add3A_224, %dma_start3A_237, %dma_start3A_238] : memref<4096x200x128xf32, #tpu.memory_space<hbm>> -> memref<1x200x64xf32, #tpu.memory_space<hbm>>
      %dma_start3A_240 = tpu.memref_squeeze %dma_start3A_239 : memref<1x200x64xf32, #tpu.memory_space<hbm>> -> memref<200x64xf32, #tpu.memory_space<hbm>>
      %dma_start3A_241 = arith.constant 0 : i32
      %dma_start3A_242 = arith.constant 0 : i32
      %dma_start3A_243 = tpu.memref_slice %arg7[%dma_start3A_225, %dma_start3A_241, %dma_start3A_242] : memref<4x200x64xf32, #tpu.memory_space<vmem>> -> memref<1x200x64xf32, #tpu.memory_space<vmem>>
      %dma_start3A_244 = tpu.memref_squeeze %dma_start3A_243 : memref<1x200x64xf32, #tpu.memory_space<vmem>> -> memref<200x64xf32, #tpu.memory_space<vmem>>
      tpu.enqueue_dma source(%dma_start3A_244 : memref<200x64xf32, #tpu.memory_space<vmem>>) target(%dma_start3A_240 : memref<200x64xf32, #tpu.memory_space<hbm>>) target_semaphore(%dma_start3A_236 : memref<!tpu.dma_semaphore, #tpu.memory_space<semaphore_mem>>)
      %ge3A_245 = arith.constant 1 : i32
      %ge3A_246 = arith.cmpi sge, %add3A_187, %ge3A_245 : i32
      %convert_element_type3A_247 = arith.extui %ge3A_246 : i1 to i32
      %cond3A_248 = arith.constant 0 : i32
      %cond3A_249 = arith.cmpi ne, %convert_element_type3A_247, %cond3A_248 : i32
      scf.if %cond3A_249 {
        %dma_wait3A_399 = arith.constant 0 : i32
        %dma_wait3A_400 = arith.constant 0 : i32
        %dma_wait3A_401 = arith.constant 0 : i32
        %dma_wait3A_402 = arith.constant 0 : i32
        %dma_wait3A_403 = tpu.memref_slice %arg7[%dma_wait3A_399, %dma_wait3A_401, %dma_wait3A_402] : memref<4x200x64xf32, #tpu.memory_space<vmem>> -> memref<1x200x64xf32, #tpu.memory_space<vmem>>
        %dma_wait3A_404 = tpu.memref_squeeze %dma_wait3A_403 : memref<1x200x64xf32, #tpu.memory_space<vmem>> -> memref<200x64xf32, #tpu.memory_space<vmem>>
        %dma_wait3A_405 = arith.constant 0 : i32
        %dma_wait3A_406 = arith.constant 0 : i32
        %dma_wait3A_407 = tpu.memref_slice %arg5[%mul3A_2, %dma_wait3A_405, %dma_wait3A_406] : memref<4096x200x128xf32, #tpu.memory_space<hbm>> -> memref<1x200x64xf32, #tpu.memory_space<hbm>>
        %dma_wait3A_408 = tpu.memref_squeeze %dma_wait3A_407 : memref<1x200x64xf32, #tpu.memory_space<hbm>> -> memref<200x64xf32, #tpu.memory_space<hbm>>
        %dma_wait3A_409 = tpu.memref_slice %arg10[%dma_wait3A_400] : memref<4x!tpu.dma_semaphore, #tpu.memory_space<semaphore_mem>> -> memref<1x!tpu.dma_semaphore, #tpu.memory_space<semaphore_mem>>
        %dma_wait3A_410 = tpu.memref_squeeze %dma_wait3A_409 : memref<1x!tpu.dma_semaphore, #tpu.memory_space<semaphore_mem>> -> memref<!tpu.dma_semaphore, #tpu.memory_space<semaphore_mem>>
        %dma_wait3A_411 = arith.constant 0 : i32
        %dma_wait3A_412 = arith.constant 0 : i32
        %dma_wait3A_413 = tpu.memref_slice %arg5[%mul3A_2, %dma_wait3A_411, %dma_wait3A_412] : memref<4096x200x128xf32, #tpu.memory_space<hbm>> -> memref<1x200x64xf32, #tpu.memory_space<hbm>>
        %dma_wait3A_414 = tpu.memref_squeeze %dma_wait3A_413 : memref<1x200x64xf32, #tpu.memory_space<hbm>> -> memref<200x64xf32, #tpu.memory_space<hbm>>
        %dma_wait3A_415 = arith.constant 0 : i32
        %dma_wait3A_416 = arith.constant 0 : i32
        %dma_wait3A_417 = tpu.memref_slice %arg7[%dma_wait3A_399, %dma_wait3A_415, %dma_wait3A_416] : memref<4x200x64xf32, #tpu.memory_space<vmem>> -> memref<1x200x64xf32, #tpu.memory_space<vmem>>
        %dma_wait3A_418 = tpu.memref_squeeze %dma_wait3A_417 : memref<1x200x64xf32, #tpu.memory_space<vmem>> -> memref<200x64xf32, #tpu.memory_space<vmem>>
        tpu.wait_dma2 semaphore(%dma_wait3A_410 : memref<!tpu.dma_semaphore, #tpu.memory_space<semaphore_mem>>) src(%dma_wait3A_418 : memref<200x64xf32, #tpu.memory_space<vmem>>) dst(%dma_wait3A_414 : memref<200x64xf32, #tpu.memory_space<hbm>>)
      } else {
      }
      %add3A_250 = arith.constant 3 : i32
      %add3A_251 = arith.addi %add3A_187, %add3A_250 : i32
      %lt3A_252 = arith.constant 128 : i32
      %lt3A_253 = arith.cmpi slt, %add3A_251, %lt3A_252 : i32
      %convert_element_type3A_254 = arith.extui %lt3A_253 : i1 to i32
      %cond3A_255 = arith.constant 0 : i32
      %cond3A_256 = arith.cmpi ne, %convert_element_type3A_254, %cond3A_255 : i32
      scf.if %cond3A_256 {
        %add3A_399 = arith.constant 3 : i32
        %add3A_400 = arith.addi %add3A_187, %add3A_399 : i32
        %dma_start3A_401 = arith.constant 0 : i32
        %dma_start3A_402 = arith.constant 0 : i32
        %dma_start3A_403 = arith.constant 0 : i32
        %dma_start3A_404 = arith.constant 0 : i32
        %dma_start3A_405 = tpu.memref_slice %arg7[%dma_start3A_401, %dma_start3A_403, %dma_start3A_404] : memref<4x200x64xf32, #tpu.memory_space<vmem>> -> memref<1x104x64xf32, #tpu.memory_space<vmem>>
        %dma_start3A_406 = tpu.memref_squeeze %dma_start3A_405 : memref<1x104x64xf32, #tpu.memory_space<vmem>> -> memref<104x64xf32, #tpu.memory_space<vmem>>
        %dma_start3A_407 = arith.constant 0 : i32
        %dma_start3A_408 = tpu.memref_slice %arg6[%add3A_400, %dma_start3A_407] : memref<128x200xi32, #tpu.memory_space<vmem>> -> memref<1x104xi32, #tpu.memory_space<vmem>>
        %dma_start3A_409 = tpu.memref_squeeze %dma_start3A_408 : memref<1x104xi32, #tpu.memory_space<vmem>> -> memref<104xi32, #tpu.memory_space<vmem>>
        %dma_start3A_410 = arith.constant 0 : i32
        %dma_start3A_411 = arith.constant 0 : i32
        %dma_start3A_412 = tpu.memref_slice %arg3[%dma_start3A_410, %dma_start3A_411] : memref<100000x64xf32, #tpu.memory_space<hbm>> -> memref<100000x64xf32, #tpu.memory_space<hbm>>
        %dma_start3A_413 = tpu.memref_slice %arg9[%dma_start3A_402] : memref<4x!tpu.dma_semaphore, #tpu.memory_space<semaphore_mem>> -> memref<1x!tpu.dma_semaphore, #tpu.memory_space<semaphore_mem>>
        %dma_start3A_414 = tpu.memref_squeeze %dma_start3A_413 : memref<1x!tpu.dma_semaphore, #tpu.memory_space<semaphore_mem>> -> memref<!tpu.dma_semaphore, #tpu.memory_space<semaphore_mem>>
        tpu.enqueue_indirect_dma source(%dma_start3A_412 : memref<100000x64xf32, #tpu.memory_space<hbm>>) target(%dma_start3A_406 : memref<104x64xf32, #tpu.memory_space<vmem>>) offsets(%dma_start3A_409 : memref<104xi32, #tpu.memory_space<vmem>>) semaphore(%dma_start3A_414 : memref<!tpu.dma_semaphore, #tpu.memory_space<semaphore_mem>>)
        %dma_start3A_415 = arith.constant 0 : i32
        %dma_start3A_416 = arith.constant 0 : i32
        %dma_start3A_417 = arith.constant 104 : i32
        %dma_start3A_418 = arith.constant 0 : i32
        %dma_start3A_419 = tpu.memref_slice %arg7[%dma_start3A_415, %dma_start3A_417, %dma_start3A_418] : memref<4x200x64xf32, #tpu.memory_space<vmem>> -> memref<1x96x64xf32, #tpu.memory_space<vmem>>
        %dma_start3A_420 = tpu.memref_squeeze %dma_start3A_419 : memref<1x96x64xf32, #tpu.memory_space<vmem>> -> memref<96x64xf32, #tpu.memory_space<vmem>>
        %dma_start3A_421 = arith.constant 104 : i32
        %dma_start3A_422 = tpu.memref_slice %arg6[%add3A_400, %dma_start3A_421] : memref<128x200xi32, #tpu.memory_space<vmem>> -> memref<1x96xi32, #tpu.memory_space<vmem>>
        %dma_start3A_423 = tpu.memref_squeeze %dma_start3A_422 : memref<1x96xi32, #tpu.memory_space<vmem>> -> memref<96xi32, #tpu.memory_space<vmem>>
        %dma_start3A_424 = arith.constant 0 : i32
        %dma_start3A_425 = arith.constant 0 : i32
        %dma_start3A_426 = tpu.memref_slice %arg3[%dma_start3A_424, %dma_start3A_425] : memref<100000x64xf32, #tpu.memory_space<hbm>> -> memref<100000x64xf32, #tpu.memory_space<hbm>>
        %dma_start3A_427 = tpu.memref_slice %arg9[%dma_start3A_416] : memref<4x!tpu.dma_semaphore, #tpu.memory_space<semaphore_mem>> -> memref<1x!tpu.dma_semaphore, #tpu.memory_space<semaphore_mem>>
        %dma_start3A_428 = tpu.memref_squeeze %dma_start3A_427 : memref<1x!tpu.dma_semaphore, #tpu.memory_space<semaphore_mem>> -> memref<!tpu.dma_semaphore, #tpu.memory_space<semaphore_mem>>
        tpu.enqueue_indirect_dma source(%dma_start3A_426 : memref<100000x64xf32, #tpu.memory_space<hbm>>) target(%dma_start3A_420 : memref<96x64xf32, #tpu.memory_space<vmem>>) offsets(%dma_start3A_423 : memref<96xi32, #tpu.memory_space<vmem>>) semaphore(%dma_start3A_428 : memref<!tpu.dma_semaphore, #tpu.memory_space<semaphore_mem>>)
      } else {
      }
      %add3A_257 = arith.constant 2 : i32
      %add3A_258 = arith.addi %mul3A_118, %add3A_257 : i32
      %dma_wait3A_259 = arith.constant 0 : i32
      %dma_wait3A_260 = arith.constant 2 : i32
      %dma_wait3A_261 = arith.constant 2 : i32
      %dma_wait3A_262 = arith.constant 0 : i32
      %dma_wait3A_263 = arith.constant 0 : i32
      %dma_wait3A_264 = tpu.memref_slice %arg7[%dma_wait3A_260, %dma_wait3A_262, %dma_wait3A_263] : memref<4x200x64xf32, #tpu.memory_space<vmem>> -> memref<1x104x64xf32, #tpu.memory_space<vmem>>
      %dma_wait3A_265 = tpu.memref_squeeze %dma_wait3A_264 : memref<1x104x64xf32, #tpu.memory_space<vmem>> -> memref<104x64xf32, #tpu.memory_space<vmem>>
      %dma_wait3A_266 = arith.constant 0 : i32
      %dma_wait3A_267 = tpu.memref_slice %arg6[%dma_wait3A_259, %dma_wait3A_266] : memref<128x200xi32, #tpu.memory_space<vmem>> -> memref<1x104xi32, #tpu.memory_space<vmem>>
      %dma_wait3A_268 = tpu.memref_squeeze %dma_wait3A_267 : memref<1x104xi32, #tpu.memory_space<vmem>> -> memref<104xi32, #tpu.memory_space<vmem>>
      %dma_wait3A_269 = arith.constant 0 : i32
      %dma_wait3A_270 = arith.constant 0 : i32
      %dma_wait3A_271 = tpu.memref_slice %arg3[%dma_wait3A_269, %dma_wait3A_270] : memref<100000x64xf32, #tpu.memory_space<hbm>> -> memref<100000x64xf32, #tpu.memory_space<hbm>>
      %dma_wait3A_272 = tpu.memref_slice %arg9[%dma_wait3A_261] : memref<4x!tpu.dma_semaphore, #tpu.memory_space<semaphore_mem>> -> memref<1x!tpu.dma_semaphore, #tpu.memory_space<semaphore_mem>>
      %dma_wait3A_273 = tpu.memref_squeeze %dma_wait3A_272 : memref<1x!tpu.dma_semaphore, #tpu.memory_space<semaphore_mem>> -> memref<!tpu.dma_semaphore, #tpu.memory_space<semaphore_mem>>
      tpu.wait_indirect_dma semaphore(%dma_wait3A_273 : memref<!tpu.dma_semaphore, #tpu.memory_space<semaphore_mem>>) src(%dma_wait3A_271 : memref<100000x64xf32, #tpu.memory_space<hbm>>) dst(%dma_wait3A_265 : memref<104x64xf32, #tpu.memory_space<vmem>>)
      %dma_wait3A_274 = arith.constant 0 : i32
      %dma_wait3A_275 = arith.constant 2 : i32
      %dma_wait3A_276 = arith.constant 2 : i32
      %dma_wait3A_277 = arith.constant 104 : i32
      %dma_wait3A_278 = arith.constant 0 : i32
      %dma_wait3A_279 = tpu.memref_slice %arg7[%dma_wait3A_275, %dma_wait3A_277, %dma_wait3A_278] : memref<4x200x64xf32, #tpu.memory_space<vmem>> -> memref<1x96x64xf32, #tpu.memory_space<vmem>>
      %dma_wait3A_280 = tpu.memref_squeeze %dma_wait3A_279 : memref<1x96x64xf32, #tpu.memory_space<vmem>> -> memref<96x64xf32, #tpu.memory_space<vmem>>
      %dma_wait3A_281 = arith.constant 104 : i32
      %dma_wait3A_282 = tpu.memref_slice %arg6[%dma_wait3A_274, %dma_wait3A_281] : memref<128x200xi32, #tpu.memory_space<vmem>> -> memref<1x96xi32, #tpu.memory_space<vmem>>
      %dma_wait3A_283 = tpu.memref_squeeze %dma_wait3A_282 : memref<1x96xi32, #tpu.memory_space<vmem>> -> memref<96xi32, #tpu.memory_space<vmem>>
      %dma_wait3A_284 = arith.constant 0 : i32
      %dma_wait3A_285 = arith.constant 0 : i32
      %dma_wait3A_286 = tpu.memref_slice %arg3[%dma_wait3A_284, %dma_wait3A_285] : memref<100000x64xf32, #tpu.memory_space<hbm>> -> memref<100000x64xf32, #tpu.memory_space<hbm>>
      %dma_wait3A_287 = tpu.memref_slice %arg9[%dma_wait3A_276] : memref<4x!tpu.dma_semaphore, #tpu.memory_space<semaphore_mem>> -> memref<1x!tpu.dma_semaphore, #tpu.memory_space<semaphore_mem>>
      %dma_wait3A_288 = tpu.memref_squeeze %dma_wait3A_287 : memref<1x!tpu.dma_semaphore, #tpu.memory_space<semaphore_mem>> -> memref<!tpu.dma_semaphore, #tpu.memory_space<semaphore_mem>>
      tpu.wait_indirect_dma semaphore(%dma_wait3A_288 : memref<!tpu.dma_semaphore, #tpu.memory_space<semaphore_mem>>) src(%dma_wait3A_286 : memref<100000x64xf32, #tpu.memory_space<hbm>>) dst(%dma_wait3A_280 : memref<96x64xf32, #tpu.memory_space<vmem>>)
      %scan3A_289 = arith.constant 0 : i32
      %scan3A_290 = arith.constant 0 : i32
      %scan3A_291 = arith.constant 200 : i32
      %scan3A_292 = arith.addi %scan3A_290, %scan3A_291 : i32
      %scan3A_293 = arith.constant 8 : i32
      scf.for %scan3A_399 = %scan3A_290 to %scan3A_292 step %scan3A_293  : i32 {
        %get3A = arith.index_cast %scan3A_399 : i32 to index
        %get3A_400 = arith.constant 0 : index
        %get3A_401 = tpu.vector_load %arg8[%get3A, %get3A_400] {strides = array<i32>} : memref<200x64xf32, #tpu.memory_space<vmem>>, vector<1x16xf32>,
        %get3A_402 = vector.shape_cast %get3A_401 : vector<1x16xf32> to vector<16xf32>
        %swap3A = arith.constant 2 : i32
        %swap3A_403 = arith.index_cast %swap3A : i32 to index
        %swap3A_404 = arith.index_cast %scan3A_399 : i32 to index
        %swap3A_405 = arith.constant 0 : index
        %swap3A_406 = tpu.vector_load %arg7[%swap3A_403, %swap3A_404, %swap3A_405] {strides = array<i32>} : memref<4x200x64xf32, #tpu.memory_space<vmem>>, vector<1x1x16xf32>,
        %swap3A_407 = vector.shape_cast %swap3A_406 : vector<1x1x16xf32> to vector<16xf32>
        %swap3A_408 = vector.shape_cast %get3A_402 : vector<16xf32> to vector<1x1x16xf32>
        tpu.vector_store %arg7[%swap3A_403, %swap3A_404, %swap3A_405], %swap3A_408 {add = true, strides = array<i32>} : memref<4x200x64xf32, #tpu.memory_space<vmem>>, vector<1x1x16xf32>,
        %get3A_409 = arith.index_cast %scan3A_399 : i32 to index
        %get3A_410 = arith.constant 16 : index
        %get3A_411 = tpu.vector_load %arg8[%get3A_409, %get3A_410] {strides = array<i32>} : memref<200x64xf32, #tpu.memory_space<vmem>>, vector<1x16xf32>,
        %get3A_412 = vector.shape_cast %get3A_411 : vector<1x16xf32> to vector<16xf32>
        %swap3A_413 = arith.constant 2 : i32
        %swap3A_414 = arith.index_cast %swap3A_413 : i32 to index
        %swap3A_415 = arith.index_cast %scan3A_399 : i32 to index
        %swap3A_416 = arith.constant 16 : index
        %swap3A_417 = tpu.vector_load %arg7[%swap3A_414, %swap3A_415, %swap3A_416] {strides = array<i32>} : memref<4x200x64xf32, #tpu.memory_space<vmem>>, vector<1x1x16xf32>,
        %swap3A_418 = vector.shape_cast %swap3A_417 : vector<1x1x16xf32> to vector<16xf32>
        %swap3A_419 = vector.shape_cast %get3A_412 : vector<16xf32> to vector<1x1x16xf32>
        tpu.vector_store %arg7[%swap3A_414, %swap3A_415, %swap3A_416], %swap3A_419 {add = true, strides = array<i32>} : memref<4x200x64xf32, #tpu.memory_space<vmem>>, vector<1x1x16xf32>,
        %get3A_420 = arith.index_cast %scan3A_399 : i32 to index
        %get3A_421 = arith.constant 32 : index
        %get3A_422 = tpu.vector_load %arg8[%get3A_420, %get3A_421] {strides = array<i32>} : memref<200x64xf32, #tpu.memory_space<vmem>>, vector<1x16xf32>,
        %get3A_423 = vector.shape_cast %get3A_422 : vector<1x16xf32> to vector<16xf32>
        %swap3A_424 = arith.constant 2 : i32
        %swap3A_425 = arith.index_cast %swap3A_424 : i32 to index
        %swap3A_426 = arith.index_cast %scan3A_399 : i32 to index
        %swap3A_427 = arith.constant 32 : index
        %swap3A_428 = tpu.vector_load %arg7[%swap3A_425, %swap3A_426, %swap3A_427] {strides = array<i32>} : memref<4x200x64xf32, #tpu.memory_space<vmem>>, vector<1x1x16xf32>,
        %swap3A_429 = vector.shape_cast %swap3A_428 : vector<1x1x16xf32> to vector<16xf32>
        %swap3A_430 = vector.shape_cast %get3A_423 : vector<16xf32> to vector<1x1x16xf32>
        tpu.vector_store %arg7[%swap3A_425, %swap3A_426, %swap3A_427], %swap3A_430 {add = true, strides = array<i32>} : memref<4x200x64xf32, #tpu.memory_space<vmem>>, vector<1x1x16xf32>,
        %get3A_431 = arith.index_cast %scan3A_399 : i32 to index
        %get3A_432 = arith.constant 48 : index
        %get3A_433 = tpu.vector_load %arg8[%get3A_431, %get3A_432] {strides = array<i32>} : memref<200x64xf32, #tpu.memory_space<vmem>>, vector<1x16xf32>,
        %get3A_434 = vector.shape_cast %get3A_433 : vector<1x16xf32> to vector<16xf32>
        %swap3A_435 = arith.constant 2 : i32
        %swap3A_436 = arith.index_cast %swap3A_435 : i32 to index
        %swap3A_437 = arith.index_cast %scan3A_399 : i32 to index
        %swap3A_438 = arith.constant 48 : index
        %swap3A_439 = tpu.vector_load %arg7[%swap3A_436, %swap3A_437, %swap3A_438] {strides = array<i32>} : memref<4x200x64xf32, #tpu.memory_space<vmem>>, vector<1x1x16xf32>,
        %swap3A_440 = vector.shape_cast %swap3A_439 : vector<1x1x16xf32> to vector<16xf32>
        %swap3A_441 = vector.shape_cast %get3A_434 : vector<16xf32> to vector<1x1x16xf32>
        tpu.vector_store %arg7[%swap3A_436, %swap3A_437, %swap3A_438], %swap3A_441 {add = true, strides = array<i32>} : memref<4x200x64xf32, #tpu.memory_space<vmem>>, vector<1x1x16xf32>,
        %scan3A_442 = arith.constant 1 : i32
        %scan3A_443 = arith.addi %scan3A_399, %scan3A_442 : i32
        %get3A_444 = arith.index_cast %scan3A_443 : i32 to index
        %get3A_445 = arith.constant 0 : index
        %get3A_446 = tpu.vector_load %arg8[%get3A_444, %get3A_445] {strides = array<i32>} : memref<200x64xf32, #tpu.memory_space<vmem>>, vector<1x16xf32>,
        %get3A_447 = vector.shape_cast %get3A_446 : vector<1x16xf32> to vector<16xf32>
        %swap3A_448 = arith.constant 2 : i32
        %swap3A_449 = arith.index_cast %swap3A_448 : i32 to index
        %swap3A_450 = arith.index_cast %scan3A_443 : i32 to index
        %swap3A_451 = arith.constant 0 : index
        %swap3A_452 = tpu.vector_load %arg7[%swap3A_449, %swap3A_450, %swap3A_451] {strides = array<i32>} : memref<4x200x64xf32, #tpu.memory_space<vmem>>, vector<1x1x16xf32>,
        %swap3A_453 = vector.shape_cast %swap3A_452 : vector<1x1x16xf32> to vector<16xf32>
        %swap3A_454 = vector.shape_cast %get3A_447 : vector<16xf32> to vector<1x1x16xf32>
        tpu.vector_store %arg7[%swap3A_449, %swap3A_450, %swap3A_451], %swap3A_454 {add = true, strides = array<i32>} : memref<4x200x64xf32, #tpu.memory_space<vmem>>, vector<1x1x16xf32>,
        %get3A_455 = arith.index_cast %scan3A_443 : i32 to index
        %get3A_456 = arith.constant 16 : index
        %get3A_457 = tpu.vector_load %arg8[%get3A_455, %get3A_456] {strides = array<i32>} : memref<200x64xf32, #tpu.memory_space<vmem>>, vector<1x16xf32>,
        %get3A_458 = vector.shape_cast %get3A_457 : vector<1x16xf32> to vector<16xf32>
        %swap3A_459 = arith.constant 2 : i32
        %swap3A_460 = arith.index_cast %swap3A_459 : i32 to index
        %swap3A_461 = arith.index_cast %scan3A_443 : i32 to index
        %swap3A_462 = arith.constant 16 : index
        %swap3A_463 = tpu.vector_load %arg7[%swap3A_460, %swap3A_461, %swap3A_462] {strides = array<i32>} : memref<4x200x64xf32, #tpu.memory_space<vmem>>, vector<1x1x16xf32>,
        %swap3A_464 = vector.shape_cast %swap3A_463 : vector<1x1x16xf32> to vector<16xf32>
        %swap3A_465 = vector.shape_cast %get3A_458 : vector<16xf32> to vector<1x1x16xf32>
        tpu.vector_store %arg7[%swap3A_460, %swap3A_461, %swap3A_462], %swap3A_465 {add = true, strides = array<i32>} : memref<4x200x64xf32, #tpu.memory_space<vmem>>, vector<1x1x16xf32>,
        %get3A_466 = arith.index_cast %scan3A_443 : i32 to index
        %get3A_467 = arith.constant 32 : index
        %get3A_468 = tpu.vector_load %arg8[%get3A_466, %get3A_467] {strides = array<i32>} : memref<200x64xf32, #tpu.memory_space<vmem>>, vector<1x16xf32>,
        %get3A_469 = vector.shape_cast %get3A_468 : vector<1x16xf32> to vector<16xf32>
        %swap3A_470 = arith.constant 2 : i32
        %swap3A_471 = arith.index_cast %swap3A_470 : i32 to index
        %swap3A_472 = arith.index_cast %scan3A_443 : i32 to index
        %swap3A_473 = arith.constant 32 : index
        %swap3A_474 = tpu.vector_load %arg7[%swap3A_471, %swap3A_472, %swap3A_473] {strides = array<i32>} : memref<4x200x64xf32, #tpu.memory_space<vmem>>, vector<1x1x16xf32>,
        %swap3A_475 = vector.shape_cast %swap3A_474 : vector<1x1x16xf32> to vector<16xf32>
        %swap3A_476 = vector.shape_cast %get3A_469 : vector<16xf32> to vector<1x1x16xf32>
        tpu.vector_store %arg7[%swap3A_471, %swap3A_472, %swap3A_473], %swap3A_476 {add = true, strides = array<i32>} : memref<4x200x64xf32, #tpu.memory_space<vmem>>, vector<1x1x16xf32>,
        %get3A_477 = arith.index_cast %scan3A_443 : i32 to index
        %get3A_478 = arith.constant 48 : index
        %get3A_479 = tpu.vector_load %arg8[%get3A_477, %get3A_478] {strides = array<i32>} : memref<200x64xf32, #tpu.memory_space<vmem>>, vector<1x16xf32>,
        %get3A_480 = vector.shape_cast %get3A_479 : vector<1x16xf32> to vector<16xf32>
        %swap3A_481 = arith.constant 2 : i32
        %swap3A_482 = arith.index_cast %swap3A_481 : i32 to index
        %swap3A_483 = arith.index_cast %scan3A_443 : i32 to index
        %swap3A_484 = arith.constant 48 : index
        %swap3A_485 = tpu.vector_load %arg7[%swap3A_482, %swap3A_483, %swap3A_484] {strides = array<i32>} : memref<4x200x64xf32, #tpu.memory_space<vmem>>, vector<1x1x16xf32>,
        %swap3A_486 = vector.shape_cast %swap3A_485 : vector<1x1x16xf32> to vector<16xf32>
        %swap3A_487 = vector.shape_cast %get3A_480 : vector<16xf32> to vector<1x1x16xf32>
        tpu.vector_store %arg7[%swap3A_482, %swap3A_483, %swap3A_484], %swap3A_487 {add = true, strides = array<i32>} : memref<4x200x64xf32, #tpu.memory_space<vmem>>, vector<1x1x16xf32>,
        %scan3A_488 = arith.constant 2 : i32
        %scan3A_489 = arith.addi %scan3A_399, %scan3A_488 : i32
        %get3A_490 = arith.index_cast %scan3A_489 : i32 to index
        %get3A_491 = arith.constant 0 : index
        %get3A_492 = tpu.vector_load %arg8[%get3A_490, %get3A_491] {strides = array<i32>} : memref<200x64xf32, #tpu.memory_space<vmem>>, vector<1x16xf32>,
        %get3A_493 = vector.shape_cast %get3A_492 : vector<1x16xf32> to vector<16xf32>
        %swap3A_494 = arith.constant 2 : i32
        %swap3A_495 = arith.index_cast %swap3A_494 : i32 to index
        %swap3A_496 = arith.index_cast %scan3A_489 : i32 to index
        %swap3A_497 = arith.constant 0 : index
        %swap3A_498 = tpu.vector_load %arg7[%swap3A_495, %swap3A_496, %swap3A_497] {strides = array<i32>} : memref<4x200x64xf32, #tpu.memory_space<vmem>>, vector<1x1x16xf32>,
        %swap3A_499 = vector.shape_cast %swap3A_498 : vector<1x1x16xf32> to vector<16xf32>
        %swap3A_500 = vector.shape_cast %get3A_493 : vector<16xf32> to vector<1x1x16xf32>
        tpu.vector_store %arg7[%swap3A_495, %swap3A_496, %swap3A_497], %swap3A_500 {add = true, strides = array<i32>} : memref<4x200x64xf32, #tpu.memory_space<vmem>>, vector<1x1x16xf32>,
        %get3A_501 = arith.index_cast %scan3A_489 : i32 to index
        %get3A_502 = arith.constant 16 : index
        %get3A_503 = tpu.vector_load %arg8[%get3A_501, %get3A_502] {strides = array<i32>} : memref<200x64xf32, #tpu.memory_space<vmem>>, vector<1x16xf32>,
        %get3A_504 = vector.shape_cast %get3A_503 : vector<1x16xf32> to vector<16xf32>
        %swap3A_505 = arith.constant 2 : i32
        %swap3A_506 = arith.index_cast %swap3A_505 : i32 to index
        %swap3A_507 = arith.index_cast %scan3A_489 : i32 to index
        %swap3A_508 = arith.constant 16 : index
        %swap3A_509 = tpu.vector_load %arg7[%swap3A_506, %swap3A_507, %swap3A_508] {strides = array<i32>} : memref<4x200x64xf32, #tpu.memory_space<vmem>>, vector<1x1x16xf32>,
        %swap3A_510 = vector.shape_cast %swap3A_509 : vector<1x1x16xf32> to vector<16xf32>
        %swap3A_511 = vector.shape_cast %get3A_504 : vector<16xf32> to vector<1x1x16xf32>
        tpu.vector_store %arg7[%swap3A_506, %swap3A_507, %swap3A_508], %swap3A_511 {add = true, strides = array<i32>} : memref<4x200x64xf32, #tpu.memory_space<vmem>>, vector<1x1x16xf32>,
        %get3A_512 = arith.index_cast %scan3A_489 : i32 to index
        %get3A_513 = arith.constant 32 : index
        %get3A_514 = tpu.vector_load %arg8[%get3A_512, %get3A_513] {strides = array<i32>} : memref<200x64xf32, #tpu.memory_space<vmem>>, vector<1x16xf32>,
        %get3A_515 = vector.shape_cast %get3A_514 : vector<1x16xf32> to vector<16xf32>
        %swap3A_516 = arith.constant 2 : i32
        %swap3A_517 = arith.index_cast %swap3A_516 : i32 to index
        %swap3A_518 = arith.index_cast %scan3A_489 : i32 to index
        %swap3A_519 = arith.constant 32 : index
        %swap3A_520 = tpu.vector_load %arg7[%swap3A_517, %swap3A_518, %swap3A_519] {strides = array<i32>} : memref<4x200x64xf32, #tpu.memory_space<vmem>>, vector<1x1x16xf32>,
        %swap3A_521 = vector.shape_cast %swap3A_520 : vector<1x1x16xf32> to vector<16xf32>
        %swap3A_522 = vector.shape_cast %get3A_515 : vector<16xf32> to vector<1x1x16xf32>
        tpu.vector_store %arg7[%swap3A_517, %swap3A_518, %swap3A_519], %swap3A_522 {add = true, strides = array<i32>} : memref<4x200x64xf32, #tpu.memory_space<vmem>>, vector<1x1x16xf32>,
        %get3A_523 = arith.index_cast %scan3A_489 : i32 to index
        %get3A_524 = arith.constant 48 : index
        %get3A_525 = tpu.vector_load %arg8[%get3A_523, %get3A_524] {strides = array<i32>} : memref<200x64xf32, #tpu.memory_space<vmem>>, vector<1x16xf32>,
        %get3A_526 = vector.shape_cast %get3A_525 : vector<1x16xf32> to vector<16xf32>
        %swap3A_527 = arith.constant 2 : i32
        %swap3A_528 = arith.index_cast %swap3A_527 : i32 to index
        %swap3A_529 = arith.index_cast %scan3A_489 : i32 to index
        %swap3A_530 = arith.constant 48 : index
        %swap3A_531 = tpu.vector_load %arg7[%swap3A_528, %swap3A_529, %swap3A_530] {strides = array<i32>} : memref<4x200x64xf32, #tpu.memory_space<vmem>>, vector<1x1x16xf32>,
        %swap3A_532 = vector.shape_cast %swap3A_531 : vector<1x1x16xf32> to vector<16xf32>
        %swap3A_533 = vector.shape_cast %get3A_526 : vector<16xf32> to vector<1x1x16xf32>
        tpu.vector_store %arg7[%swap3A_528, %swap3A_529, %swap3A_530], %swap3A_533 {add = true, strides = array<i32>} : memref<4x200x64xf32, #tpu.memory_space<vmem>>, vector<1x1x16xf32>,
        %scan3A_534 = arith.constant 3 : i32
        %scan3A_535 = arith.addi %scan3A_399, %scan3A_534 : i32
        %get3A_536 = arith.index_cast %scan3A_535 : i32 to index
        %get3A_537 = arith.constant 0 : index
        %get3A_538 = tpu.vector_load %arg8[%get3A_536, %get3A_537] {strides = array<i32>} : memref<200x64xf32, #tpu.memory_space<vmem>>, vector<1x16xf32>,
        %get3A_539 = vector.shape_cast %get3A_538 : vector<1x16xf32> to vector<16xf32>
        %swap3A_540 = arith.constant 2 : i32
        %swap3A_541 = arith.index_cast %swap3A_540 : i32 to index
        %swap3A_542 = arith.index_cast %scan3A_535 : i32 to index
        %swap3A_543 = arith.constant 0 : index
        %swap3A_544 = tpu.vector_load %arg7[%swap3A_541, %swap3A_542, %swap3A_543] {strides = array<i32>} : memref<4x200x64xf32, #tpu.memory_space<vmem>>, vector<1x1x16xf32>,
        %swap3A_545 = vector.shape_cast %swap3A_544 : vector<1x1x16xf32> to vector<16xf32>
        %swap3A_546 = vector.shape_cast %get3A_539 : vector<16xf32> to vector<1x1x16xf32>
        tpu.vector_store %arg7[%swap3A_541, %swap3A_542, %swap3A_543], %swap3A_546 {add = true, strides = array<i32>} : memref<4x200x64xf32, #tpu.memory_space<vmem>>, vector<1x1x16xf32>,
        %get3A_547 = arith.index_cast %scan3A_535 : i32 to index
        %get3A_548 = arith.constant 16 : index
        %get3A_549 = tpu.vector_load %arg8[%get3A_547, %get3A_548] {strides = array<i32>} : memref<200x64xf32, #tpu.memory_space<vmem>>, vector<1x16xf32>,
        %get3A_550 = vector.shape_cast %get3A_549 : vector<1x16xf32> to vector<16xf32>
        %swap3A_551 = arith.constant 2 : i32
        %swap3A_552 = arith.index_cast %swap3A_551 : i32 to index
        %swap3A_553 = arith.index_cast %scan3A_535 : i32 to index
        %swap3A_554 = arith.constant 16 : index
        %swap3A_555 = tpu.vector_load %arg7[%swap3A_552, %swap3A_553, %swap3A_554] {strides = array<i32>} : memref<4x200x64xf32, #tpu.memory_space<vmem>>, vector<1x1x16xf32>,
        %swap3A_556 = vector.shape_cast %swap3A_555 : vector<1x1x16xf32> to vector<16xf32>
        %swap3A_557 = vector.shape_cast %get3A_550 : vector<16xf32> to vector<1x1x16xf32>
        tpu.vector_store %arg7[%swap3A_552, %swap3A_553, %swap3A_554], %swap3A_557 {add = true, strides = array<i32>} : memref<4x200x64xf32, #tpu.memory_space<vmem>>, vector<1x1x16xf32>,
        %get3A_558 = arith.index_cast %scan3A_535 : i32 to index
        %get3A_559 = arith.constant 32 : index
        %get3A_560 = tpu.vector_load %arg8[%get3A_558, %get3A_559] {strides = array<i32>} : memref<200x64xf32, #tpu.memory_space<vmem>>, vector<1x16xf32>,
        %get3A_561 = vector.shape_cast %get3A_560 : vector<1x16xf32> to vector<16xf32>
        %swap3A_562 = arith.constant 2 : i32
        %swap3A_563 = arith.index_cast %swap3A_562 : i32 to index
        %swap3A_564 = arith.index_cast %scan3A_535 : i32 to index
        %swap3A_565 = arith.constant 32 : index
        %swap3A_566 = tpu.vector_load %arg7[%swap3A_563, %swap3A_564, %swap3A_565] {strides = array<i32>} : memref<4x200x64xf32, #tpu.memory_space<vmem>>, vector<1x1x16xf32>,
        %swap3A_567 = vector.shape_cast %swap3A_566 : vector<1x1x16xf32> to vector<16xf32>
        %swap3A_568 = vector.shape_cast %get3A_561 : vector<16xf32> to vector<1x1x16xf32>
        tpu.vector_store %arg7[%swap3A_563, %swap3A_564, %swap3A_565], %swap3A_568 {add = true, strides = array<i32>} : memref<4x200x64xf32, #tpu.memory_space<vmem>>, vector<1x1x16xf32>,
        %get3A_569 = arith.index_cast %scan3A_535 : i32 to index
        %get3A_570 = arith.constant 48 : index
        %get3A_571 = tpu.vector_load %arg8[%get3A_569, %get3A_570] {strides = array<i32>} : memref<200x64xf32, #tpu.memory_space<vmem>>, vector<1x16xf32>,
        %get3A_572 = vector.shape_cast %get3A_571 : vector<1x16xf32> to vector<16xf32>
        %swap3A_573 = arith.constant 2 : i32
        %swap3A_574 = arith.index_cast %swap3A_573 : i32 to index
        %swap3A_575 = arith.index_cast %scan3A_535 : i32 to index
        %swap3A_576 = arith.constant 48 : index
        %swap3A_577 = tpu.vector_load %arg7[%swap3A_574, %swap3A_575, %swap3A_576] {strides = array<i32>} : memref<4x200x64xf32, #tpu.memory_space<vmem>>, vector<1x1x16xf32>,
        %swap3A_578 = vector.shape_cast %swap3A_577 : vector<1x1x16xf32> to vector<16xf32>
        %swap3A_579 = vector.shape_cast %get3A_572 : vector<16xf32> to vector<1x1x16xf32>
        tpu.vector_store %arg7[%swap3A_574, %swap3A_575, %swap3A_576], %swap3A_579 {add = true, strides = array<i32>} : memref<4x200x64xf32, #tpu.memory_space<vmem>>, vector<1x1x16xf32>,
        %scan3A_580 = arith.constant 4 : i32
        %scan3A_581 = arith.addi %scan3A_399, %scan3A_580 : i32
        %get3A_582 = arith.index_cast %scan3A_581 : i32 to index
        %get3A_583 = arith.constant 0 : index
        %get3A_584 = tpu.vector_load %arg8[%get3A_582, %get3A_583] {strides = array<i32>} : memref<200x64xf32, #tpu.memory_space<vmem>>, vector<1x16xf32>,
        %get3A_585 = vector.shape_cast %get3A_584 : vector<1x16xf32> to vector<16xf32>
        %swap3A_586 = arith.constant 2 : i32
        %swap3A_587 = arith.index_cast %swap3A_586 : i32 to index
        %swap3A_588 = arith.index_cast %scan3A_581 : i32 to index
        %swap3A_589 = arith.constant 0 : index
        %swap3A_590 = tpu.vector_load %arg7[%swap3A_587, %swap3A_588, %swap3A_589] {strides = array<i32>} : memref<4x200x64xf32, #tpu.memory_space<vmem>>, vector<1x1x16xf32>,
        %swap3A_591 = vector.shape_cast %swap3A_590 : vector<1x1x16xf32> to vector<16xf32>
        %swap3A_592 = vector.shape_cast %get3A_585 : vector<16xf32> to vector<1x1x16xf32>
        tpu.vector_store %arg7[%swap3A_587, %swap3A_588, %swap3A_589], %swap3A_592 {add = true, strides = array<i32>} : memref<4x200x64xf32, #tpu.memory_space<vmem>>, vector<1x1x16xf32>,
        %get3A_593 = arith.index_cast %scan3A_581 : i32 to index
        %get3A_594 = arith.constant 16 : index
        %get3A_595 = tpu.vector_load %arg8[%get3A_593, %get3A_594] {strides = array<i32>} : memref<200x64xf32, #tpu.memory_space<vmem>>, vector<1x16xf32>,
        %get3A_596 = vector.shape_cast %get3A_595 : vector<1x16xf32> to vector<16xf32>
        %swap3A_597 = arith.constant 2 : i32
        %swap3A_598 = arith.index_cast %swap3A_597 : i32 to index
        %swap3A_599 = arith.index_cast %scan3A_581 : i32 to index
        %swap3A_600 = arith.constant 16 : index
        %swap3A_601 = tpu.vector_load %arg7[%swap3A_598, %swap3A_599, %swap3A_600] {strides = array<i32>} : memref<4x200x64xf32, #tpu.memory_space<vmem>>, vector<1x1x16xf32>,
        %swap3A_602 = vector.shape_cast %swap3A_601 : vector<1x1x16xf32> to vector<16xf32>
        %swap3A_603 = vector.shape_cast %get3A_596 : vector<16xf32> to vector<1x1x16xf32>
        tpu.vector_store %arg7[%swap3A_598, %swap3A_599, %swap3A_600], %swap3A_603 {add = true, strides = array<i32>} : memref<4x200x64xf32, #tpu.memory_space<vmem>>, vector<1x1x16xf32>,
        %get3A_604 = arith.index_cast %scan3A_581 : i32 to index
        %get3A_605 = arith.constant 32 : index
        %get3A_606 = tpu.vector_load %arg8[%get3A_604, %get3A_605] {strides = array<i32>} : memref<200x64xf32, #tpu.memory_space<vmem>>, vector<1x16xf32>,
        %get3A_607 = vector.shape_cast %get3A_606 : vector<1x16xf32> to vector<16xf32>
        %swap3A_608 = arith.constant 2 : i32
        %swap3A_609 = arith.index_cast %swap3A_608 : i32 to index
        %swap3A_610 = arith.index_cast %scan3A_581 : i32 to index
        %swap3A_611 = arith.constant 32 : index
        %swap3A_612 = tpu.vector_load %arg7[%swap3A_609, %swap3A_610, %swap3A_611] {strides = array<i32>} : memref<4x200x64xf32, #tpu.memory_space<vmem>>, vector<1x1x16xf32>,
        %swap3A_613 = vector.shape_cast %swap3A_612 : vector<1x1x16xf32> to vector<16xf32>
        %swap3A_614 = vector.shape_cast %get3A_607 : vector<16xf32> to vector<1x1x16xf32>
        tpu.vector_store %arg7[%swap3A_609, %swap3A_610, %swap3A_611], %swap3A_614 {add = true, strides = array<i32>} : memref<4x200x64xf32, #tpu.memory_space<vmem>>, vector<1x1x16xf32>,
        %get3A_615 = arith.index_cast %scan3A_581 : i32 to index
        %get3A_616 = arith.constant 48 : index
        %get3A_617 = tpu.vector_load %arg8[%get3A_615, %get3A_616] {strides = array<i32>} : memref<200x64xf32, #tpu.memory_space<vmem>>, vector<1x16xf32>,
        %get3A_618 = vector.shape_cast %get3A_617 : vector<1x16xf32> to vector<16xf32>
        %swap3A_619 = arith.constant 2 : i32
        %swap3A_620 = arith.index_cast %swap3A_619 : i32 to index
        %swap3A_621 = arith.index_cast %scan3A_581 : i32 to index
        %swap3A_622 = arith.constant 48 : index
        %swap3A_623 = tpu.vector_load %arg7[%swap3A_620, %swap3A_621, %swap3A_622] {strides = array<i32>} : memref<4x200x64xf32, #tpu.memory_space<vmem>>, vector<1x1x16xf32>,
        %swap3A_624 = vector.shape_cast %swap3A_623 : vector<1x1x16xf32> to vector<16xf32>
        %swap3A_625 = vector.shape_cast %get3A_618 : vector<16xf32> to vector<1x1x16xf32>
        tpu.vector_store %arg7[%swap3A_620, %swap3A_621, %swap3A_622], %swap3A_625 {add = true, strides = array<i32>} : memref<4x200x64xf32, #tpu.memory_space<vmem>>, vector<1x1x16xf32>,
        %scan3A_626 = arith.constant 5 : i32
        %scan3A_627 = arith.addi %scan3A_399, %scan3A_626 : i32
        %get3A_628 = arith.index_cast %scan3A_627 : i32 to index
        %get3A_629 = arith.constant 0 : index
        %get3A_630 = tpu.vector_load %arg8[%get3A_628, %get3A_629] {strides = array<i32>} : memref<200x64xf32, #tpu.memory_space<vmem>>, vector<1x16xf32>,
        %get3A_631 = vector.shape_cast %get3A_630 : vector<1x16xf32> to vector<16xf32>
        %swap3A_632 = arith.constant 2 : i32
        %swap3A_633 = arith.index_cast %swap3A_632 : i32 to index
        %swap3A_634 = arith.index_cast %scan3A_627 : i32 to index
        %swap3A_635 = arith.constant 0 : index
        %swap3A_636 = tpu.vector_load %arg7[%swap3A_633, %swap3A_634, %swap3A_635] {strides = array<i32>} : memref<4x200x64xf32, #tpu.memory_space<vmem>>, vector<1x1x16xf32>,
        %swap3A_637 = vector.shape_cast %swap3A_636 : vector<1x1x16xf32> to vector<16xf32>
        %swap3A_638 = vector.shape_cast %get3A_631 : vector<16xf32> to vector<1x1x16xf32>
        tpu.vector_store %arg7[%swap3A_633, %swap3A_634, %swap3A_635], %swap3A_638 {add = true, strides = array<i32>} : memref<4x200x64xf32, #tpu.memory_space<vmem>>, vector<1x1x16xf32>,
        %get3A_639 = arith.index_cast %scan3A_627 : i32 to index
        %get3A_640 = arith.constant 16 : index
        %get3A_641 = tpu.vector_load %arg8[%get3A_639, %get3A_640] {strides = array<i32>} : memref<200x64xf32, #tpu.memory_space<vmem>>, vector<1x16xf32>,
        %get3A_642 = vector.shape_cast %get3A_641 : vector<1x16xf32> to vector<16xf32>
        %swap3A_643 = arith.constant 2 : i32
        %swap3A_644 = arith.index_cast %swap3A_643 : i32 to index
        %swap3A_645 = arith.index_cast %scan3A_627 : i32 to index
        %swap3A_646 = arith.constant 16 : index
        %swap3A_647 = tpu.vector_load %arg7[%swap3A_644, %swap3A_645, %swap3A_646] {strides = array<i32>} : memref<4x200x64xf32, #tpu.memory_space<vmem>>, vector<1x1x16xf32>,
        %swap3A_648 = vector.shape_cast %swap3A_647 : vector<1x1x16xf32> to vector<16xf32>
        %swap3A_649 = vector.shape_cast %get3A_642 : vector<16xf32> to vector<1x1x16xf32>
        tpu.vector_store %arg7[%swap3A_644, %swap3A_645, %swap3A_646], %swap3A_649 {add = true, strides = array<i32>} : memref<4x200x64xf32, #tpu.memory_space<vmem>>, vector<1x1x16xf32>,
        %get3A_650 = arith.index_cast %scan3A_627 : i32 to index
        %get3A_651 = arith.constant 32 : index
        %get3A_652 = tpu.vector_load %arg8[%get3A_650, %get3A_651] {strides = array<i32>} : memref<200x64xf32, #tpu.memory_space<vmem>>, vector<1x16xf32>,
        %get3A_653 = vector.shape_cast %get3A_652 : vector<1x16xf32> to vector<16xf32>
        %swap3A_654 = arith.constant 2 : i32
        %swap3A_655 = arith.index_cast %swap3A_654 : i32 to index
        %swap3A_656 = arith.index_cast %scan3A_627 : i32 to index
        %swap3A_657 = arith.constant 32 : index
        %swap3A_658 = tpu.vector_load %arg7[%swap3A_655, %swap3A_656, %swap3A_657] {strides = array<i32>} : memref<4x200x64xf32, #tpu.memory_space<vmem>>, vector<1x1x16xf32>,
        %swap3A_659 = vector.shape_cast %swap3A_658 : vector<1x1x16xf32> to vector<16xf32>
        %swap3A_660 = vector.shape_cast %get3A_653 : vector<16xf32> to vector<1x1x16xf32>
        tpu.vector_store %arg7[%swap3A_655, %swap3A_656, %swap3A_657], %swap3A_660 {add = true, strides = array<i32>} : memref<4x200x64xf32, #tpu.memory_space<vmem>>, vector<1x1x16xf32>,
        %get3A_661 = arith.index_cast %scan3A_627 : i32 to index
        %get3A_662 = arith.constant 48 : index
        %get3A_663 = tpu.vector_load %arg8[%get3A_661, %get3A_662] {strides = array<i32>} : memref<200x64xf32, #tpu.memory_space<vmem>>, vector<1x16xf32>,
        %get3A_664 = vector.shape_cast %get3A_663 : vector<1x16xf32> to vector<16xf32>
        %swap3A_665 = arith.constant 2 : i32
        %swap3A_666 = arith.index_cast %swap3A_665 : i32 to index
        %swap3A_667 = arith.index_cast %scan3A_627 : i32 to index
        %swap3A_668 = arith.constant 48 : index
        %swap3A_669 = tpu.vector_load %arg7[%swap3A_666, %swap3A_667, %swap3A_668] {strides = array<i32>} : memref<4x200x64xf32, #tpu.memory_space<vmem>>, vector<1x1x16xf32>,
        %swap3A_670 = vector.shape_cast %swap3A_669 : vector<1x1x16xf32> to vector<16xf32>
        %swap3A_671 = vector.shape_cast %get3A_664 : vector<16xf32> to vector<1x1x16xf32>
        tpu.vector_store %arg7[%swap3A_666, %swap3A_667, %swap3A_668], %swap3A_671 {add = true, strides = array<i32>} : memref<4x200x64xf32, #tpu.memory_space<vmem>>, vector<1x1x16xf32>,
        %scan3A_672 = arith.constant 6 : i32
        %scan3A_673 = arith.addi %scan3A_399, %scan3A_672 : i32
        %get3A_674 = arith.index_cast %scan3A_673 : i32 to index
        %get3A_675 = arith.constant 0 : index
        %get3A_676 = tpu.vector_load %arg8[%get3A_674, %get3A_675] {strides = array<i32>} : memref<200x64xf32, #tpu.memory_space<vmem>>, vector<1x16xf32>,
        %get3A_677 = vector.shape_cast %get3A_676 : vector<1x16xf32> to vector<16xf32>
        %swap3A_678 = arith.constant 2 : i32
        %swap3A_679 = arith.index_cast %swap3A_678 : i32 to index
        %swap3A_680 = arith.index_cast %scan3A_673 : i32 to index
        %swap3A_681 = arith.constant 0 : index
        %swap3A_682 = tpu.vector_load %arg7[%swap3A_679, %swap3A_680, %swap3A_681] {strides = array<i32>} : memref<4x200x64xf32, #tpu.memory_space<vmem>>, vector<1x1x16xf32>,
        %swap3A_683 = vector.shape_cast %swap3A_682 : vector<1x1x16xf32> to vector<16xf32>
        %swap3A_684 = vector.shape_cast %get3A_677 : vector<16xf32> to vector<1x1x16xf32>
        tpu.vector_store %arg7[%swap3A_679, %swap3A_680, %swap3A_681], %swap3A_684 {add = true, strides = array<i32>} : memref<4x200x64xf32, #tpu.memory_space<vmem>>, vector<1x1x16xf32>,
        %get3A_685 = arith.index_cast %scan3A_673 : i32 to index
        %get3A_686 = arith.constant 16 : index
        %get3A_687 = tpu.vector_load %arg8[%get3A_685, %get3A_686] {strides = array<i32>} : memref<200x64xf32, #tpu.memory_space<vmem>>, vector<1x16xf32>,
        %get3A_688 = vector.shape_cast %get3A_687 : vector<1x16xf32> to vector<16xf32>
        %swap3A_689 = arith.constant 2 : i32
        %swap3A_690 = arith.index_cast %swap3A_689 : i32 to index
        %swap3A_691 = arith.index_cast %scan3A_673 : i32 to index
        %swap3A_692 = arith.constant 16 : index
        %swap3A_693 = tpu.vector_load %arg7[%swap3A_690, %swap3A_691, %swap3A_692] {strides = array<i32>} : memref<4x200x64xf32, #tpu.memory_space<vmem>>, vector<1x1x16xf32>,
        %swap3A_694 = vector.shape_cast %swap3A_693 : vector<1x1x16xf32> to vector<16xf32>
        %swap3A_695 = vector.shape_cast %get3A_688 : vector<16xf32> to vector<1x1x16xf32>
        tpu.vector_store %arg7[%swap3A_690, %swap3A_691, %swap3A_692], %swap3A_695 {add = true, strides = array<i32>} : memref<4x200x64xf32, #tpu.memory_space<vmem>>, vector<1x1x16xf32>,
        %get3A_696 = arith.index_cast %scan3A_673 : i32 to index
        %get3A_697 = arith.constant 32 : index
        %get3A_698 = tpu.vector_load %arg8[%get3A_696, %get3A_697] {strides = array<i32>} : memref<200x64xf32, #tpu.memory_space<vmem>>, vector<1x16xf32>,
        %get3A_699 = vector.shape_cast %get3A_698 : vector<1x16xf32> to vector<16xf32>
        %swap3A_700 = arith.constant 2 : i32
        %swap3A_701 = arith.index_cast %swap3A_700 : i32 to index
        %swap3A_702 = arith.index_cast %scan3A_673 : i32 to index
        %swap3A_703 = arith.constant 32 : index
        %swap3A_704 = tpu.vector_load %arg7[%swap3A_701, %swap3A_702, %swap3A_703] {strides = array<i32>} : memref<4x200x64xf32, #tpu.memory_space<vmem>>, vector<1x1x16xf32>,
        %swap3A_705 = vector.shape_cast %swap3A_704 : vector<1x1x16xf32> to vector<16xf32>
        %swap3A_706 = vector.shape_cast %get3A_699 : vector<16xf32> to vector<1x1x16xf32>
        tpu.vector_store %arg7[%swap3A_701, %swap3A_702, %swap3A_703], %swap3A_706 {add = true, strides = array<i32>} : memref<4x200x64xf32, #tpu.memory_space<vmem>>, vector<1x1x16xf32>,
        %get3A_707 = arith.index_cast %scan3A_673 : i32 to index
        %get3A_708 = arith.constant 48 : index
        %get3A_709 = tpu.vector_load %arg8[%get3A_707, %get3A_708] {strides = array<i32>} : memref<200x64xf32, #tpu.memory_space<vmem>>, vector<1x16xf32>,
        %get3A_710 = vector.shape_cast %get3A_709 : vector<1x16xf32> to vector<16xf32>
        %swap3A_711 = arith.constant 2 : i32
        %swap3A_712 = arith.index_cast %swap3A_711 : i32 to index
        %swap3A_713 = arith.index_cast %scan3A_673 : i32 to index
        %swap3A_714 = arith.constant 48 : index
        %swap3A_715 = tpu.vector_load %arg7[%swap3A_712, %swap3A_713, %swap3A_714] {strides = array<i32>} : memref<4x200x64xf32, #tpu.memory_space<vmem>>, vector<1x1x16xf32>,
        %swap3A_716 = vector.shape_cast %swap3A_715 : vector<1x1x16xf32> to vector<16xf32>
        %swap3A_717 = vector.shape_cast %get3A_710 : vector<16xf32> to vector<1x1x16xf32>
        tpu.vector_store %arg7[%swap3A_712, %swap3A_713, %swap3A_714], %swap3A_717 {add = true, strides = array<i32>} : memref<4x200x64xf32, #tpu.memory_space<vmem>>, vector<1x1x16xf32>,
        %scan3A_718 = arith.constant 7 : i32
        %scan3A_719 = arith.addi %scan3A_399, %scan3A_718 : i32
        %get3A_720 = arith.index_cast %scan3A_719 : i32 to index
        %get3A_721 = arith.constant 0 : index
        %get3A_722 = tpu.vector_load %arg8[%get3A_720, %get3A_721] {strides = array<i32>} : memref<200x64xf32, #tpu.memory_space<vmem>>, vector<1x16xf32>,
        %get3A_723 = vector.shape_cast %get3A_722 : vector<1x16xf32> to vector<16xf32>
        %swap3A_724 = arith.constant 2 : i32
        %swap3A_725 = arith.index_cast %swap3A_724 : i32 to index
        %swap3A_726 = arith.index_cast %scan3A_719 : i32 to index
        %swap3A_727 = arith.constant 0 : index
        %swap3A_728 = tpu.vector_load %arg7[%swap3A_725, %swap3A_726, %swap3A_727] {strides = array<i32>} : memref<4x200x64xf32, #tpu.memory_space<vmem>>, vector<1x1x16xf32>,
        %swap3A_729 = vector.shape_cast %swap3A_728 : vector<1x1x16xf32> to vector<16xf32>
        %swap3A_730 = vector.shape_cast %get3A_723 : vector<16xf32> to vector<1x1x16xf32>
        tpu.vector_store %arg7[%swap3A_725, %swap3A_726, %swap3A_727], %swap3A_730 {add = true, strides = array<i32>} : memref<4x200x64xf32, #tpu.memory_space<vmem>>, vector<1x1x16xf32>,
        %get3A_731 = arith.index_cast %scan3A_719 : i32 to index
        %get3A_732 = arith.constant 16 : index
        %get3A_733 = tpu.vector_load %arg8[%get3A_731, %get3A_732] {strides = array<i32>} : memref<200x64xf32, #tpu.memory_space<vmem>>, vector<1x16xf32>,
        %get3A_734 = vector.shape_cast %get3A_733 : vector<1x16xf32> to vector<16xf32>
        %swap3A_735 = arith.constant 2 : i32
        %swap3A_736 = arith.index_cast %swap3A_735 : i32 to index
        %swap3A_737 = arith.index_cast %scan3A_719 : i32 to index
        %swap3A_738 = arith.constant 16 : index
        %swap3A_739 = tpu.vector_load %arg7[%swap3A_736, %swap3A_737, %swap3A_738] {strides = array<i32>} : memref<4x200x64xf32, #tpu.memory_space<vmem>>, vector<1x1x16xf32>,
        %swap3A_740 = vector.shape_cast %swap3A_739 : vector<1x1x16xf32> to vector<16xf32>
        %swap3A_741 = vector.shape_cast %get3A_734 : vector<16xf32> to vector<1x1x16xf32>
        tpu.vector_store %arg7[%swap3A_736, %swap3A_737, %swap3A_738], %swap3A_741 {add = true, strides = array<i32>} : memref<4x200x64xf32, #tpu.memory_space<vmem>>, vector<1x1x16xf32>,
        %get3A_742 = arith.index_cast %scan3A_719 : i32 to index
        %get3A_743 = arith.constant 32 : index
        %get3A_744 = tpu.vector_load %arg8[%get3A_742, %get3A_743] {strides = array<i32>} : memref<200x64xf32, #tpu.memory_space<vmem>>, vector<1x16xf32>,
        %get3A_745 = vector.shape_cast %get3A_744 : vector<1x16xf32> to vector<16xf32>
        %swap3A_746 = arith.constant 2 : i32
        %swap3A_747 = arith.index_cast %swap3A_746 : i32 to index
        %swap3A_748 = arith.index_cast %scan3A_719 : i32 to index
        %swap3A_749 = arith.constant 32 : index
        %swap3A_750 = tpu.vector_load %arg7[%swap3A_747, %swap3A_748, %swap3A_749] {strides = array<i32>} : memref<4x200x64xf32, #tpu.memory_space<vmem>>, vector<1x1x16xf32>,
        %swap3A_751 = vector.shape_cast %swap3A_750 : vector<1x1x16xf32> to vector<16xf32>
        %swap3A_752 = vector.shape_cast %get3A_745 : vector<16xf32> to vector<1x1x16xf32>
        tpu.vector_store %arg7[%swap3A_747, %swap3A_748, %swap3A_749], %swap3A_752 {add = true, strides = array<i32>} : memref<4x200x64xf32, #tpu.memory_space<vmem>>, vector<1x1x16xf32>,
        %get3A_753 = arith.index_cast %scan3A_719 : i32 to index
        %get3A_754 = arith.constant 48 : index
        %get3A_755 = tpu.vector_load %arg8[%get3A_753, %get3A_754] {strides = array<i32>} : memref<200x64xf32, #tpu.memory_space<vmem>>, vector<1x16xf32>,
        %get3A_756 = vector.shape_cast %get3A_755 : vector<1x16xf32> to vector<16xf32>
        %swap3A_757 = arith.constant 2 : i32
        %swap3A_758 = arith.index_cast %swap3A_757 : i32 to index
        %swap3A_759 = arith.index_cast %scan3A_719 : i32 to index
        %swap3A_760 = arith.constant 48 : index
        %swap3A_761 = tpu.vector_load %arg7[%swap3A_758, %swap3A_759, %swap3A_760] {strides = array<i32>} : memref<4x200x64xf32, #tpu.memory_space<vmem>>, vector<1x1x16xf32>,
        %swap3A_762 = vector.shape_cast %swap3A_761 : vector<1x1x16xf32> to vector<16xf32>
        %swap3A_763 = vector.shape_cast %get3A_756 : vector<16xf32> to vector<1x1x16xf32>
        tpu.vector_store %arg7[%swap3A_758, %swap3A_759, %swap3A_760], %swap3A_763 {add = true, strides = array<i32>} : memref<4x200x64xf32, #tpu.memory_space<vmem>>, vector<1x1x16xf32>,
      }
      %scan3A_294 = arith.constant 200 : i32
      %add3A_295 = arith.addi %mul3A_2, %add3A_258 : i32
      %dma_start3A_296 = arith.constant 2 : i32
      %dma_start3A_297 = arith.constant 2 : i32
      %dma_start3A_298 = arith.constant 0 : i32
      %dma_start3A_299 = arith.constant 0 : i32
      %dma_start3A_300 = tpu.memref_slice %arg7[%dma_start3A_296, %dma_start3A_298, %dma_start3A_299] : memref<4x200x64xf32, #tpu.memory_space<vmem>> -> memref<1x200x64xf32, #tpu.memory_space<vmem>>
      %dma_start3A_301 = tpu.memref_squeeze %dma_start3A_300 : memref<1x200x64xf32, #tpu.memory_space<vmem>> -> memref<200x64xf32, #tpu.memory_space<vmem>>
      %dma_start3A_302 = arith.constant 0 : i32
      %dma_start3A_303 = arith.constant 0 : i32
      %dma_start3A_304 = tpu.memref_slice %arg5[%add3A_295, %dma_start3A_302, %dma_start3A_303] : memref<4096x200x128xf32, #tpu.memory_space<hbm>> -> memref<1x200x64xf32, #tpu.memory_space<hbm>>
      %dma_start3A_305 = tpu.memref_squeeze %dma_start3A_304 : memref<1x200x64xf32, #tpu.memory_space<hbm>> -> memref<200x64xf32, #tpu.memory_space<hbm>>
      %dma_start3A_306 = tpu.memref_slice %arg10[%dma_start3A_297] : memref<4x!tpu.dma_semaphore, #tpu.memory_space<semaphore_mem>> -> memref<1x!tpu.dma_semaphore, #tpu.memory_space<semaphore_mem>>
      %dma_start3A_307 = tpu.memref_squeeze %dma_start3A_306 : memref<1x!tpu.dma_semaphore, #tpu.memory_space<semaphore_mem>> -> memref<!tpu.dma_semaphore, #tpu.memory_space<semaphore_mem>>
      %dma_start3A_308 = arith.constant 0 : i32
      %dma_start3A_309 = arith.constant 0 : i32
      %dma_start3A_310 = tpu.memref_slice %arg5[%add3A_295, %dma_start3A_308, %dma_start3A_309] : memref<4096x200x128xf32, #tpu.memory_space<hbm>> -> memref<1x200x64xf32, #tpu.memory_space<hbm>>
      %dma_start3A_311 = tpu.memref_squeeze %dma_start3A_310 : memref<1x200x64xf32, #tpu.memory_space<hbm>> -> memref<200x64xf32, #tpu.memory_space<hbm>>
      %dma_start3A_312 = arith.constant 0 : i32
      %dma_start3A_313 = arith.constant 0 : i32
      %dma_start3A_314 = tpu.memref_slice %arg7[%dma_start3A_296, %dma_start3A_312, %dma_start3A_313] : memref<4x200x64xf32, #tpu.memory_space<vmem>> -> memref<1x200x64xf32, #tpu.memory_space<vmem>>
      %dma_start3A_315 = tpu.memref_squeeze %dma_start3A_314 : memref<1x200x64xf32, #tpu.memory_space<vmem>> -> memref<200x64xf32, #tpu.memory_space<vmem>>
      tpu.enqueue_dma source(%dma_start3A_315 : memref<200x64xf32, #tpu.memory_space<vmem>>) target(%dma_start3A_311 : memref<200x64xf32, #tpu.memory_space<hbm>>) target_semaphore(%dma_start3A_307 : memref<!tpu.dma_semaphore, #tpu.memory_space<semaphore_mem>>)
      %ge3A_316 = arith.constant 1 : i32
      %ge3A_317 = arith.cmpi sge, %add3A_258, %ge3A_316 : i32
      %convert_element_type3A_318 = arith.extui %ge3A_317 : i1 to i32
      %cond3A_319 = arith.constant 0 : i32
      %cond3A_320 = arith.cmpi ne, %convert_element_type3A_318, %cond3A_319 : i32
      scf.if %cond3A_320 {
        %dma_wait3A_399 = arith.constant 1 : i32
        %dma_wait3A_400 = arith.constant 1 : i32
        %dma_wait3A_401 = arith.constant 0 : i32
        %dma_wait3A_402 = arith.constant 0 : i32
        %dma_wait3A_403 = tpu.memref_slice %arg7[%dma_wait3A_399, %dma_wait3A_401, %dma_wait3A_402] : memref<4x200x64xf32, #tpu.memory_space<vmem>> -> memref<1x200x64xf32, #tpu.memory_space<vmem>>
        %dma_wait3A_404 = tpu.memref_squeeze %dma_wait3A_403 : memref<1x200x64xf32, #tpu.memory_space<vmem>> -> memref<200x64xf32, #tpu.memory_space<vmem>>
        %dma_wait3A_405 = arith.constant 0 : i32
        %dma_wait3A_406 = arith.constant 0 : i32
        %dma_wait3A_407 = tpu.memref_slice %arg5[%mul3A_2, %dma_wait3A_405, %dma_wait3A_406] : memref<4096x200x128xf32, #tpu.memory_space<hbm>> -> memref<1x200x64xf32, #tpu.memory_space<hbm>>
        %dma_wait3A_408 = tpu.memref_squeeze %dma_wait3A_407 : memref<1x200x64xf32, #tpu.memory_space<hbm>> -> memref<200x64xf32, #tpu.memory_space<hbm>>
        %dma_wait3A_409 = tpu.memref_slice %arg10[%dma_wait3A_400] : memref<4x!tpu.dma_semaphore, #tpu.memory_space<semaphore_mem>> -> memref<1x!tpu.dma_semaphore, #tpu.memory_space<semaphore_mem>>
        %dma_wait3A_410 = tpu.memref_squeeze %dma_wait3A_409 : memref<1x!tpu.dma_semaphore, #tpu.memory_space<semaphore_mem>> -> memref<!tpu.dma_semaphore, #tpu.memory_space<semaphore_mem>>
        %dma_wait3A_411 = arith.constant 0 : i32
        %dma_wait3A_412 = arith.constant 0 : i32
        %dma_wait3A_413 = tpu.memref_slice %arg5[%mul3A_2, %dma_wait3A_411, %dma_wait3A_412] : memref<4096x200x128xf32, #tpu.memory_space<hbm>> -> memref<1x200x64xf32, #tpu.memory_space<hbm>>
        %dma_wait3A_414 = tpu.memref_squeeze %dma_wait3A_413 : memref<1x200x64xf32, #tpu.memory_space<hbm>> -> memref<200x64xf32, #tpu.memory_space<hbm>>
        %dma_wait3A_415 = arith.constant 0 : i32
        %dma_wait3A_416 = arith.constant 0 : i32
        %dma_wait3A_417 = tpu.memref_slice %arg7[%dma_wait3A_399, %dma_wait3A_415, %dma_wait3A_416] : memref<4x200x64xf32, #tpu.memory_space<vmem>> -> memref<1x200x64xf32, #tpu.memory_space<vmem>>
        %dma_wait3A_418 = tpu.memref_squeeze %dma_wait3A_417 : memref<1x200x64xf32, #tpu.memory_space<vmem>> -> memref<200x64xf32, #tpu.memory_space<vmem>>
        tpu.wait_dma2 semaphore(%dma_wait3A_410 : memref<!tpu.dma_semaphore, #tpu.memory_space<semaphore_mem>>) src(%dma_wait3A_418 : memref<200x64xf32, #tpu.memory_space<vmem>>) dst(%dma_wait3A_414 : memref<200x64xf32, #tpu.memory_space<hbm>>)
      } else {
      }
      %add3A_321 = arith.constant 3 : i32
      %add3A_322 = arith.addi %add3A_258, %add3A_321 : i32
      %lt3A_323 = arith.constant 128 : i32
      %lt3A_324 = arith.cmpi slt, %add3A_322, %lt3A_323 : i32
      %convert_element_type3A_325 = arith.extui %lt3A_324 : i1 to i32
      %cond3A_326 = arith.constant 0 : i32
      %cond3A_327 = arith.cmpi ne, %convert_element_type3A_325, %cond3A_326 : i32
      scf.if %cond3A_327 {
        %add3A_399 = arith.constant 3 : i32
        %add3A_400 = arith.addi %add3A_258, %add3A_399 : i32
        %dma_start3A_401 = arith.constant 1 : i32
        %dma_start3A_402 = arith.constant 1 : i32
        %dma_start3A_403 = arith.constant 0 : i32
        %dma_start3A_404 = arith.constant 0 : i32
        %dma_start3A_405 = tpu.memref_slice %arg7[%dma_start3A_401, %dma_start3A_403, %dma_start3A_404] : memref<4x200x64xf32, #tpu.memory_space<vmem>> -> memref<1x104x64xf32, #tpu.memory_space<vmem>>
        %dma_start3A_406 = tpu.memref_squeeze %dma_start3A_405 : memref<1x104x64xf32, #tpu.memory_space<vmem>> -> memref<104x64xf32, #tpu.memory_space<vmem>>
        %dma_start3A_407 = arith.constant 0 : i32
        %dma_start3A_408 = tpu.memref_slice %arg6[%add3A_400, %dma_start3A_407] : memref<128x200xi32, #tpu.memory_space<vmem>> -> memref<1x104xi32, #tpu.memory_space<vmem>>
        %dma_start3A_409 = tpu.memref_squeeze %dma_start3A_408 : memref<1x104xi32, #tpu.memory_space<vmem>> -> memref<104xi32, #tpu.memory_space<vmem>>
        %dma_start3A_410 = arith.constant 0 : i32
        %dma_start3A_411 = arith.constant 0 : i32
        %dma_start3A_412 = tpu.memref_slice %arg3[%dma_start3A_410, %dma_start3A_411] : memref<100000x64xf32, #tpu.memory_space<hbm>> -> memref<100000x64xf32, #tpu.memory_space<hbm>>
        %dma_start3A_413 = tpu.memref_slice %arg9[%dma_start3A_402] : memref<4x!tpu.dma_semaphore, #tpu.memory_space<semaphore_mem>> -> memref<1x!tpu.dma_semaphore, #tpu.memory_space<semaphore_mem>>
        %dma_start3A_414 = tpu.memref_squeeze %dma_start3A_413 : memref<1x!tpu.dma_semaphore, #tpu.memory_space<semaphore_mem>> -> memref<!tpu.dma_semaphore, #tpu.memory_space<semaphore_mem>>
        tpu.enqueue_indirect_dma source(%dma_start3A_412 : memref<100000x64xf32, #tpu.memory_space<hbm>>) target(%dma_start3A_406 : memref<104x64xf32, #tpu.memory_space<vmem>>) offsets(%dma_start3A_409 : memref<104xi32, #tpu.memory_space<vmem>>) semaphore(%dma_start3A_414 : memref<!tpu.dma_semaphore, #tpu.memory_space<semaphore_mem>>)
        %dma_start3A_415 = arith.constant 1 : i32
        %dma_start3A_416 = arith.constant 1 : i32
        %dma_start3A_417 = arith.constant 104 : i32
        %dma_start3A_418 = arith.constant 0 : i32
        %dma_start3A_419 = tpu.memref_slice %arg7[%dma_start3A_415, %dma_start3A_417, %dma_start3A_418] : memref<4x200x64xf32, #tpu.memory_space<vmem>> -> memref<1x96x64xf32, #tpu.memory_space<vmem>>
        %dma_start3A_420 = tpu.memref_squeeze %dma_start3A_419 : memref<1x96x64xf32, #tpu.memory_space<vmem>> -> memref<96x64xf32, #tpu.memory_space<vmem>>
        %dma_start3A_421 = arith.constant 104 : i32
        %dma_start3A_422 = tpu.memref_slice %arg6[%add3A_400, %dma_start3A_421] : memref<128x200xi32, #tpu.memory_space<vmem>> -> memref<1x96xi32, #tpu.memory_space<vmem>>
        %dma_start3A_423 = tpu.memref_squeeze %dma_start3A_422 : memref<1x96xi32, #tpu.memory_space<vmem>> -> memref<96xi32, #tpu.memory_space<vmem>>
        %dma_start3A_424 = arith.constant 0 : i32
        %dma_start3A_425 = arith.constant 0 : i32
        %dma_start3A_426 = tpu.memref_slice %arg3[%dma_start3A_424, %dma_start3A_425] : memref<100000x64xf32, #tpu.memory_space<hbm>> -> memref<100000x64xf32, #tpu.memory_space<hbm>>
        %dma_start3A_427 = tpu.memref_slice %arg9[%dma_start3A_416] : memref<4x!tpu.dma_semaphore, #tpu.memory_space<semaphore_mem>> -> memref<1x!tpu.dma_semaphore, #tpu.memory_space<semaphore_mem>>
        %dma_start3A_428 = tpu.memref_squeeze %dma_start3A_427 : memref<1x!tpu.dma_semaphore, #tpu.memory_space<semaphore_mem>> -> memref<!tpu.dma_semaphore, #tpu.memory_space<semaphore_mem>>
        tpu.enqueue_indirect_dma source(%dma_start3A_426 : memref<100000x64xf32, #tpu.memory_space<hbm>>) target(%dma_start3A_420 : memref<96x64xf32, #tpu.memory_space<vmem>>) offsets(%dma_start3A_423 : memref<96xi32, #tpu.memory_space<vmem>>) semaphore(%dma_start3A_428 : memref<!tpu.dma_semaphore, #tpu.memory_space<semaphore_mem>>)
      } else {
      }
      %add3A_328 = arith.constant 3 : i32
      %add3A_329 = arith.addi %mul3A_118, %add3A_328 : i32
      %dma_wait3A_330 = arith.constant 0 : i32
      %dma_wait3A_331 = arith.constant 3 : i32
      %dma_wait3A_332 = arith.constant 3 : i32
      %dma_wait3A_333 = arith.constant 0 : i32
      %dma_wait3A_334 = arith.constant 0 : i32
      %dma_wait3A_335 = tpu.memref_slice %arg7[%dma_wait3A_331, %dma_wait3A_333, %dma_wait3A_334] : memref<4x200x64xf32, #tpu.memory_space<vmem>> -> memref<1x104x64xf32, #tpu.memory_space<vmem>>
      %dma_wait3A_336 = tpu.memref_squeeze %dma_wait3A_335 : memref<1x104x64xf32, #tpu.memory_space<vmem>> -> memref<104x64xf32, #tpu.memory_space<vmem>>
      %dma_wait3A_337 = arith.constant 0 : i32
      %dma_wait3A_338 = tpu.memref_slice %arg6[%dma_wait3A_330, %dma_wait3A_337] : memref<128x200xi32, #tpu.memory_space<vmem>> -> memref<1x104xi32, #tpu.memory_space<vmem>>
      %dma_wait3A_339 = tpu.memref_squeeze %dma_wait3A_338 : memref<1x104xi32, #tpu.memory_space<vmem>> -> memref<104xi32, #tpu.memory_space<vmem>>
      %dma_wait3A_340 = arith.constant 0 : i32
      %dma_wait3A_341 = arith.constant 0 : i32
      %dma_wait3A_342 = tpu.memref_slice %arg3[%dma_wait3A_340, %dma_wait3A_341] : memref<100000x64xf32, #tpu.memory_space<hbm>> -> memref<100000x64xf32, #tpu.memory_space<hbm>>
      %dma_wait3A_343 = tpu.memref_slice %arg9[%dma_wait3A_332] : memref<4x!tpu.dma_semaphore, #tpu.memory_space<semaphore_mem>> -> memref<1x!tpu.dma_semaphore, #tpu.memory_space<semaphore_mem>>
      %dma_wait3A_344 = tpu.memref_squeeze %dma_wait3A_343 : memref<1x!tpu.dma_semaphore, #tpu.memory_space<semaphore_mem>> -> memref<!tpu.dma_semaphore, #tpu.memory_space<semaphore_mem>>
      tpu.wait_indirect_dma semaphore(%dma_wait3A_344 : memref<!tpu.dma_semaphore, #tpu.memory_space<semaphore_mem>>) src(%dma_wait3A_342 : memref<100000x64xf32, #tpu.memory_space<hbm>>) dst(%dma_wait3A_336 : memref<104x64xf32, #tpu.memory_space<vmem>>)
      %dma_wait3A_345 = arith.constant 0 : i32
      %dma_wait3A_346 = arith.constant 3 : i32
      %dma_wait3A_347 = arith.constant 3 : i32
      %dma_wait3A_348 = arith.constant 104 : i32
      %dma_wait3A_349 = arith.constant 0 : i32
      %dma_wait3A_350 = tpu.memref_slice %arg7[%dma_wait3A_346, %dma_wait3A_348, %dma_wait3A_349] : memref<4x200x64xf32, #tpu.memory_space<vmem>> -> memref<1x96x64xf32, #tpu.memory_space<vmem>>
      %dma_wait3A_351 = tpu.memref_squeeze %dma_wait3A_350 : memref<1x96x64xf32, #tpu.memory_space<vmem>> -> memref<96x64xf32, #tpu.memory_space<vmem>>
      %dma_wait3A_352 = arith.constant 104 : i32
      %dma_wait3A_353 = tpu.memref_slice %arg6[%dma_wait3A_345, %dma_wait3A_352] : memref<128x200xi32, #tpu.memory_space<vmem>> -> memref<1x96xi32, #tpu.memory_space<vmem>>
      %dma_wait3A_354 = tpu.memref_squeeze %dma_wait3A_353 : memref<1x96xi32, #tpu.memory_space<vmem>> -> memref<96xi32, #tpu.memory_space<vmem>>
      %dma_wait3A_355 = arith.constant 0 : i32
      %dma_wait3A_356 = arith.constant 0 : i32
      %dma_wait3A_357 = tpu.memref_slice %arg3[%dma_wait3A_355, %dma_wait3A_356] : memref<100000x64xf32, #tpu.memory_space<hbm>> -> memref<100000x64xf32, #tpu.memory_space<hbm>>
      %dma_wait3A_358 = tpu.memref_slice %arg9[%dma_wait3A_347] : memref<4x!tpu.dma_semaphore, #tpu.memory_space<semaphore_mem>> -> memref<1x!tpu.dma_semaphore, #tpu.memory_space<semaphore_mem>>
      %dma_wait3A_359 = tpu.memref_squeeze %dma_wait3A_358 : memref<1x!tpu.dma_semaphore, #tpu.memory_space<semaphore_mem>> -> memref<!tpu.dma_semaphore, #tpu.memory_space<semaphore_mem>>
      tpu.wait_indirect_dma semaphore(%dma_wait3A_359 : memref<!tpu.dma_semaphore, #tpu.memory_space<semaphore_mem>>) src(%dma_wait3A_357 : memref<100000x64xf32, #tpu.memory_space<hbm>>) dst(%dma_wait3A_351 : memref<96x64xf32, #tpu.memory_space<vmem>>)
      %scan3A_360 = arith.constant 0 : i32
      %scan3A_361 = arith.constant 0 : i32
      %scan3A_362 = arith.constant 200 : i32
      %scan3A_363 = arith.addi %scan3A_361, %scan3A_362 : i32
      %scan3A_364 = arith.constant 8 : i32
      scf.for %scan3A_399 = %scan3A_361 to %scan3A_363 step %scan3A_364  : i32 {
        %get3A = arith.index_cast %scan3A_399 : i32 to index
        %get3A_400 = arith.constant 0 : index
        %get3A_401 = tpu.vector_load %arg8[%get3A, %get3A_400] {strides = array<i32>} : memref<200x64xf32, #tpu.memory_space<vmem>>, vector<1x16xf32>,
        %get3A_402 = vector.shape_cast %get3A_401 : vector<1x16xf32> to vector<16xf32>
        %swap3A = arith.constant 3 : i32
        %swap3A_403 = arith.index_cast %swap3A : i32 to index
        %swap3A_404 = arith.index_cast %scan3A_399 : i32 to index
        %swap3A_405 = arith.constant 0 : index
        %swap3A_406 = tpu.vector_load %arg7[%swap3A_403, %swap3A_404, %swap3A_405] {strides = array<i32>} : memref<4x200x64xf32, #tpu.memory_space<vmem>>, vector<1x1x16xf32>,
        %swap3A_407 = vector.shape_cast %swap3A_406 : vector<1x1x16xf32> to vector<16xf32>
        %swap3A_408 = vector.shape_cast %get3A_402 : vector<16xf32> to vector<1x1x16xf32>
        tpu.vector_store %arg7[%swap3A_403, %swap3A_404, %swap3A_405], %swap3A_408 {add = true, strides = array<i32>} : memref<4x200x64xf32, #tpu.memory_space<vmem>>, vector<1x1x16xf32>,
        %get3A_409 = arith.index_cast %scan3A_399 : i32 to index
        %get3A_410 = arith.constant 16 : index
        %get3A_411 = tpu.vector_load %arg8[%get3A_409, %get3A_410] {strides = array<i32>} : memref<200x64xf32, #tpu.memory_space<vmem>>, vector<1x16xf32>,
        %get3A_412 = vector.shape_cast %get3A_411 : vector<1x16xf32> to vector<16xf32>
        %swap3A_413 = arith.constant 3 : i32
        %swap3A_414 = arith.index_cast %swap3A_413 : i32 to index
        %swap3A_415 = arith.index_cast %scan3A_399 : i32 to index
        %swap3A_416 = arith.constant 16 : index
        %swap3A_417 = tpu.vector_load %arg7[%swap3A_414, %swap3A_415, %swap3A_416] {strides = array<i32>} : memref<4x200x64xf32, #tpu.memory_space<vmem>>, vector<1x1x16xf32>,
        %swap3A_418 = vector.shape_cast %swap3A_417 : vector<1x1x16xf32> to vector<16xf32>
        %swap3A_419 = vector.shape_cast %get3A_412 : vector<16xf32> to vector<1x1x16xf32>
        tpu.vector_store %arg7[%swap3A_414, %swap3A_415, %swap3A_416], %swap3A_419 {add = true, strides = array<i32>} : memref<4x200x64xf32, #tpu.memory_space<vmem>>, vector<1x1x16xf32>,
        %get3A_420 = arith.index_cast %scan3A_399 : i32 to index
        %get3A_421 = arith.constant 32 : index
        %get3A_422 = tpu.vector_load %arg8[%get3A_420, %get3A_421] {strides = array<i32>} : memref<200x64xf32, #tpu.memory_space<vmem>>, vector<1x16xf32>,
        %get3A_423 = vector.shape_cast %get3A_422 : vector<1x16xf32> to vector<16xf32>
        %swap3A_424 = arith.constant 3 : i32
        %swap3A_425 = arith.index_cast %swap3A_424 : i32 to index
        %swap3A_426 = arith.index_cast %scan3A_399 : i32 to index
        %swap3A_427 = arith.constant 32 : index
        %swap3A_428 = tpu.vector_load %arg7[%swap3A_425, %swap3A_426, %swap3A_427] {strides = array<i32>} : memref<4x200x64xf32, #tpu.memory_space<vmem>>, vector<1x1x16xf32>,
        %swap3A_429 = vector.shape_cast %swap3A_428 : vector<1x1x16xf32> to vector<16xf32>
        %swap3A_430 = vector.shape_cast %get3A_423 : vector<16xf32> to vector<1x1x16xf32>
        tpu.vector_store %arg7[%swap3A_425, %swap3A_426, %swap3A_427], %swap3A_430 {add = true, strides = array<i32>} : memref<4x200x64xf32, #tpu.memory_space<vmem>>, vector<1x1x16xf32>,
        %get3A_431 = arith.index_cast %scan3A_399 : i32 to index
        %get3A_432 = arith.constant 48 : index
        %get3A_433 = tpu.vector_load %arg8[%get3A_431, %get3A_432] {strides = array<i32>} : memref<200x64xf32, #tpu.memory_space<vmem>>, vector<1x16xf32>,
        %get3A_434 = vector.shape_cast %get3A_433 : vector<1x16xf32> to vector<16xf32>
        %swap3A_435 = arith.constant 3 : i32
        %swap3A_436 = arith.index_cast %swap3A_435 : i32 to index
        %swap3A_437 = arith.index_cast %scan3A_399 : i32 to index
        %swap3A_438 = arith.constant 48 : index
        %swap3A_439 = tpu.vector_load %arg7[%swap3A_436, %swap3A_437, %swap3A_438] {strides = array<i32>} : memref<4x200x64xf32, #tpu.memory_space<vmem>>, vector<1x1x16xf32>,
        %swap3A_440 = vector.shape_cast %swap3A_439 : vector<1x1x16xf32> to vector<16xf32>
        %swap3A_441 = vector.shape_cast %get3A_434 : vector<16xf32> to vector<1x1x16xf32>
        tpu.vector_store %arg7[%swap3A_436, %swap3A_437, %swap3A_438], %swap3A_441 {add = true, strides = array<i32>} : memref<4x200x64xf32, #tpu.memory_space<vmem>>, vector<1x1x16xf32>,
        %scan3A_442 = arith.constant 1 : i32
        %scan3A_443 = arith.addi %scan3A_399, %scan3A_442 : i32
        %get3A_444 = arith.index_cast %scan3A_443 : i32 to index
        %get3A_445 = arith.constant 0 : index
        %get3A_446 = tpu.vector_load %arg8[%get3A_444, %get3A_445] {strides = array<i32>} : memref<200x64xf32, #tpu.memory_space<vmem>>, vector<1x16xf32>,
        %get3A_447 = vector.shape_cast %get3A_446 : vector<1x16xf32> to vector<16xf32>
        %swap3A_448 = arith.constant 3 : i32
        %swap3A_449 = arith.index_cast %swap3A_448 : i32 to index
        %swap3A_450 = arith.index_cast %scan3A_443 : i32 to index
        %swap3A_451 = arith.constant 0 : index
        %swap3A_452 = tpu.vector_load %arg7[%swap3A_449, %swap3A_450, %swap3A_451] {strides = array<i32>} : memref<4x200x64xf32, #tpu.memory_space<vmem>>, vector<1x1x16xf32>,
        %swap3A_453 = vector.shape_cast %swap3A_452 : vector<1x1x16xf32> to vector<16xf32>
        %swap3A_454 = vector.shape_cast %get3A_447 : vector<16xf32> to vector<1x1x16xf32>
        tpu.vector_store %arg7[%swap3A_449, %swap3A_450, %swap3A_451], %swap3A_454 {add = true, strides = array<i32>} : memref<4x200x64xf32, #tpu.memory_space<vmem>>, vector<1x1x16xf32>,
        %get3A_455 = arith.index_cast %scan3A_443 : i32 to index
        %get3A_456 = arith.constant 16 : index
        %get3A_457 = tpu.vector_load %arg8[%get3A_455, %get3A_456] {strides = array<i32>} : memref<200x64xf32, #tpu.memory_space<vmem>>, vector<1x16xf32>,
        %get3A_458 = vector.shape_cast %get3A_457 : vector<1x16xf32> to vector<16xf32>
        %swap3A_459 = arith.constant 3 : i32
        %swap3A_460 = arith.index_cast %swap3A_459 : i32 to index
        %swap3A_461 = arith.index_cast %scan3A_443 : i32 to index
        %swap3A_462 = arith.constant 16 : index
        %swap3A_463 = tpu.vector_load %arg7[%swap3A_460, %swap3A_461, %swap3A_462] {strides = array<i32>} : memref<4x200x64xf32, #tpu.memory_space<vmem>>, vector<1x1x16xf32>,
        %swap3A_464 = vector.shape_cast %swap3A_463 : vector<1x1x16xf32> to vector<16xf32>
        %swap3A_465 = vector.shape_cast %get3A_458 : vector<16xf32> to vector<1x1x16xf32>
        tpu.vector_store %arg7[%swap3A_460, %swap3A_461, %swap3A_462], %swap3A_465 {add = true, strides = array<i32>} : memref<4x200x64xf32, #tpu.memory_space<vmem>>, vector<1x1x16xf32>,
        %get3A_466 = arith.index_cast %scan3A_443 : i32 to index
        %get3A_467 = arith.constant 32 : index
        %get3A_468 = tpu.vector_load %arg8[%get3A_466, %get3A_467] {strides = array<i32>} : memref<200x64xf32, #tpu.memory_space<vmem>>, vector<1x16xf32>,
        %get3A_469 = vector.shape_cast %get3A_468 : vector<1x16xf32> to vector<16xf32>
        %swap3A_470 = arith.constant 3 : i32
        %swap3A_471 = arith.index_cast %swap3A_470 : i32 to index
        %swap3A_472 = arith.index_cast %scan3A_443 : i32 to index
        %swap3A_473 = arith.constant 32 : index
        %swap3A_474 = tpu.vector_load %arg7[%swap3A_471, %swap3A_472, %swap3A_473] {strides = array<i32>} : memref<4x200x64xf32, #tpu.memory_space<vmem>>, vector<1x1x16xf32>,
        %swap3A_475 = vector.shape_cast %swap3A_474 : vector<1x1x16xf32> to vector<16xf32>
        %swap3A_476 = vector.shape_cast %get3A_469 : vector<16xf32> to vector<1x1x16xf32>
        tpu.vector_store %arg7[%swap3A_471, %swap3A_472, %swap3A_473], %swap3A_476 {add = true, strides = array<i32>} : memref<4x200x64xf32, #tpu.memory_space<vmem>>, vector<1x1x16xf32>,
        %get3A_477 = arith.index_cast %scan3A_443 : i32 to index
        %get3A_478 = arith.constant 48 : index
        %get3A_479 = tpu.vector_load %arg8[%get3A_477, %get3A_478] {strides = array<i32>} : memref<200x64xf32, #tpu.memory_space<vmem>>, vector<1x16xf32>,
        %get3A_480 = vector.shape_cast %get3A_479 : vector<1x16xf32> to vector<16xf32>
        %swap3A_481 = arith.constant 3 : i32
        %swap3A_482 = arith.index_cast %swap3A_481 : i32 to index
        %swap3A_483 = arith.index_cast %scan3A_443 : i32 to index
        %swap3A_484 = arith.constant 48 : index
        %swap3A_485 = tpu.vector_load %arg7[%swap3A_482, %swap3A_483, %swap3A_484] {strides = array<i32>} : memref<4x200x64xf32, #tpu.memory_space<vmem>>, vector<1x1x16xf32>,
        %swap3A_486 = vector.shape_cast %swap3A_485 : vector<1x1x16xf32> to vector<16xf32>
        %swap3A_487 = vector.shape_cast %get3A_480 : vector<16xf32> to vector<1x1x16xf32>
        tpu.vector_store %arg7[%swap3A_482, %swap3A_483, %swap3A_484], %swap3A_487 {add = true, strides = array<i32>} : memref<4x200x64xf32, #tpu.memory_space<vmem>>, vector<1x1x16xf32>,
        %scan3A_488 = arith.constant 2 : i32
        %scan3A_489 = arith.addi %scan3A_399, %scan3A_488 : i32
        %get3A_490 = arith.index_cast %scan3A_489 : i32 to index
        %get3A_491 = arith.constant 0 : index
        %get3A_492 = tpu.vector_load %arg8[%get3A_490, %get3A_491] {strides = array<i32>} : memref<200x64xf32, #tpu.memory_space<vmem>>, vector<1x16xf32>,
        %get3A_493 = vector.shape_cast %get3A_492 : vector<1x16xf32> to vector<16xf32>
        %swap3A_494 = arith.constant 3 : i32
        %swap3A_495 = arith.index_cast %swap3A_494 : i32 to index
        %swap3A_496 = arith.index_cast %scan3A_489 : i32 to index
        %swap3A_497 = arith.constant 0 : index
        %swap3A_498 = tpu.vector_load %arg7[%swap3A_495, %swap3A_496, %swap3A_497] {strides = array<i32>} : memref<4x200x64xf32, #tpu.memory_space<vmem>>, vector<1x1x16xf32>,
        %swap3A_499 = vector.shape_cast %swap3A_498 : vector<1x1x16xf32> to vector<16xf32>
        %swap3A_500 = vector.shape_cast %get3A_493 : vector<16xf32> to vector<1x1x16xf32>
        tpu.vector_store %arg7[%swap3A_495, %swap3A_496, %swap3A_497], %swap3A_500 {add = true, strides = array<i32>} : memref<4x200x64xf32, #tpu.memory_space<vmem>>, vector<1x1x16xf32>,
        %get3A_501 = arith.index_cast %scan3A_489 : i32 to index
        %get3A_502 = arith.constant 16 : index
        %get3A_503 = tpu.vector_load %arg8[%get3A_501, %get3A_502] {strides = array<i32>} : memref<200x64xf32, #tpu.memory_space<vmem>>, vector<1x16xf32>,
        %get3A_504 = vector.shape_cast %get3A_503 : vector<1x16xf32> to vector<16xf32>
        %swap3A_505 = arith.constant 3 : i32
        %swap3A_506 = arith.index_cast %swap3A_505 : i32 to index
        %swap3A_507 = arith.index_cast %scan3A_489 : i32 to index
        %swap3A_508 = arith.constant 16 : index
        %swap3A_509 = tpu.vector_load %arg7[%swap3A_506, %swap3A_507, %swap3A_508] {strides = array<i32>} : memref<4x200x64xf32, #tpu.memory_space<vmem>>, vector<1x1x16xf32>,
        %swap3A_510 = vector.shape_cast %swap3A_509 : vector<1x1x16xf32> to vector<16xf32>
        %swap3A_511 = vector.shape_cast %get3A_504 : vector<16xf32> to vector<1x1x16xf32>
        tpu.vector_store %arg7[%swap3A_506, %swap3A_507, %swap3A_508], %swap3A_511 {add = true, strides = array<i32>} : memref<4x200x64xf32, #tpu.memory_space<vmem>>, vector<1x1x16xf32>,
        %get3A_512 = arith.index_cast %scan3A_489 : i32 to index
        %get3A_513 = arith.constant 32 : index
        %get3A_514 = tpu.vector_load %arg8[%get3A_512, %get3A_513] {strides = array<i32>} : memref<200x64xf32, #tpu.memory_space<vmem>>, vector<1x16xf32>,
        %get3A_515 = vector.shape_cast %get3A_514 : vector<1x16xf32> to vector<16xf32>
        %swap3A_516 = arith.constant 3 : i32
        %swap3A_517 = arith.index_cast %swap3A_516 : i32 to index
        %swap3A_518 = arith.index_cast %scan3A_489 : i32 to index
        %swap3A_519 = arith.constant 32 : index
        %swap3A_520 = tpu.vector_load %arg7[%swap3A_517, %swap3A_518, %swap3A_519] {strides = array<i32>} : memref<4x200x64xf32, #tpu.memory_space<vmem>>, vector<1x1x16xf32>,
        %swap3A_521 = vector.shape_cast %swap3A_520 : vector<1x1x16xf32> to vector<16xf32>
        %swap3A_522 = vector.shape_cast %get3A_515 : vector<16xf32> to vector<1x1x16xf32>
        tpu.vector_store %arg7[%swap3A_517, %swap3A_518, %swap3A_519], %swap3A_522 {add = true, strides = array<i32>} : memref<4x200x64xf32, #tpu.memory_space<vmem>>, vector<1x1x16xf32>,
        %get3A_523 = arith.index_cast %scan3A_489 : i32 to index
        %get3A_524 = arith.constant 48 : index
        %get3A_525 = tpu.vector_load %arg8[%get3A_523, %get3A_524] {strides = array<i32>} : memref<200x64xf32, #tpu.memory_space<vmem>>, vector<1x16xf32>,
        %get3A_526 = vector.shape_cast %get3A_525 : vector<1x16xf32> to vector<16xf32>
        %swap3A_527 = arith.constant 3 : i32
        %swap3A_528 = arith.index_cast %swap3A_527 : i32 to index
        %swap3A_529 = arith.index_cast %scan3A_489 : i32 to index
        %swap3A_530 = arith.constant 48 : index
        %swap3A_531 = tpu.vector_load %arg7[%swap3A_528, %swap3A_529, %swap3A_530] {strides = array<i32>} : memref<4x200x64xf32, #tpu.memory_space<vmem>>, vector<1x1x16xf32>,
        %swap3A_532 = vector.shape_cast %swap3A_531 : vector<1x1x16xf32> to vector<16xf32>
        %swap3A_533 = vector.shape_cast %get3A_526 : vector<16xf32> to vector<1x1x16xf32>
        tpu.vector_store %arg7[%swap3A_528, %swap3A_529, %swap3A_530], %swap3A_533 {add = true, strides = array<i32>} : memref<4x200x64xf32, #tpu.memory_space<vmem>>, vector<1x1x16xf32>,
        %scan3A_534 = arith.constant 3 : i32
        %scan3A_535 = arith.addi %scan3A_399, %scan3A_534 : i32
        %get3A_536 = arith.index_cast %scan3A_535 : i32 to index
        %get3A_537 = arith.constant 0 : index
        %get3A_538 = tpu.vector_load %arg8[%get3A_536, %get3A_537] {strides = array<i32>} : memref<200x64xf32, #tpu.memory_space<vmem>>, vector<1x16xf32>,
        %get3A_539 = vector.shape_cast %get3A_538 : vector<1x16xf32> to vector<16xf32>
        %swap3A_540 = arith.constant 3 : i32
        %swap3A_541 = arith.index_cast %swap3A_540 : i32 to index
        %swap3A_542 = arith.index_cast %scan3A_535 : i32 to index
        %swap3A_543 = arith.constant 0 : index
        %swap3A_544 = tpu.vector_load %arg7[%swap3A_541, %swap3A_542, %swap3A_543] {strides = array<i32>} : memref<4x200x64xf32, #tpu.memory_space<vmem>>, vector<1x1x16xf32>,
        %swap3A_545 = vector.shape_cast %swap3A_544 : vector<1x1x16xf32> to vector<16xf32>
        %swap3A_546 = vector.shape_cast %get3A_539 : vector<16xf32> to vector<1x1x16xf32>
        tpu.vector_store %arg7[%swap3A_541, %swap3A_542, %swap3A_543], %swap3A_546 {add = true, strides = array<i32>} : memref<4x200x64xf32, #tpu.memory_space<vmem>>, vector<1x1x16xf32>,
        %get3A_547 = arith.index_cast %scan3A_535 : i32 to index
        %get3A_548 = arith.constant 16 : index
        %get3A_549 = tpu.vector_load %arg8[%get3A_547, %get3A_548] {strides = array<i32>} : memref<200x64xf32, #tpu.memory_space<vmem>>, vector<1x16xf32>,
        %get3A_550 = vector.shape_cast %get3A_549 : vector<1x16xf32> to vector<16xf32>
        %swap3A_551 = arith.constant 3 : i32
        %swap3A_552 = arith.index_cast %swap3A_551 : i32 to index
        %swap3A_553 = arith.index_cast %scan3A_535 : i32 to index
        %swap3A_554 = arith.constant 16 : index
        %swap3A_555 = tpu.vector_load %arg7[%swap3A_552, %swap3A_553, %swap3A_554] {strides = array<i32>} : memref<4x200x64xf32, #tpu.memory_space<vmem>>, vector<1x1x16xf32>,
        %swap3A_556 = vector.shape_cast %swap3A_555 : vector<1x1x16xf32> to vector<16xf32>
        %swap3A_557 = vector.shape_cast %get3A_550 : vector<16xf32> to vector<1x1x16xf32>
        tpu.vector_store %arg7[%swap3A_552, %swap3A_553, %swap3A_554], %swap3A_557 {add = true, strides = array<i32>} : memref<4x200x64xf32, #tpu.memory_space<vmem>>, vector<1x1x16xf32>,
        %get3A_558 = arith.index_cast %scan3A_535 : i32 to index
        %get3A_559 = arith.constant 32 : index
        %get3A_560 = tpu.vector_load %arg8[%get3A_558, %get3A_559] {strides = array<i32>} : memref<200x64xf32, #tpu.memory_space<vmem>>, vector<1x16xf32>,
        %get3A_561 = vector.shape_cast %get3A_560 : vector<1x16xf32> to vector<16xf32>
        %swap3A_562 = arith.constant 3 : i32
        %swap3A_563 = arith.index_cast %swap3A_562 : i32 to index
        %swap3A_564 = arith.index_cast %scan3A_535 : i32 to index
        %swap3A_565 = arith.constant 32 : index
        %swap3A_566 = tpu.vector_load %arg7[%swap3A_563, %swap3A_564, %swap3A_565] {strides = array<i32>} : memref<4x200x64xf32, #tpu.memory_space<vmem>>, vector<1x1x16xf32>,
        %swap3A_567 = vector.shape_cast %swap3A_566 : vector<1x1x16xf32> to vector<16xf32>
        %swap3A_568 = vector.shape_cast %get3A_561 : vector<16xf32> to vector<1x1x16xf32>
        tpu.vector_store %arg7[%swap3A_563, %swap3A_564, %swap3A_565], %swap3A_568 {add = true, strides = array<i32>} : memref<4x200x64xf32, #tpu.memory_space<vmem>>, vector<1x1x16xf32>,
        %get3A_569 = arith.index_cast %scan3A_535 : i32 to index
        %get3A_570 = arith.constant 48 : index
        %get3A_571 = tpu.vector_load %arg8[%get3A_569, %get3A_570] {strides = array<i32>} : memref<200x64xf32, #tpu.memory_space<vmem>>, vector<1x16xf32>,
        %get3A_572 = vector.shape_cast %get3A_571 : vector<1x16xf32> to vector<16xf32>
        %swap3A_573 = arith.constant 3 : i32
        %swap3A_574 = arith.index_cast %swap3A_573 : i32 to index
        %swap3A_575 = arith.index_cast %scan3A_535 : i32 to index
        %swap3A_576 = arith.constant 48 : index
        %swap3A_577 = tpu.vector_load %arg7[%swap3A_574, %swap3A_575, %swap3A_576] {strides = array<i32>} : memref<4x200x64xf32, #tpu.memory_space<vmem>>, vector<1x1x16xf32>,
        %swap3A_578 = vector.shape_cast %swap3A_577 : vector<1x1x16xf32> to vector<16xf32>
        %swap3A_579 = vector.shape_cast %get3A_572 : vector<16xf32> to vector<1x1x16xf32>
        tpu.vector_store %arg7[%swap3A_574, %swap3A_575, %swap3A_576], %swap3A_579 {add = true, strides = array<i32>} : memref<4x200x64xf32, #tpu.memory_space<vmem>>, vector<1x1x16xf32>,
        %scan3A_580 = arith.constant 4 : i32
        %scan3A_581 = arith.addi %scan3A_399, %scan3A_580 : i32
        %get3A_582 = arith.index_cast %scan3A_581 : i32 to index
        %get3A_583 = arith.constant 0 : index
        %get3A_584 = tpu.vector_load %arg8[%get3A_582, %get3A_583] {strides = array<i32>} : memref<200x64xf32, #tpu.memory_space<vmem>>, vector<1x16xf32>,
        %get3A_585 = vector.shape_cast %get3A_584 : vector<1x16xf32> to vector<16xf32>
        %swap3A_586 = arith.constant 3 : i32
        %swap3A_587 = arith.index_cast %swap3A_586 : i32 to index
        %swap3A_588 = arith.index_cast %scan3A_581 : i32 to index
        %swap3A_589 = arith.constant 0 : index
        %swap3A_590 = tpu.vector_load %arg7[%swap3A_587, %swap3A_588, %swap3A_589] {strides = array<i32>} : memref<4x200x64xf32, #tpu.memory_space<vmem>>, vector<1x1x16xf32>,
        %swap3A_591 = vector.shape_cast %swap3A_590 : vector<1x1x16xf32> to vector<16xf32>
        %swap3A_592 = vector.shape_cast %get3A_585 : vector<16xf32> to vector<1x1x16xf32>
        tpu.vector_store %arg7[%swap3A_587, %swap3A_588, %swap3A_589], %swap3A_592 {add = true, strides = array<i32>} : memref<4x200x64xf32, #tpu.memory_space<vmem>>, vector<1x1x16xf32>,
        %get3A_593 = arith.index_cast %scan3A_581 : i32 to index
        %get3A_594 = arith.constant 16 : index
        %get3A_595 = tpu.vector_load %arg8[%get3A_593, %get3A_594] {strides = array<i32>} : memref<200x64xf32, #tpu.memory_space<vmem>>, vector<1x16xf32>,
        %get3A_596 = vector.shape_cast %get3A_595 : vector<1x16xf32> to vector<16xf32>
        %swap3A_597 = arith.constant 3 : i32
        %swap3A_598 = arith.index_cast %swap3A_597 : i32 to index
        %swap3A_599 = arith.index_cast %scan3A_581 : i32 to index
        %swap3A_600 = arith.constant 16 : index
        %swap3A_601 = tpu.vector_load %arg7[%swap3A_598, %swap3A_599, %swap3A_600] {strides = array<i32>} : memref<4x200x64xf32, #tpu.memory_space<vmem>>, vector<1x1x16xf32>,
        %swap3A_602 = vector.shape_cast %swap3A_601 : vector<1x1x16xf32> to vector<16xf32>
        %swap3A_603 = vector.shape_cast %get3A_596 : vector<16xf32> to vector<1x1x16xf32>
        tpu.vector_store %arg7[%swap3A_598, %swap3A_599, %swap3A_600], %swap3A_603 {add = true, strides = array<i32>} : memref<4x200x64xf32, #tpu.memory_space<vmem>>, vector<1x1x16xf32>,
        %get3A_604 = arith.index_cast %scan3A_581 : i32 to index
        %get3A_605 = arith.constant 32 : index
        %get3A_606 = tpu.vector_load %arg8[%get3A_604, %get3A_605] {strides = array<i32>} : memref<200x64xf32, #tpu.memory_space<vmem>>, vector<1x16xf32>,
        %get3A_607 = vector.shape_cast %get3A_606 : vector<1x16xf32> to vector<16xf32>
        %swap3A_608 = arith.constant 3 : i32
        %swap3A_609 = arith.index_cast %swap3A_608 : i32 to index
        %swap3A_610 = arith.index_cast %scan3A_581 : i32 to index
        %swap3A_611 = arith.constant 32 : index
        %swap3A_612 = tpu.vector_load %arg7[%swap3A_609, %swap3A_610, %swap3A_611] {strides = array<i32>} : memref<4x200x64xf32, #tpu.memory_space<vmem>>, vector<1x1x16xf32>,
        %swap3A_613 = vector.shape_cast %swap3A_612 : vector<1x1x16xf32> to vector<16xf32>
        %swap3A_614 = vector.shape_cast %get3A_607 : vector<16xf32> to vector<1x1x16xf32>
        tpu.vector_store %arg7[%swap3A_609, %swap3A_610, %swap3A_611], %swap3A_614 {add = true, strides = array<i32>} : memref<4x200x64xf32, #tpu.memory_space<vmem>>, vector<1x1x16xf32>,
        %get3A_615 = arith.index_cast %scan3A_581 : i32 to index
        %get3A_616 = arith.constant 48 : index
        %get3A_617 = tpu.vector_load %arg8[%get3A_615, %get3A_616] {strides = array<i32>} : memref<200x64xf32, #tpu.memory_space<vmem>>, vector<1x16xf32>,
        %get3A_618 = vector.shape_cast %get3A_617 : vector<1x16xf32> to vector<16xf32>
        %swap3A_619 = arith.constant 3 : i32
        %swap3A_620 = arith.index_cast %swap3A_619 : i32 to index
        %swap3A_621 = arith.index_cast %scan3A_581 : i32 to index
        %swap3A_622 = arith.constant 48 : index
        %swap3A_623 = tpu.vector_load %arg7[%swap3A_620, %swap3A_621, %swap3A_622] {strides = array<i32>} : memref<4x200x64xf32, #tpu.memory_space<vmem>>, vector<1x1x16xf32>,
        %swap3A_624 = vector.shape_cast %swap3A_623 : vector<1x1x16xf32> to vector<16xf32>
        %swap3A_625 = vector.shape_cast %get3A_618 : vector<16xf32> to vector<1x1x16xf32>
        tpu.vector_store %arg7[%swap3A_620, %swap3A_621, %swap3A_622], %swap3A_625 {add = true, strides = array<i32>} : memref<4x200x64xf32, #tpu.memory_space<vmem>>, vector<1x1x16xf32>,
        %scan3A_626 = arith.constant 5 : i32
        %scan3A_627 = arith.addi %scan3A_399, %scan3A_626 : i32
        %get3A_628 = arith.index_cast %scan3A_627 : i32 to index
        %get3A_629 = arith.constant 0 : index
        %get3A_630 = tpu.vector_load %arg8[%get3A_628, %get3A_629] {strides = array<i32>} : memref<200x64xf32, #tpu.memory_space<vmem>>, vector<1x16xf32>,
        %get3A_631 = vector.shape_cast %get3A_630 : vector<1x16xf32> to vector<16xf32>
        %swap3A_632 = arith.constant 3 : i32
        %swap3A_633 = arith.index_cast %swap3A_632 : i32 to index
        %swap3A_634 = arith.index_cast %scan3A_627 : i32 to index
        %swap3A_635 = arith.constant 0 : index
        %swap3A_636 = tpu.vector_load %arg7[%swap3A_633, %swap3A_634, %swap3A_635] {strides = array<i32>} : memref<4x200x64xf32, #tpu.memory_space<vmem>>, vector<1x1x16xf32>,
        %swap3A_637 = vector.shape_cast %swap3A_636 : vector<1x1x16xf32> to vector<16xf32>
        %swap3A_638 = vector.shape_cast %get3A_631 : vector<16xf32> to vector<1x1x16xf32>
        tpu.vector_store %arg7[%swap3A_633, %swap3A_634, %swap3A_635], %swap3A_638 {add = true, strides = array<i32>} : memref<4x200x64xf32, #tpu.memory_space<vmem>>, vector<1x1x16xf32>,
        %get3A_639 = arith.index_cast %scan3A_627 : i32 to index
        %get3A_640 = arith.constant 16 : index
        %get3A_641 = tpu.vector_load %arg8[%get3A_639, %get3A_640] {strides = array<i32>} : memref<200x64xf32, #tpu.memory_space<vmem>>, vector<1x16xf32>,
        %get3A_642 = vector.shape_cast %get3A_641 : vector<1x16xf32> to vector<16xf32>
        %swap3A_643 = arith.constant 3 : i32
        %swap3A_644 = arith.index_cast %swap3A_643 : i32 to index
        %swap3A_645 = arith.index_cast %scan3A_627 : i32 to index
        %swap3A_646 = arith.constant 16 : index
        %swap3A_647 = tpu.vector_load %arg7[%swap3A_644, %swap3A_645, %swap3A_646] {strides = array<i32>} : memref<4x200x64xf32, #tpu.memory_space<vmem>>, vector<1x1x16xf32>,
        %swap3A_648 = vector.shape_cast %swap3A_647 : vector<1x1x16xf32> to vector<16xf32>
        %swap3A_649 = vector.shape_cast %get3A_642 : vector<16xf32> to vector<1x1x16xf32>
        tpu.vector_store %arg7[%swap3A_644, %swap3A_645, %swap3A_646], %swap3A_649 {add = true, strides = array<i32>} : memref<4x200x64xf32, #tpu.memory_space<vmem>>, vector<1x1x16xf32>,
        %get3A_650 = arith.index_cast %scan3A_627 : i32 to index
        %get3A_651 = arith.constant 32 : index
        %get3A_652 = tpu.vector_load %arg8[%get3A_650, %get3A_651] {strides = array<i32>} : memref<200x64xf32, #tpu.memory_space<vmem>>, vector<1x16xf32>,
        %get3A_653 = vector.shape_cast %get3A_652 : vector<1x16xf32> to vector<16xf32>
        %swap3A_654 = arith.constant 3 : i32
        %swap3A_655 = arith.index_cast %swap3A_654 : i32 to index
        %swap3A_656 = arith.index_cast %scan3A_627 : i32 to index
        %swap3A_657 = arith.constant 32 : index
        %swap3A_658 = tpu.vector_load %arg7[%swap3A_655, %swap3A_656, %swap3A_657] {strides = array<i32>} : memref<4x200x64xf32, #tpu.memory_space<vmem>>, vector<1x1x16xf32>,
        %swap3A_659 = vector.shape_cast %swap3A_658 : vector<1x1x16xf32> to vector<16xf32>
        %swap3A_660 = vector.shape_cast %get3A_653 : vector<16xf32> to vector<1x1x16xf32>
        tpu.vector_store %arg7[%swap3A_655, %swap3A_656, %swap3A_657], %swap3A_660 {add = true, strides = array<i32>} : memref<4x200x64xf32, #tpu.memory_space<vmem>>, vector<1x1x16xf32>,
        %get3A_661 = arith.index_cast %scan3A_627 : i32 to index
        %get3A_662 = arith.constant 48 : index
        %get3A_663 = tpu.vector_load %arg8[%get3A_661, %get3A_662] {strides = array<i32>} : memref<200x64xf32, #tpu.memory_space<vmem>>, vector<1x16xf32>,
        %get3A_664 = vector.shape_cast %get3A_663 : vector<1x16xf32> to vector<16xf32>
        %swap3A_665 = arith.constant 3 : i32
        %swap3A_666 = arith.index_cast %swap3A_665 : i32 to index
        %swap3A_667 = arith.index_cast %scan3A_627 : i32 to index
        %swap3A_668 = arith.constant 48 : index
        %swap3A_669 = tpu.vector_load %arg7[%swap3A_666, %swap3A_667, %swap3A_668] {strides = array<i32>} : memref<4x200x64xf32, #tpu.memory_space<vmem>>, vector<1x1x16xf32>,
        %swap3A_670 = vector.shape_cast %swap3A_669 : vector<1x1x16xf32> to vector<16xf32>
        %swap3A_671 = vector.shape_cast %get3A_664 : vector<16xf32> to vector<1x1x16xf32>
        tpu.vector_store %arg7[%swap3A_666, %swap3A_667, %swap3A_668], %swap3A_671 {add = true, strides = array<i32>} : memref<4x200x64xf32, #tpu.memory_space<vmem>>, vector<1x1x16xf32>,
        %scan3A_672 = arith.constant 6 : i32
        %scan3A_673 = arith.addi %scan3A_399, %scan3A_672 : i32
        %get3A_674 = arith.index_cast %scan3A_673 : i32 to index
        %get3A_675 = arith.constant 0 : index
        %get3A_676 = tpu.vector_load %arg8[%get3A_674, %get3A_675] {strides = array<i32>} : memref<200x64xf32, #tpu.memory_space<vmem>>, vector<1x16xf32>,
        %get3A_677 = vector.shape_cast %get3A_676 : vector<1x16xf32> to vector<16xf32>
        %swap3A_678 = arith.constant 3 : i32
        %swap3A_679 = arith.index_cast %swap3A_678 : i32 to index
        %swap3A_680 = arith.index_cast %scan3A_673 : i32 to index
        %swap3A_681 = arith.constant 0 : index
        %swap3A_682 = tpu.vector_load %arg7[%swap3A_679, %swap3A_680, %swap3A_681] {strides = array<i32>} : memref<4x200x64xf32, #tpu.memory_space<vmem>>, vector<1x1x16xf32>,
        %swap3A_683 = vector.shape_cast %swap3A_682 : vector<1x1x16xf32> to vector<16xf32>
        %swap3A_684 = vector.shape_cast %get3A_677 : vector<16xf32> to vector<1x1x16xf32>
        tpu.vector_store %arg7[%swap3A_679, %swap3A_680, %swap3A_681], %swap3A_684 {add = true, strides = array<i32>} : memref<4x200x64xf32, #tpu.memory_space<vmem>>, vector<1x1x16xf32>,
        %get3A_685 = arith.index_cast %scan3A_673 : i32 to index
        %get3A_686 = arith.constant 16 : index
        %get3A_687 = tpu.vector_load %arg8[%get3A_685, %get3A_686] {strides = array<i32>} : memref<200x64xf32, #tpu.memory_space<vmem>>, vector<1x16xf32>,
        %get3A_688 = vector.shape_cast %get3A_687 : vector<1x16xf32> to vector<16xf32>
        %swap3A_689 = arith.constant 3 : i32
        %swap3A_690 = arith.index_cast %swap3A_689 : i32 to index
        %swap3A_691 = arith.index_cast %scan3A_673 : i32 to index
        %swap3A_692 = arith.constant 16 : index
        %swap3A_693 = tpu.vector_load %arg7[%swap3A_690, %swap3A_691, %swap3A_692] {strides = array<i32>} : memref<4x200x64xf32, #tpu.memory_space<vmem>>, vector<1x1x16xf32>,
        %swap3A_694 = vector.shape_cast %swap3A_693 : vector<1x1x16xf32> to vector<16xf32>
        %swap3A_695 = vector.shape_cast %get3A_688 : vector<16xf32> to vector<1x1x16xf32>
        tpu.vector_store %arg7[%swap3A_690, %swap3A_691, %swap3A_692], %swap3A_695 {add = true, strides = array<i32>} : memref<4x200x64xf32, #tpu.memory_space<vmem>>, vector<1x1x16xf32>,
        %get3A_696 = arith.index_cast %scan3A_673 : i32 to index
        %get3A_697 = arith.constant 32 : index
        %get3A_698 = tpu.vector_load %arg8[%get3A_696, %get3A_697] {strides = array<i32>} : memref<200x64xf32, #tpu.memory_space<vmem>>, vector<1x16xf32>,
        %get3A_699 = vector.shape_cast %get3A_698 : vector<1x16xf32> to vector<16xf32>
        %swap3A_700 = arith.constant 3 : i32
        %swap3A_701 = arith.index_cast %swap3A_700 : i32 to index
        %swap3A_702 = arith.index_cast %scan3A_673 : i32 to index
        %swap3A_703 = arith.constant 32 : index
        %swap3A_704 = tpu.vector_load %arg7[%swap3A_701, %swap3A_702, %swap3A_703] {strides = array<i32>} : memref<4x200x64xf32, #tpu.memory_space<vmem>>, vector<1x1x16xf32>,
        %swap3A_705 = vector.shape_cast %swap3A_704 : vector<1x1x16xf32> to vector<16xf32>
        %swap3A_706 = vector.shape_cast %get3A_699 : vector<16xf32> to vector<1x1x16xf32>
        tpu.vector_store %arg7[%swap3A_701, %swap3A_702, %swap3A_703], %swap3A_706 {add = true, strides = array<i32>} : memref<4x200x64xf32, #tpu.memory_space<vmem>>, vector<1x1x16xf32>,
        %get3A_707 = arith.index_cast %scan3A_673 : i32 to index
        %get3A_708 = arith.constant 48 : index
        %get3A_709 = tpu.vector_load %arg8[%get3A_707, %get3A_708] {strides = array<i32>} : memref<200x64xf32, #tpu.memory_space<vmem>>, vector<1x16xf32>,
        %get3A_710 = vector.shape_cast %get3A_709 : vector<1x16xf32> to vector<16xf32>
        %swap3A_711 = arith.constant 3 : i32
        %swap3A_712 = arith.index_cast %swap3A_711 : i32 to index
        %swap3A_713 = arith.index_cast %scan3A_673 : i32 to index
        %swap3A_714 = arith.constant 48 : index
        %swap3A_715 = tpu.vector_load %arg7[%swap3A_712, %swap3A_713, %swap3A_714] {strides = array<i32>} : memref<4x200x64xf32, #tpu.memory_space<vmem>>, vector<1x1x16xf32>,
        %swap3A_716 = vector.shape_cast %swap3A_715 : vector<1x1x16xf32> to vector<16xf32>
        %swap3A_717 = vector.shape_cast %get3A_710 : vector<16xf32> to vector<1x1x16xf32>
        tpu.vector_store %arg7[%swap3A_712, %swap3A_713, %swap3A_714], %swap3A_717 {add = true, strides = array<i32>} : memref<4x200x64xf32, #tpu.memory_space<vmem>>, vector<1x1x16xf32>,
        %scan3A_718 = arith.constant 7 : i32
        %scan3A_719 = arith.addi %scan3A_399, %scan3A_718 : i32
        %get3A_720 = arith.index_cast %scan3A_719 : i32 to index
        %get3A_721 = arith.constant 0 : index
        %get3A_722 = tpu.vector_load %arg8[%get3A_720, %get3A_721] {strides = array<i32>} : memref<200x64xf32, #tpu.memory_space<vmem>>, vector<1x16xf32>,
        %get3A_723 = vector.shape_cast %get3A_722 : vector<1x16xf32> to vector<16xf32>
        %swap3A_724 = arith.constant 3 : i32
        %swap3A_725 = arith.index_cast %swap3A_724 : i32 to index
        %swap3A_726 = arith.index_cast %scan3A_719 : i32 to index
        %swap3A_727 = arith.constant 0 : index
        %swap3A_728 = tpu.vector_load %arg7[%swap3A_725, %swap3A_726, %swap3A_727] {strides = array<i32>} : memref<4x200x64xf32, #tpu.memory_space<vmem>>, vector<1x1x16xf32>,
        %swap3A_729 = vector.shape_cast %swap3A_728 : vector<1x1x16xf32> to vector<16xf32>
        %swap3A_730 = vector.shape_cast %get3A_723 : vector<16xf32> to vector<1x1x16xf32>
        tpu.vector_store %arg7[%swap3A_725, %swap3A_726, %swap3A_727], %swap3A_730 {add = true, strides = array<i32>} : memref<4x200x64xf32, #tpu.memory_space<vmem>>, vector<1x1x16xf32>,
        %get3A_731 = arith.index_cast %scan3A_719 : i32 to index
        %get3A_732 = arith.constant 16 : index
        %get3A_733 = tpu.vector_load %arg8[%get3A_731, %get3A_732] {strides = array<i32>} : memref<200x64xf32, #tpu.memory_space<vmem>>, vector<1x16xf32>,
        %get3A_734 = vector.shape_cast %get3A_733 : vector<1x16xf32> to vector<16xf32>
        %swap3A_735 = arith.constant 3 : i32
        %swap3A_736 = arith.index_cast %swap3A_735 : i32 to index
        %swap3A_737 = arith.index_cast %scan3A_719 : i32 to index
        %swap3A_738 = arith.constant 16 : index
        %swap3A_739 = tpu.vector_load %arg7[%swap3A_736, %swap3A_737, %swap3A_738] {strides = array<i32>} : memref<4x200x64xf32, #tpu.memory_space<vmem>>, vector<1x1x16xf32>,
        %swap3A_740 = vector.shape_cast %swap3A_739 : vector<1x1x16xf32> to vector<16xf32>
        %swap3A_741 = vector.shape_cast %get3A_734 : vector<16xf32> to vector<1x1x16xf32>
        tpu.vector_store %arg7[%swap3A_736, %swap3A_737, %swap3A_738], %swap3A_741 {add = true, strides = array<i32>} : memref<4x200x64xf32, #tpu.memory_space<vmem>>, vector<1x1x16xf32>,
        %get3A_742 = arith.index_cast %scan3A_719 : i32 to index
        %get3A_743 = arith.constant 32 : index
        %get3A_744 = tpu.vector_load %arg8[%get3A_742, %get3A_743] {strides = array<i32>} : memref<200x64xf32, #tpu.memory_space<vmem>>, vector<1x16xf32>,
        %get3A_745 = vector.shape_cast %get3A_744 : vector<1x16xf32> to vector<16xf32>
        %swap3A_746 = arith.constant 3 : i32
        %swap3A_747 = arith.index_cast %swap3A_746 : i32 to index
        %swap3A_748 = arith.index_cast %scan3A_719 : i32 to index
        %swap3A_749 = arith.constant 32 : index
        %swap3A_750 = tpu.vector_load %arg7[%swap3A_747, %swap3A_748, %swap3A_749] {strides = array<i32>} : memref<4x200x64xf32, #tpu.memory_space<vmem>>, vector<1x1x16xf32>,
        %swap3A_751 = vector.shape_cast %swap3A_750 : vector<1x1x16xf32> to vector<16xf32>
        %swap3A_752 = vector.shape_cast %get3A_745 : vector<16xf32> to vector<1x1x16xf32>
        tpu.vector_store %arg7[%swap3A_747, %swap3A_748, %swap3A_749], %swap3A_752 {add = true, strides = array<i32>} : memref<4x200x64xf32, #tpu.memory_space<vmem>>, vector<1x1x16xf32>,
        %get3A_753 = arith.index_cast %scan3A_719 : i32 to index
        %get3A_754 = arith.constant 48 : index
        %get3A_755 = tpu.vector_load %arg8[%get3A_753, %get3A_754] {strides = array<i32>} : memref<200x64xf32, #tpu.memory_space<vmem>>, vector<1x16xf32>,
        %get3A_756 = vector.shape_cast %get3A_755 : vector<1x16xf32> to vector<16xf32>
        %swap3A_757 = arith.constant 3 : i32
        %swap3A_758 = arith.index_cast %swap3A_757 : i32 to index
        %swap3A_759 = arith.index_cast %scan3A_719 : i32 to index
        %swap3A_760 = arith.constant 48 : index
        %swap3A_761 = tpu.vector_load %arg7[%swap3A_758, %swap3A_759, %swap3A_760] {strides = array<i32>} : memref<4x200x64xf32, #tpu.memory_space<vmem>>, vector<1x1x16xf32>,
        %swap3A_762 = vector.shape_cast %swap3A_761 : vector<1x1x16xf32> to vector<16xf32>
        %swap3A_763 = vector.shape_cast %get3A_756 : vector<16xf32> to vector<1x1x16xf32>
        tpu.vector_store %arg7[%swap3A_758, %swap3A_759, %swap3A_760], %swap3A_763 {add = true, strides = array<i32>} : memref<4x200x64xf32, #tpu.memory_space<vmem>>, vector<1x1x16xf32>,
      }
      %scan3A_365 = arith.constant 200 : i32
      %add3A_366 = arith.addi %mul3A_2, %add3A_329 : i32
      %dma_start3A_367 = arith.constant 3 : i32
      %dma_start3A_368 = arith.constant 3 : i32
      %dma_start3A_369 = arith.constant 0 : i32
      %dma_start3A_370 = arith.constant 0 : i32
      %dma_start3A_371 = tpu.memref_slice %arg7[%dma_start3A_367, %dma_start3A_369, %dma_start3A_370] : memref<4x200x64xf32, #tpu.memory_space<vmem>> -> memref<1x200x64xf32, #tpu.memory_space<vmem>>
      %dma_start3A_372 = tpu.memref_squeeze %dma_start3A_371 : memref<1x200x64xf32, #tpu.memory_space<vmem>> -> memref<200x64xf32, #tpu.memory_space<vmem>>
      %dma_start3A_373 = arith.constant 0 : i32
      %dma_start3A_374 = arith.constant 0 : i32
      %dma_start3A_375 = tpu.memref_slice %arg5[%add3A_366, %dma_start3A_373, %dma_start3A_374] : memref<4096x200x128xf32, #tpu.memory_space<hbm>> -> memref<1x200x64xf32, #tpu.memory_space<hbm>>
      %dma_start3A_376 = tpu.memref_squeeze %dma_start3A_375 : memref<1x200x64xf32, #tpu.memory_space<hbm>> -> memref<200x64xf32, #tpu.memory_space<hbm>>
      %dma_start3A_377 = tpu.memref_slice %arg10[%dma_start3A_368] : memref<4x!tpu.dma_semaphore, #tpu.memory_space<semaphore_mem>> -> memref<1x!tpu.dma_semaphore, #tpu.memory_space<semaphore_mem>>
      %dma_start3A_378 = tpu.memref_squeeze %dma_start3A_377 : memref<1x!tpu.dma_semaphore, #tpu.memory_space<semaphore_mem>> -> memref<!tpu.dma_semaphore, #tpu.memory_space<semaphore_mem>>
      %dma_start3A_379 = arith.constant 0 : i32
      %dma_start3A_380 = arith.constant 0 : i32
      %dma_start3A_381 = tpu.memref_slice %arg5[%add3A_366, %dma_start3A_379, %dma_start3A_380] : memref<4096x200x128xf32, #tpu.memory_space<hbm>> -> memref<1x200x64xf32, #tpu.memory_space<hbm>>
      %dma_start3A_382 = tpu.memref_squeeze %dma_start3A_381 : memref<1x200x64xf32, #tpu.memory_space<hbm>> -> memref<200x64xf32, #tpu.memory_space<hbm>>
      %dma_start3A_383 = arith.constant 0 : i32
      %dma_start3A_384 = arith.constant 0 : i32
      %dma_start3A_385 = tpu.memref_slice %arg7[%dma_start3A_367, %dma_start3A_383, %dma_start3A_384] : memref<4x200x64xf32, #tpu.memory_space<vmem>> -> memref<1x200x64xf32, #tpu.memory_space<vmem>>
      %dma_start3A_386 = tpu.memref_squeeze %dma_start3A_385 : memref<1x200x64xf32, #tpu.memory_space<vmem>> -> memref<200x64xf32, #tpu.memory_space<vmem>>
      tpu.enqueue_dma source(%dma_start3A_386 : memref<200x64xf32, #tpu.memory_space<vmem>>) target(%dma_start3A_382 : memref<200x64xf32, #tpu.memory_space<hbm>>) target_semaphore(%dma_start3A_378 : memref<!tpu.dma_semaphore, #tpu.memory_space<semaphore_mem>>)
      %ge3A_387 = arith.constant 1 : i32
      %ge3A_388 = arith.cmpi sge, %add3A_329, %ge3A_387 : i32
      %convert_element_type3A_389 = arith.extui %ge3A_388 : i1 to i32
      %cond3A_390 = arith.constant 0 : i32
      %cond3A_391 = arith.cmpi ne, %convert_element_type3A_389, %cond3A_390 : i32
      scf.if %cond3A_391 {
        %dma_wait3A_399 = arith.constant 2 : i32
        %dma_wait3A_400 = arith.constant 2 : i32
        %dma_wait3A_401 = arith.constant 0 : i32
        %dma_wait3A_402 = arith.constant 0 : i32
        %dma_wait3A_403 = tpu.memref_slice %arg7[%dma_wait3A_399, %dma_wait3A_401, %dma_wait3A_402] : memref<4x200x64xf32, #tpu.memory_space<vmem>> -> memref<1x200x64xf32, #tpu.memory_space<vmem>>
        %dma_wait3A_404 = tpu.memref_squeeze %dma_wait3A_403 : memref<1x200x64xf32, #tpu.memory_space<vmem>> -> memref<200x64xf32, #tpu.memory_space<vmem>>
        %dma_wait3A_405 = arith.constant 0 : i32
        %dma_wait3A_406 = arith.constant 0 : i32
        %dma_wait3A_407 = tpu.memref_slice %arg5[%mul3A_2, %dma_wait3A_405, %dma_wait3A_406] : memref<4096x200x128xf32, #tpu.memory_space<hbm>> -> memref<1x200x64xf32, #tpu.memory_space<hbm>>
        %dma_wait3A_408 = tpu.memref_squeeze %dma_wait3A_407 : memref<1x200x64xf32, #tpu.memory_space<hbm>> -> memref<200x64xf32, #tpu.memory_space<hbm>>
        %dma_wait3A_409 = tpu.memref_slice %arg10[%dma_wait3A_400] : memref<4x!tpu.dma_semaphore, #tpu.memory_space<semaphore_mem>> -> memref<1x!tpu.dma_semaphore, #tpu.memory_space<semaphore_mem>>
        %dma_wait3A_410 = tpu.memref_squeeze %dma_wait3A_409 : memref<1x!tpu.dma_semaphore, #tpu.memory_space<semaphore_mem>> -> memref<!tpu.dma_semaphore, #tpu.memory_space<semaphore_mem>>
        %dma_wait3A_411 = arith.constant 0 : i32
        %dma_wait3A_412 = arith.constant 0 : i32
        %dma_wait3A_413 = tpu.memref_slice %arg5[%mul3A_2, %dma_wait3A_411, %dma_wait3A_412] : memref<4096x200x128xf32, #tpu.memory_space<hbm>> -> memref<1x200x64xf32, #tpu.memory_space<hbm>>
        %dma_wait3A_414 = tpu.memref_squeeze %dma_wait3A_413 : memref<1x200x64xf32, #tpu.memory_space<hbm>> -> memref<200x64xf32, #tpu.memory_space<hbm>>
        %dma_wait3A_415 = arith.constant 0 : i32
        %dma_wait3A_416 = arith.constant 0 : i32
        %dma_wait3A_417 = tpu.memref_slice %arg7[%dma_wait3A_399, %dma_wait3A_415, %dma_wait3A_416] : memref<4x200x64xf32, #tpu.memory_space<vmem>> -> memref<1x200x64xf32, #tpu.memory_space<vmem>>
        %dma_wait3A_418 = tpu.memref_squeeze %dma_wait3A_417 : memref<1x200x64xf32, #tpu.memory_space<vmem>> -> memref<200x64xf32, #tpu.memory_space<vmem>>
        tpu.wait_dma2 semaphore(%dma_wait3A_410 : memref<!tpu.dma_semaphore, #tpu.memory_space<semaphore_mem>>) src(%dma_wait3A_418 : memref<200x64xf32, #tpu.memory_space<vmem>>) dst(%dma_wait3A_414 : memref<200x64xf32, #tpu.memory_space<hbm>>)
      } else {
      }
      %add3A_392 = arith.constant 3 : i32
      %add3A_393 = arith.addi %add3A_329, %add3A_392 : i32
      %lt3A_394 = arith.constant 128 : i32
      %lt3A_395 = arith.cmpi slt, %add3A_393, %lt3A_394 : i32
      %convert_element_type3A_396 = arith.extui %lt3A_395 : i1 to i32
      %cond3A_397 = arith.constant 0 : i32
      %cond3A_398 = arith.cmpi ne, %convert_element_type3A_396, %cond3A_397 : i32
      scf.if %cond3A_398 {
        %add3A_399 = arith.constant 3 : i32
        %add3A_400 = arith.addi %add3A_329, %add3A_399 : i32
        %dma_start3A_401 = arith.constant 2 : i32
        %dma_start3A_402 = arith.constant 2 : i32
        %dma_start3A_403 = arith.constant 0 : i32
        %dma_start3A_404 = arith.constant 0 : i32
        %dma_start3A_405 = tpu.memref_slice %arg7[%dma_start3A_401, %dma_start3A_403, %dma_start3A_404] : memref<4x200x64xf32, #tpu.memory_space<vmem>> -> memref<1x104x64xf32, #tpu.memory_space<vmem>>
        %dma_start3A_406 = tpu.memref_squeeze %dma_start3A_405 : memref<1x104x64xf32, #tpu.memory_space<vmem>> -> memref<104x64xf32, #tpu.memory_space<vmem>>
        %dma_start3A_407 = arith.constant 0 : i32
        %dma_start3A_408 = tpu.memref_slice %arg6[%add3A_400, %dma_start3A_407] : memref<128x200xi32, #tpu.memory_space<vmem>> -> memref<1x104xi32, #tpu.memory_space<vmem>>
        %dma_start3A_409 = tpu.memref_squeeze %dma_start3A_408 : memref<1x104xi32, #tpu.memory_space<vmem>> -> memref<104xi32, #tpu.memory_space<vmem>>
        %dma_start3A_410 = arith.constant 0 : i32
        %dma_start3A_411 = arith.constant 0 : i32
        %dma_start3A_412 = tpu.memref_slice %arg3[%dma_start3A_410, %dma_start3A_411] : memref<100000x64xf32, #tpu.memory_space<hbm>> -> memref<100000x64xf32, #tpu.memory_space<hbm>>
        %dma_start3A_413 = tpu.memref_slice %arg9[%dma_start3A_402] : memref<4x!tpu.dma_semaphore, #tpu.memory_space<semaphore_mem>> -> memref<1x!tpu.dma_semaphore, #tpu.memory_space<semaphore_mem>>
        %dma_start3A_414 = tpu.memref_squeeze %dma_start3A_413 : memref<1x!tpu.dma_semaphore, #tpu.memory_space<semaphore_mem>> -> memref<!tpu.dma_semaphore, #tpu.memory_space<semaphore_mem>>
        tpu.enqueue_indirect_dma source(%dma_start3A_412 : memref<100000x64xf32, #tpu.memory_space<hbm>>) target(%dma_start3A_406 : memref<104x64xf32, #tpu.memory_space<vmem>>) offsets(%dma_start3A_409 : memref<104xi32, #tpu.memory_space<vmem>>) semaphore(%dma_start3A_414 : memref<!tpu.dma_semaphore, #tpu.memory_space<semaphore_mem>>)
        %dma_start3A_415 = arith.constant 2 : i32
        %dma_start3A_416 = arith.constant 2 : i32
        %dma_start3A_417 = arith.constant 104 : i32
        %dma_start3A_418 = arith.constant 0 : i32
        %dma_start3A_419 = tpu.memref_slice %arg7[%dma_start3A_415, %dma_start3A_417, %dma_start3A_418] : memref<4x200x64xf32, #tpu.memory_space<vmem>> -> memref<1x96x64xf32, #tpu.memory_space<vmem>>
        %dma_start3A_420 = tpu.memref_squeeze %dma_start3A_419 : memref<1x96x64xf32, #tpu.memory_space<vmem>> -> memref<96x64xf32, #tpu.memory_space<vmem>>
        %dma_start3A_421 = arith.constant 104 : i32
        %dma_start3A_422 = tpu.memref_slice %arg6[%add3A_400, %dma_start3A_421] : memref<128x200xi32, #tpu.memory_space<vmem>> -> memref<1x96xi32, #tpu.memory_space<vmem>>
        %dma_start3A_423 = tpu.memref_squeeze %dma_start3A_422 : memref<1x96xi32, #tpu.memory_space<vmem>> -> memref<96xi32, #tpu.memory_space<vmem>>
        %dma_start3A_424 = arith.constant 0 : i32
        %dma_start3A_425 = arith.constant 0 : i32
        %dma_start3A_426 = tpu.memref_slice %arg3[%dma_start3A_424, %dma_start3A_425] : memref<100000x64xf32, #tpu.memory_space<hbm>> -> memref<100000x64xf32, #tpu.memory_space<hbm>>
        %dma_start3A_427 = tpu.memref_slice %arg9[%dma_start3A_416] : memref<4x!tpu.dma_semaphore, #tpu.memory_space<semaphore_mem>> -> memref<1x!tpu.dma_semaphore, #tpu.memory_space<semaphore_mem>>
        %dma_start3A_428 = tpu.memref_squeeze %dma_start3A_427 : memref<1x!tpu.dma_semaphore, #tpu.memory_space<semaphore_mem>> -> memref<!tpu.dma_semaphore, #tpu.memory_space<semaphore_mem>>
        tpu.enqueue_indirect_dma source(%dma_start3A_426 : memref<100000x64xf32, #tpu.memory_space<hbm>>) target(%dma_start3A_420 : memref<96x64xf32, #tpu.memory_space<vmem>>) offsets(%dma_start3A_423 : memref<96xi32, #tpu.memory_space<vmem>>) semaphore(%dma_start3A_428 : memref<!tpu.dma_semaphore, #tpu.memory_space<semaphore_mem>>)
      } else {
      }
    }
    %scan3A_96 = arith.constant 32 : i32
    %dma_wait3A = arith.constant 3 : i32
    %dma_wait3A_97 = arith.constant 3 : i32
    %dma_wait3A_98 = arith.constant 0 : i32
    %dma_wait3A_99 = arith.constant 0 : i32
    %dma_wait3A_100 = tpu.memref_slice %arg7[%dma_wait3A, %dma_wait3A_98, %dma_wait3A_99] : memref<4x200x64xf32, #tpu.memory_space<vmem>> -> memref<1x200x64xf32, #tpu.memory_space<vmem>>
    %dma_wait3A_101 = tpu.memref_squeeze %dma_wait3A_100 : memref<1x200x64xf32, #tpu.memory_space<vmem>> -> memref<200x64xf32, #tpu.memory_space<vmem>>
    %dma_wait3A_102 = arith.constant 0 : i32
    %dma_wait3A_103 = arith.constant 0 : i32
    %dma_wait3A_104 = tpu.memref_slice %arg5[%mul3A_2, %dma_wait3A_102, %dma_wait3A_103] : memref<4096x200x128xf32, #tpu.memory_space<hbm>> -> memref<1x200x64xf32, #tpu.memory_space<hbm>>
    %dma_wait3A_105 = tpu.memref_squeeze %dma_wait3A_104 : memref<1x200x64xf32, #tpu.memory_space<hbm>> -> memref<200x64xf32, #tpu.memory_space<hbm>>
    %dma_wait3A_106 = tpu.memref_slice %arg10[%dma_wait3A_97] : memref<4x!tpu.dma_semaphore, #tpu.memory_space<semaphore_mem>> -> memref<1x!tpu.dma_semaphore, #tpu.memory_space<semaphore_mem>>
    %dma_wait3A_107 = tpu.memref_squeeze %dma_wait3A_106 : memref<1x!tpu.dma_semaphore, #tpu.memory_space<semaphore_mem>> -> memref<!tpu.dma_semaphore, #tpu.memory_space<semaphore_mem>>
    %dma_wait3A_108 = arith.constant 0 : i32
    %dma_wait3A_109 = arith.constant 0 : i32
    %dma_wait3A_110 = tpu.memref_slice %arg5[%mul3A_2, %dma_wait3A_108, %dma_wait3A_109] : memref<4096x200x128xf32, #tpu.memory_space<hbm>> -> memref<1x200x64xf32, #tpu.memory_space<hbm>>
    %dma_wait3A_111 = tpu.memref_squeeze %dma_wait3A_110 : memref<1x200x64xf32, #tpu.memory_space<hbm>> -> memref<200x64xf32, #tpu.memory_space<hbm>>
    %dma_wait3A_112 = arith.constant 0 : i32
    %dma_wait3A_113 = arith.constant 0 : i32
    %dma_wait3A_114 = tpu.memref_slice %arg7[%dma_wait3A, %dma_wait3A_112, %dma_wait3A_113] : memref<4x200x64xf32, #tpu.memory_space<vmem>> -> memref<1x200x64xf32, #tpu.memory_space<vmem>>
    %dma_wait3A_115 = tpu.memref_squeeze %dma_wait3A_114 : memref<1x200x64xf32, #tpu.memory_space<vmem>> -> memref<200x64xf32, #tpu.memory_space<vmem>>
    tpu.wait_dma2 semaphore(%dma_wait3A_107 : memref<!tpu.dma_semaphore, #tpu.memory_space<semaphore_mem>>) src(%dma_wait3A_115 : memref<200x64xf32, #tpu.memory_space<vmem>>) dst(%dma_wait3A_111 : memref<200x64xf32, #tpu.memory_space<hbm>>)
    return
  }
}

</mosaic_0001>

<sc_bundles>
// kernel: kernel.3.cloned.1.call-start
scs
__scs_entry_jumppad:
0x0: {  	(pc) =	sbr.rel $0x88, $3  }
0x1: {  	(tag) =	ssettag $0x0;
	lr =	simm.s32 $0x1  }
0x2: {  	[smem:$0x3F9E] =	sst lr;
	_ =	strace $0xD0000000  }
0x3: {  	_ = 	snop  }
0x4: {  	_ = 	snop  }
0x5: {  	_ = 	snop  }
0x6: {  	_ = 	snop  }
0x7: {  	_ = 	snop  }
__scs_overlays_trampoline_lowered:
0x8: {  	[smem:$0x3FAD] =	sst s0  }
0x9: {  	[smem:$0x3FAE] =	sst s1  }
0xa: {  	[smem:$0x3FAF] =	sst s2  }
0xb: {  	[smem:$0x3FB0] =	sst s3  }
0xc: {  	[smem:$0x3FB1] =	sst s4  }
0xd: {  	[smem:$0x3FB2] =	sst s5  }
0xe: {  	[smem:$0x3FB3] =	sst s6  }
0xf: {  	[smem:$0x3FB4] =	sst s7  }
0x10: {  	[smem:$0x3FB5] =	sst s8  }
0x11: {  	[smem:$0x3FB6] =	sst s9;
	s0 =	simm.s32 @!p0 $0x0  }
0x12: {  	s1 =	sld [smem:$0x3F9C];
	s0 =	simm.s32 @p0 $0x1  }
0x13: {  	[smem:$0x3FB7] =	sst s0;
	s0 =	simm.s32 @!p1 $0x0  }
0x14: {  	s2 =	sld [smem:$0x3F9B];
	s0 =	simm.s32 @p1 $0x1  }
0x15: {  	[smem:$0x3FB8] =	sst s0;
	s0 =	simm.s32 @!p2 $0x0  }
0x16: {  	s3 =	sld [smem:$0x3FDB];
	s0 =	simm.s32 @p2 $0x1  }
0x17: {  	s4 =	simm.s32 $0x1BF5;
	[smem:$0x3FBA] =	sst s0  }
0x18: {  	s0 =	sld [smem:$0x3F9D];
	_ =	swait.ge [sflag:s4], $0x0  }
0x19: {  	s7 =	sld [smem:$0x3F9E]  }
0x1a: {  	s8 =	sadd.s32 $0xFFFFE003, lr  }
0x1b: {  	s9 =	sadd.s32 $0xFFFFFEF7, lr;
	s5 =	simm.s32 $0xFFFFFFFF;
	p2 =	slt.u32 s8, $0xFFFFF086  }
0x1c: {  	p1 =	slt.u32 s9, $0xF7A;
	s5 =	simm.s32 @!p2 $0x0  }
0x1d: {  	s5 =	simm.s32 @p1 $0x1;
	p0 =	seq.s32 s7, s2  }
0x1e: {  	s7 =	smul.u32 @!p0 $0xF7A, s2;
	p2 =	seq.s32 @!p0 s5, $0x0  }
0x1f: {  	s9 =	smul.u32 $0xF7A, s1;
	s8 =	simm.s32 @!p0 $0x1BF5;
	p2 =	por !p2, p0  }
0x20: {  	[sflag:s8] =	ssyncset.s32 @!p0 $0xFFFFF086;
	s6 =	sadd.s32 @!p0 s3, s7;
	s7 =	simm.s32 @!p0 $0x108  }
0x21: {  	s3 =	sadd.s32 s3, s9;
	s6 =	sadd.s32 @!p0 $0x88, s6;
	s7 =	simm.s32 @p2 $0x1082  }
0x22: {  	[simem:s7], [sflag:s8] =	dma.local @!p0 [hbm:s6], $0xF7A  }
0x23: {  	s9 =	sor.u32 $0xD0000000, s2;
	s6 =	simm.s32 $0x108;
	_ =	swait.ge @!p0 [sflag:s8], $0x0  }
0x24: {  	s3 =	sadd.s32 $0x88, s3;
	s6 =	simm.s32 @!p1 $0x1082;
	[sflag:s4] =	ssyncset.s32 $0xFFFFF086  }
0x25: {  	[simem:s6], [sflag:s4] =	dma.local [hbm:s3], $0xF7A  }
0x26: {  	[smem:$0x3F9E] =	sst s1;
	(tag) =	ssettag s2;
	_ =	strace s9  }
0x27: {  	s1 =	sld [smem:$0x3FAE]  }
0x28: {  	s2 =	sld [smem:$0x3FAF]  }
0x29: {  	s4 =	sld [smem:$0x3FB1]  }
0x2a: {  	p0 =	seq.s32 s5, $0x0;
	s5 =	sld [smem:$0x3FB2]  }
0x2b: {  	s6 =	sld [smem:$0x3FB3]  }
0x2c: {  	s7 =	sld [smem:$0x3FB4]  }
0x2d: {  	s3 =	simm.s32 $0x108;
	s8 =	sld [smem:$0x3FB5]  }
0x2e: {  	s3 =	simm.s32 @!p0 $0x1082;
	s9 =	sld [smem:$0x3FB6]  }
0x2f: {  	lr =	sadd.s32 s0, s3;
	s0 =	sld [smem:$0x3FAD]  }
0x30: {  	s3 =	sld [smem:$0x3FB0]  }
0x31: {  	[smem:$0x3FB9] =	sst s10  }
0x32: {  	s10 =	sld [smem:$0x3FB7];
	_ =	sdelay $0x3  }
0x33: {  	p0 =	seq.s32 s10, $0x1;
	s10 =	sld [smem:$0x3FB9];
	_ =	sdelay $0x3  }
0x34: {  	[smem:$0x3FB9] =	sst s10  }
0x35: {  	s10 =	sld [smem:$0x3FB8];
	_ =	sdelay $0x3  }
0x36: {  	p1 =	seq.s32 s10, $0x1;
	s10 =	sld [smem:$0x3FB9];
	_ =	sdelay $0x3  }
0x37: {  	[smem:$0x3FB9] =	sst s10  }
0x38: {  	s10 =	sld [smem:$0x3FBA]  }
0x39: {  	_ = 	snop;
	(pc) =	sbr.ind lr, $3  }
0x3a: {  	_ = 	snop  }
0x3b: {  	_ = 	snop  }
0x3c: {  	p2 =	seq.s32 s10, $0x1;
	s10 =	sld [smem:$0x3FB9]  }
0x3d: {  	_ =	shalt  }
0x3e: {  	_ =	shalt  }
0x3f: {  	_ =	shalt  }
0x40: {  	_ =	shalt  }
0x41: {  	_ =	shalt  }
0x42: {  	_ =	shalt  }
0x43: {  	_ =	shalt  }
0x44: {  	_ =	shalt  }
0x45: {  	_ =	shalt  }
0x46: {  	_ =	shalt  }
0x47: {  	_ =	shalt  }
0x48: {  	_ =	shalt  }
0x49: {  	_ =	shalt  }
0x4a: {  	_ =	shalt  }
0x4b: {  	_ =	shalt  }
0x4c: {  	_ =	shalt  }
0x4d: {  	_ =	shalt  }
0x4e: {  	_ =	shalt  }
0x4f: {  	_ =	shalt  }
0x50: {  	_ =	shalt  }
0x51: {  	_ =	shalt  }
0x52: {  	_ =	shalt  }
0x53: {  	_ =	shalt  }
0x54: {  	_ =	shalt  }
0x55: {  	_ =	shalt  }
0x56: {  	_ =	shalt  }
0x57: {  	_ =	shalt  }
0x58: {  	_ =	shalt  }
0x59: {  	_ =	shalt  }
0x5a: {  	_ =	shalt  }
0x5b: {  	_ =	shalt  }
0x5c: {  	_ =	shalt  }
0x5d: {  	_ =	shalt  }
0x5e: {  	_ =	shalt  }
0x5f: {  	_ =	shalt  }
0x60: {  	_ =	shalt  }
0x61: {  	_ =	shalt  }
0x62: {  	_ =	shalt  }
0x63: {  	_ =	shalt  }
0x64: {  	_ =	shalt  }
0x65: {  	_ =	shalt  }
0x66: {  	_ =	shalt  }
0x67: {  	_ =	shalt  }
0x68: {  	_ =	shalt  }
0x69: {  	_ =	shalt  }
0x6a: {  	_ =	shalt  }
0x6b: {  	_ =	shalt  }
0x6c: {  	_ =	shalt  }
0x6d: {  	_ =	shalt  }
0x6e: {  	_ =	shalt  }
0x6f: {  	_ =	shalt  }
0x70: {  	_ =	shalt  }
0x71: {  	_ =	shalt  }
0x72: {  	_ =	shalt  }
0x73: {  	_ =	shalt  }
0x74: {  	_ =	shalt  }
0x75: {  	_ =	shalt  }
0x76: {  	_ =	shalt  }
0x77: {  	_ =	shalt  }
0x78: {  	_ =	shalt  }
0x79: {  	_ =	shalt  }
0x7a: {  	_ =	shalt  }
0x7b: {  	_ =	shalt  }
0x7c: {  	_ =	shalt  }
0x7d: {  	_ =	shalt  }
0x7e: {  	_ =	shalt  }
0x7f: {  	_ =	shalt  }
0x80: {  	_ =	shalt  }
0x81: {  	_ =	shalt  }
0x82: {  	_ =	shalt  }
0x83: {  	_ =	shalt  }
0x84: {  	_ =	shalt  }
0x85: {  	_ =	shalt  }
0x86: {  	_ =	shalt  }
0x87: {  	_ =	shalt  }
.Lfunc_end0:
.L_simem_size_0:
called_computation.1_lowered:
.L_overlay_start_0:
0x88: {  	s2 =	sld [smem:$0x3FD9]  }
0x89: {  	s3 =	sld [smem:$0x3FFE];
	_ =	sdelay $0x1  }
0x8a: {  	s1 =	srdreg.scid  }
0x8b: {  	s0 =	sand.u32 $0x1, s1  }
0x8c: {  	s16 =	sshll.u32 s0, $0xA;
	s2 =	sadd.s32 s3, s2  }
0x8d: {  	s2 =	sadd.s32 s2, s16  }
0x8e: {  	[smem:$0x3FC5] =	sst s2  }
0x8f: {  	_ = 	snop  }
0x90: {  	(tm) =	ssettm $0x1  }
0x91: {  	s17 =	sld [smem:$0x3FFB];
	_ =	sdelay $0x3  }
0x92: {  	_ =	strace s17  }
0x93: {  	s2 =	sld [smem:$0x3FFC];
	_ =	sdelay $0x3  }
0x94: {  	_ =	strace s2  }
0x95: {  	s2 =	sld [smem:$0x3FFD];
	_ =	sdelay $0x3  }
0x96: {  	_ =	strace s2  }
0x97: {  	_ =	strace $0x8FFFFFFF  }
0x98: {  	s18 =	sld [smem:$0x3FDB];
	_ =	sdelay $0x1  }
0x99: {  	s19 =	simm.s32 $_scs_section_size  }
0x9a: {  	s4 =	simm.s32 $_size__tile_overlayer_lowered;
	s5 =	simm.s32 $_tile_overlayer_lowered  }
0x9b: {  	s22 =	simm.s32 $0x1BFF;
	s21 =	sshll.u32 s5, $0x1;
	s2 =	sadd.s32 s19, s18  }
0x9c: {  	s6 =	simm.s32 $0x0;
	s20 =	sshll.u32 s4, $0x1;
	s4 =	sadd.s32 s21, s2  }
0x9d: {  	[timem:s6], [sflag:s22] =	dma.local [hbm:s4], s20  }
0x9e: {  	_ =	swait.ge [sflag:s22], s20  }
0x9f: {  	s3 =	ssub.s32 $0x0, s20;
	[sflag:s22] =	ssyncset.done $0x0  }
0xa0: {  	[sflag:s22] =	ssyncadd.s32 s3;
	_ =	sdelay $0x1  }
0xa1: {  	s23 =	simm.s32 $0x1B8B  }
0xa2: {  	_ =	swait.ge [sflag:s23], $0x1  }
0xa3: {  	[sflag:s23] =	ssyncset.done $0x0  }
0xa4: {  	s25 =	simm.s32 $0x1B8E;
	s24 =	sld [smem:$0x3FFE];
	[sflag:s23] =	ssyncadd.s32 $0xFFFFFFFF  }
0xa5: {  	s26 =	simm.s32 $execute0_lowered;
	[smem:$0x3FD2] =	sst s25  }
0xa6: {  	s4 =	sshll.u32 s26, $0x1;
	_ =	strace $0x80000046;
	[dreg:$0x1] =	wrdreg $0xFFFFFFFF  }
0xa7: {  	s28 =	simm.s32 $_size_execute0_lowered;
	s2 =	sadd.s32 s2, s4;
	[dreg:$0x0] =	wrdreg $0x0  }
0xa8: {  	s4 =	sshll.u32 s28, $0x1;
	[dreg:$0x2] =	wrdreg s2  }
0xa9: {  	[dreg:$0x3] =	wrdreg s4  }
0xaa: {  	[dreg:$0x4] =	wrdreg $0xC0  }
0xab: {  	_ =	task [dreg:s6], $0x5FFFF  }
0xac: {  	[dreg:$0x1] =	wrdreg $0xFFFFFFFF  }
0xad: {  	[dreg:$0x0] =	wrdreg $0x60  }
0xae: {  	[dreg:$0x2] =	wrdreg s24  }
0xaf: {  	[dreg:$0x3] =	wrdreg $0x9  }
0xb0: {  	_ =	task.clear_ibuf [dreg:s6], $0x4FFFF;
	_ =	strace $0x90000046  }
0xb1: {  	s29 =	simm.s32 $0x9;
	_ =	strace $0x80000048  }
0xb2: {  	_ =	swait.ge [sflag:s29], $0x1  }
0xb3: {  	[sflag:s29] =	ssyncadd.s32 $0xFFFFFFFF  }
0xb4: {  	_ =	strace $0x90000048  }
0xb5: {  	_ =	sfence  }
0xb6: {  	s30 =	sld [smem:$0x0];
	_ =	sdelay $0x2  }
0xb7: {  	s31 =	sshll.u32 s1, $0xD;
	s1 =	sshrl.u32 s1, $0x2  }
0xb8: {  	s3 =	sand.u32 $0x4000, s31;
	s1 =	sadd.s32 s1, s30  }
0xb9: {  	s0 =	sor.u32 s3, s0;
	s1 =	sshll.u32 s1, $0x11  }
0xba: {  	s0 =	sor.u32 s1, s0  }
0xbb: {  	s0 =	sadd.s32 $0x8F2B, s0  }
0xbc: {  	[sflag:s0] =	ssyncadd.remote.s32 $0x1  }
0xbd: {  	_ =	sfence.sel $0xFFFF  }
0xbe: {  	[dreg:$0x0] =	wrdreg $0xFFFFFFFF;
	(pc) =	sbr.abs _section_cstart, $3  }
0xbf: {  	[dreg:$0x1] =	wrdreg $0xFFFFFFFF  }
0xc0: {  	_ =	task.clear_ibuf [dreg:s6], $0x2FFFF;
	_ =	strace $0x9FFFFFFF  }
0xc1: {  	(tm) =	ssettm $0x7FFFFFFF  }
tec
execute0_lowered:
.L_overlay_start_1:
0x0: {  	(tag) =	ssettag $0x1  }
0x1: {  	s0 =	srdreg.scid;
	s1 =	stileid.u32  }
0x2: {  	s5 =	rddreg [dreg:$0x0];
	s3 =	simm.s32 $0x0;
	s10 =	simm.s32 $0x9  }
0x3: {  	s11 =	simm.s32 $0x68;
	s12 =	simm.s32 $0x6400;
	s13 =	simm.s32 $0x60  }
0x4: {  	s16 =	simm.s32 $0x9600;
	s20 =	simm.s32 $0xC800;
	s22 =	simm.s32 $0xE200  }
0x5: {  	s23 =	simm.s32 $0x1;
	s24 =	simm.s32 $0x40;
	s25 =	simm.s32 $0x80  }
0x6: {  	s26 =	simm.s32 $0xFA00;
	s28 =	simm.s32 $0x11400;
	s29 =	simm.s32 $0x2  }
0x7: {  	s30 =	simm.s32 $0x5;
	s31 =	simm.s32 $0x3;
	s0 =	sand.u32 $0x1, s0  }
0x8: {  	s9 =	simm.s32 $0x7;
	s1 =	sshll.u32 s1, $0x8;
	s2 =	sshll.u32 s0, $0x7  }
0x9: {  	s14 =	simm.s32 $0x8;
	s15 =	simm.s32 $0x0;
	s2 =	sor.u32 s2, s1  }
0xa: {  	[smem:$0x7FF] =	sst s3;
	s0 =	ssub.s32 $0x2, s0;
	s1 =	smul.u32 $0x19, s2  }
.Ltmp0:
0xb: {  	s4 =	sadd.s32 $0x1A000, s5;
	s6 =	sshrl.u32 s0, $0x1;
	(pc) =	sbr.rel .LBB2_1-.Ltmp0, $4  }
0xc: {  	s7 =	sadd.s32 $0x800, s5;
	_ =	strace $0x80000047;
	s0 =	ssub.s32 s0, s6  }
0xd: {  	[dreg:$0x2] =	wrdreg s7;
	s0 =	smax.u32 s0, $0x1;
	s1 =	sadd.s32 s1, s5  }
0xe: {  	s6 =	sadd.s32 $0xDD600, s5;
	[dreg:$0x4] =	wrdreg s0;
	s1 =	sadd.s32 $0x1000, s1  }
0xf: {  	s0 =	simm.s32 $0x4;
	[dreg:$0x3] =	wrdreg s1;
	s1 =	simm.s32 $0x6  }
.LBB2_12:
0x10: {  	_ =	swait.ge [sflag:s14], $0x3200  }
0x11: {  	s15 =	sadd.s32 $0x1, s15;
	s5 =	rddreg [dreg:$0x4]  }
0x12: {  	p0 =	sne.s32 s15, s5  }
.Ltmp1:
0x13: {  	_ = 	snop;
	(pc) =	sbr.rel @!p0 .LBB2_13-.Ltmp1, $3  }
0x14: {  	_ =	sdelay $0x1  }
0x15: {  	[sflag:s14] =	ssyncset.done $0x0  }
0x16: {  	[sflag:s14] =	ssyncadd.s32 $0xFFFFCE00  }
.LBB2_1:
0x17: {  	s5 =	rddreg [dreg:$0x2];
	s7 =	simm.s32 $0x12C00  }
0x18: {  	[tilespmem:s7], [sflag:$0x9] =	stream.linear.gather [hbm4b:s5+s3], $0x3200, $0x38;
	[tilespmem:$0x15E00] =	vst v63  }
0x19: {  	_ =	swait.ge [sflag:s10], $0x3200  }
0x1a: {  	[sflag:s10] =	ssyncset.done $0x0  }
0x1b: {  	s21 =	rddreg [dreg:$0x3];
	[sflag:s10] =	ssyncadd.s32 $0xFFFFCE00  }
0x1c: {  	[tilespmem:s3], [sflag:$0x9] =	stream.linear.gather [hbm4b:s21+s3], $0x6400, $0x38;
	[tilespmem:$0x15E00] =	vst v63  }
0x1d: {  	_ =	swait.ge [sflag:s10], $0x6400  }
0x1e: {  	[sflag:s10] =	ssyncset.done $0x0  }
0x1f: {  	[sflag:s10] =	ssyncadd.s32 $0xFFFF9C00  }
0x20: {  	[tilespmem:s12], [sflag:$0x1] =	stream.indirect.gather [hbm4b:s4+s11], $0x40, s3, s11, $0xb8;
	[tilespmem:$0x15E00] =	vst v63  }
0x21: {  	s7 =	simm.s32 $0x7E00  }
0x22: {  	[tilespmem:s7], [sflag:$0x1] =	stream.indirect.gather [hbm4b:s4+s13], $0x40, s11, s13, $0xb8;
	[tilespmem:$0x15E00] =	vst v63  }
0x23: {  	s8 =	simm.s32 $0xC8  }
0x24: {  	[tilespmem:s16], [sflag:$0x2] =	stream.indirect.gather [hbm4b:s4+s11], $0x40, s8, s11, $0xb8;
	[tilespmem:$0x15E00] =	vst v63  }
0x25: {  	s17 =	simm.s32 $0x130;
	s18 =	simm.s32 $0xB000  }
0x26: {  	[tilespmem:s18], [sflag:$0x2] =	stream.indirect.gather [hbm4b:s4+s13], $0x40, s17, s13, $0xb8;
	[tilespmem:$0x15E00] =	vst v63  }
0x27: {  	s19 =	simm.s32 $0x190  }
0x28: {  	[tilespmem:s20], [sflag:$0x3] =	stream.indirect.gather [hbm4b:s4+s11], $0x40, s19, s11, $0xb8;
	[tilespmem:$0x15E00] =	vst v63  }
0x29: {  	s21 =	simm.s32 $0x1F8;
	s17 =	simm.s32 $0x0  }
0x2a: {  	[tilespmem:s22], [sflag:$0x3] =	stream.indirect.gather [hbm4b:s4+s13], $0x40, s21, s13, $0xb8;
	[tilespmem:$0x15E00] =	vst v63  }
.LBB2_2:
0x2b: {  	_ =	swait.ge [sflag:s23], $0x1A00  }
0x2c: {  	[sflag:s23] =	ssyncset.done $0x0  }
0x2d: {  	[sflag:s23] =	ssyncadd.s32 $0xFFFFE600  }
0x2e: {  	_ =	swait.ge [sflag:s23], $0x1800  }
0x2f: {  	[sflag:s23] =	ssyncset.done $0x0  }
0x30: {  	s18 =	simm.s32 $0x0;
	[sflag:s23] =	ssyncadd.s32 $0xFFFFE800  }
0x31: {  	v0 =	vld [tilespmem:s18+$0x12DF0]  }
0x32: {  	v1 =	vld [tilespmem:s18+$0x12C00]  }
0x33: {  	v2 =	vld [tilespmem:s18+$0x12C10]  }
0x34: {  	v3 =	vld [tilespmem:s18+$0x12C20]  }
0x35: {  	v4 =	vld [tilespmem:s18+$0x12C30]  }
0x36: {  	v5 =	vld [tilespmem:s18+$0x12C40]  }
0x37: {  	v6 =	vld [tilespmem:s18+$0x12C50]  }
0x38: {  	v7 =	vld [tilespmem:s18+$0x12C60]  }
0x39: {  	v8 =	vld [tilespmem:s18+$0x12C70]  }
0x3a: {  	v9 =	vld [tilespmem:s18+$0x12C80]  }
0x3b: {  	v10 =	vld [tilespmem:s18+$0x12C90]  }
0x3c: {  	v11 =	vld [tilespmem:s18+$0x12CA0]  }
0x3d: {  	v12 =	vld [tilespmem:s18+$0x12CB0]  }
0x3e: {  	v13 =	vld [tilespmem:s18+$0x12CC0]  }
0x3f: {  	v14 =	vld [tilespmem:s18+$0x12CD0]  }
0x40: {  	v15 =	vld [tilespmem:s18+$0x12CE0]  }
0x41: {  	v16 =	vld [tilespmem:s18+$0x12CF0]  }
0x42: {  	v17 =	vld [tilespmem:s18+$0x12D00]  }
0x43: {  	v18 =	vld [tilespmem:s18+$0x12D10]  }
0x44: {  	v19 =	vld [tilespmem:s18+$0x12D20]  }
0x45: {  	v20 =	vld [tilespmem:s18+$0x12D30]  }
0x46: {  	v21 =	vld [tilespmem:s18+$0x12D40]  }
0x47: {  	v22 =	vld [tilespmem:s18+$0x12D50]  }
0x48: {  	v23 =	vld [tilespmem:s18+$0x12D60]  }
0x49: {  	v24 =	vld [tilespmem:s18+$0x12D70]  }
0x4a: {  	v25 =	vld [tilespmem:s18+$0x12D80]  }
0x4b: {  	v26 =	vld [tilespmem:s18+$0x12D90]  }
0x4c: {  	v27 =	vld [tilespmem:s18+$0x12DA0]  }
0x4d: {  	v28 =	vld [tilespmem:s18+$0x12DB0]  }
0x4e: {  	v29 =	vld [tilespmem:s18+$0x12DC0]  }
0x4f: {  	v30 =	vld [tilespmem:s18+$0x12DD0]  }
0x50: {  	[tilespmem:s18+$0x65F0] =	vst.add.f32.msk $0xffff, v0  }
0x51: {  	v0 =	vld [tilespmem:s18+$0x12DE0]  }
0x52: {  	[tilespmem:s18+$0x6400] =	vst.add.f32.msk $0xffff, v1  }
0x53: {  	[tilespmem:s18+$0x6410] =	vst.add.f32.msk $0xffff, v2  }
0x54: {  	[tilespmem:s18+$0x6420] =	vst.add.f32.msk $0xffff, v3  }
0x55: {  	[tilespmem:s18+$0x6430] =	vst.add.f32.msk $0xffff, v4  }
0x56: {  	[tilespmem:s18+$0x6440] =	vst.add.f32.msk $0xffff, v5  }
0x57: {  	[tilespmem:s18+$0x6450] =	vst.add.f32.msk $0xffff, v6  }
0x58: {  	[tilespmem:s18+$0x6460] =	vst.add.f32.msk $0xffff, v7  }
0x59: {  	[tilespmem:s18+$0x6470] =	vst.add.f32.msk $0xffff, v8  }
0x5a: {  	[tilespmem:s18+$0x6480] =	vst.add.f32.msk $0xffff, v9  }
0x5b: {  	[tilespmem:s18+$0x6490] =	vst.add.f32.msk $0xffff, v10  }
0x5c: {  	[tilespmem:s18+$0x64A0] =	vst.add.f32.msk $0xffff, v11  }
0x5d: {  	[tilespmem:s18+$0x64B0] =	vst.add.f32.msk $0xffff, v12  }
0x5e: {  	[tilespmem:s18+$0x64C0] =	vst.add.f32.msk $0xffff, v13  }
0x5f: {  	[tilespmem:s18+$0x64D0] =	vst.add.f32.msk $0xffff, v14  }
0x60: {  	[tilespmem:s18+$0x64E0] =	vst.add.f32.msk $0xffff, v15  }
0x61: {  	[tilespmem:s18+$0x64F0] =	vst.add.f32.msk $0xffff, v16  }
0x62: {  	[tilespmem:s18+$0x6500] =	vst.add.f32.msk $0xffff, v17  }
0x63: {  	[tilespmem:s18+$0x6510] =	vst.add.f32.msk $0xffff, v18  }
0x64: {  	[tilespmem:s18+$0x6520] =	vst.add.f32.msk $0xffff, v19  }
0x65: {  	[tilespmem:s18+$0x6530] =	vst.add.f32.msk $0xffff, v20  }
0x66: {  	[tilespmem:s18+$0x6540] =	vst.add.f32.msk $0xffff, v21  }
0x67: {  	[tilespmem:s18+$0x6550] =	vst.add.f32.msk $0xffff, v22  }
0x68: {  	[tilespmem:s18+$0x6560] =	vst.add.f32.msk $0xffff, v23  }
0x69: {  	[tilespmem:s18+$0x6570] =	vst.add.f32.msk $0xffff, v24  }
0x6a: {  	[tilespmem:s18+$0x6580] =	vst.add.f32.msk $0xffff, v25  }
0x6b: {  	[tilespmem:s18+$0x6590] =	vst.add.f32.msk $0xffff, v26  }
0x6c: {  	[tilespmem:s18+$0x65A0] =	vst.add.f32.msk $0xffff, v27  }
0x6d: {  	[tilespmem:s18+$0x65B0] =	vst.add.f32.msk $0xffff, v28  }
0x6e: {  	[tilespmem:s18+$0x65C0] =	vst.add.f32.msk $0xffff, v29  }
0x6f: {  	s5 =	simm.s32 $0x0;
	s7 =	simm.s32 $0x800;
	[tilespmem:s18+$0x65D0] =	vst.add.f32.msk $0xffff, v30  }
.LBB2_3:
0x70: {  	s5 =	sadd.s32 $0x8, s5;
	[tilespmem:s18+$0x65E0] =	vst.add.f32.msk $0xffff, v0;
	s18 =	sshra.s32 s7, $0x2  }
0x71: {  	v0 =	vld [tilespmem:s18+$0x12DF0];
	p0 =	slt.u32 s5, $0xC0  }
0x72: {  	v1 =	vld [tilespmem:s18+$0x12C00]  }
0x73: {  	v2 =	vld [tilespmem:s18+$0x12C10]  }
0x74: {  	v3 =	vld [tilespmem:s18+$0x12C20]  }
0x75: {  	v4 =	vld [tilespmem:s18+$0x12C30]  }
0x76: {  	[tilespmem:s18+$0x65F0] =	vst.add.f32.msk $0xffff, v0  }
0x77: {  	v5 =	vld [tilespmem:s18+$0x12C40]  }
0x78: {  	v6 =	vld [tilespmem:s18+$0x12C50]  }
0x79: {  	v7 =	vld [tilespmem:s18+$0x12C60]  }
0x7a: {  	v8 =	vld [tilespmem:s18+$0x12C70]  }
0x7b: {  	v9 =	vld [tilespmem:s18+$0x12C80]  }
0x7c: {  	v10 =	vld [tilespmem:s18+$0x12C90]  }
0x7d: {  	v11 =	vld [tilespmem:s18+$0x12CA0]  }
0x7e: {  	v12 =	vld [tilespmem:s18+$0x12CB0]  }
0x7f: {  	v13 =	vld [tilespmem:s18+$0x12CC0]  }
0x80: {  	v14 =	vld [tilespmem:s18+$0x12CD0]  }
0x81: {  	v15 =	vld [tilespmem:s18+$0x12CE0]  }
0x82: {  	v16 =	vld [tilespmem:s18+$0x12CF0]  }
0x83: {  	v17 =	vld [tilespmem:s18+$0x12D00]  }
0x84: {  	v18 =	vld [tilespmem:s18+$0x12D10]  }
0x85: {  	v19 =	vld [tilespmem:s18+$0x12D20]  }
0x86: {  	v20 =	vld [tilespmem:s18+$0x12D30]  }
0x87: {  	v21 =	vld [tilespmem:s18+$0x12D40]  }
0x88: {  	v22 =	vld [tilespmem:s18+$0x12D50]  }
0x89: {  	v23 =	vld [tilespmem:s18+$0x12D60]  }
0x8a: {  	v24 =	vld [tilespmem:s18+$0x12D70]  }
0x8b: {  	v25 =	vld [tilespmem:s18+$0x12D80]  }
0x8c: {  	v26 =	vld [tilespmem:s18+$0x12D90]  }
0x8d: {  	v27 =	vld [tilespmem:s18+$0x12DA0]  }
0x8e: {  	v28 =	vld [tilespmem:s18+$0x12DB0]  }
0x8f: {  	v29 =	vld [tilespmem:s18+$0x12DC0]  }
0x90: {  	v30 =	vld [tilespmem:s18+$0x12DD0]  }
0x91: {  	v0 =	vld [tilespmem:s18+$0x12DE0]  }
0x92: {  	[tilespmem:s18+$0x6400] =	vst.add.f32.msk $0xffff, v1  }
0x93: {  	[tilespmem:s18+$0x6410] =	vst.add.f32.msk $0xffff, v2  }
0x94: {  	[tilespmem:s18+$0x6420] =	vst.add.f32.msk $0xffff, v3  }
0x95: {  	[tilespmem:s18+$0x6430] =	vst.add.f32.msk $0xffff, v4  }
0x96: {  	[tilespmem:s18+$0x6440] =	vst.add.f32.msk $0xffff, v5  }
0x97: {  	[tilespmem:s18+$0x6450] =	vst.add.f32.msk $0xffff, v6  }
0x98: {  	[tilespmem:s18+$0x6460] =	vst.add.f32.msk $0xffff, v7  }
0x99: {  	[tilespmem:s18+$0x6470] =	vst.add.f32.msk $0xffff, v8  }
0x9a: {  	[tilespmem:s18+$0x6480] =	vst.add.f32.msk $0xffff, v9  }
0x9b: {  	[tilespmem:s18+$0x6490] =	vst.add.f32.msk $0xffff, v10  }
0x9c: {  	[tilespmem:s18+$0x64A0] =	vst.add.f32.msk $0xffff, v11  }
0x9d: {  	[tilespmem:s18+$0x64B0] =	vst.add.f32.msk $0xffff, v12  }
0x9e: {  	[tilespmem:s18+$0x64C0] =	vst.add.f32.msk $0xffff, v13  }
0x9f: {  	[tilespmem:s18+$0x64D0] =	vst.add.f32.msk $0xffff, v14  }
0xa0: {  	[tilespmem:s18+$0x64E0] =	vst.add.f32.msk $0xffff, v15  }
0xa1: {  	[tilespmem:s18+$0x64F0] =	vst.add.f32.msk $0xffff, v16  }
0xa2: {  	[tilespmem:s18+$0x6500] =	vst.add.f32.msk $0xffff, v17  }
0xa3: {  	[tilespmem:s18+$0x6510] =	vst.add.f32.msk $0xffff, v18  }
0xa4: {  	[tilespmem:s18+$0x6520] =	vst.add.f32.msk $0xffff, v19  }
0xa5: {  	[tilespmem:s18+$0x6530] =	vst.add.f32.msk $0xffff, v20  }
0xa6: {  	[tilespmem:s18+$0x6540] =	vst.add.f32.msk $0xffff, v21  }
0xa7: {  	[tilespmem:s18+$0x6550] =	vst.add.f32.msk $0xffff, v22  }
0xa8: {  	[tilespmem:s18+$0x6560] =	vst.add.f32.msk $0xffff, v23  }
0xa9: {  	[tilespmem:s18+$0x6570] =	vst.add.f32.msk $0xffff, v24  }
0xaa: {  	[tilespmem:s18+$0x6580] =	vst.add.f32.msk $0xffff, v25  }
.Ltmp2:
0xab: {  	[tilespmem:s18+$0x6590] =	vst.add.f32.msk $0xffff, v26;
	(pc) =	sbr.rel @p0 .LBB2_3-.Ltmp2, $4  }
0xac: {  	[tilespmem:s18+$0x65A0] =	vst.add.f32.msk $0xffff, v27  }
0xad: {  	[tilespmem:s18+$0x65B0] =	vst.add.f32.msk $0xffff, v28  }
0xae: {  	[tilespmem:s18+$0x65C0] =	vst.add.f32.msk $0xffff, v29  }
0xaf: {  	s7 =	sadd.s32 $0x800, s7;
	[tilespmem:s18+$0x65D0] =	vst.add.f32.msk $0xffff, v30  }
0xb0: {  	s19 =	sshll.u32 s17, $0x2  }
0xb1: {  	s5 =	sadd.s32 s2, s19  }
0xb2: {  	s5 =	smul.u32 $0xC80, s5;
	_ =	sdelay $0x1  }
0xb3: {  	[tilespmem:s18+$0x65E0] =	vst.add.f32.msk $0xffff, v0;
	p0 =	seq.s32 s17, $0x0;
	s5 =	sadd.s32 s6, s5  }
0xb4: {  	[hbm4b:s5+s24] =	stream.strided.scatter [tilespmem:s12], [sflag:$0x5], $0x3200, s25, s24, $0x38;
	[tilespmem:$0x15E00] =	vst v63  }
0xb5: {  	s18 =	sor.u32 $0x3, s19;
	s5 =	simm.s32 @!p0 $0x8  }
0xb6: {  	s7 =	smul.u32 $0x320, s18;
	_ =	swait.ge @!p0 [sflag:s5], $0x3200  }
0xb7: {  	[sflag:s5] =	ssyncset.done @!p0 $0x0  }
0xb8: {  	s21 =	sshra.s32 s7, $0x2;
	[sflag:s5] =	ssyncadd.s32 @!p0 $0xFFFFCE00  }
0xb9: {  	[tilespmem:s26], [sflag:$0x4] =	stream.indirect.gather [hbm4b:s4+s11], $0x40, s21, s11, $0xb8;
	[tilespmem:$0x15E00] =	vst v63  }
0xba: {  	s5 =	sadd.s32 $0x68, s21  }
0xbb: {  	[tilespmem:s28], [sflag:$0x4] =	stream.indirect.gather [hbm4b:s4+s13], $0x40, s5, s13, $0xb8;
	[tilespmem:$0x15E00] =	vst v63  }
0xbc: {  	_ =	swait.ge [sflag:s29], $0x1A00  }
0xbd: {  	[sflag:s29] =	ssyncset.done $0x0  }
0xbe: {  	[sflag:s29] =	ssyncadd.s32 $0xFFFFE600  }
0xbf: {  	_ =	swait.ge [sflag:s29], $0x1800  }
0xc0: {  	[sflag:s29] =	ssyncset.done $0x0  }
0xc1: {  	s21 =	simm.s32 $0x0;
	[sflag:s29] =	ssyncadd.s32 $0xFFFFE800  }
0xc2: {  	v0 =	vld [tilespmem:s21+$0x12DF0]  }
0xc3: {  	v1 =	vld [tilespmem:s21+$0x12C00]  }
0xc4: {  	v2 =	vld [tilespmem:s21+$0x12C10]  }
0xc5: {  	v3 =	vld [tilespmem:s21+$0x12C20]  }
0xc6: {  	v4 =	vld [tilespmem:s21+$0x12C30]  }
0xc7: {  	v5 =	vld [tilespmem:s21+$0x12C40]  }
0xc8: {  	v6 =	vld [tilespmem:s21+$0x12C50]  }
0xc9: {  	v7 =	vld [tilespmem:s21+$0x12C60]  }
0xca: {  	v8 =	vld [tilespmem:s21+$0x12C70]  }
0xcb: {  	v9 =	vld [tilespmem:s21+$0x12C80]  }
0xcc: {  	v10 =	vld [tilespmem:s21+$0x12C90]  }
0xcd: {  	v11 =	vld [tilespmem:s21+$0x12CA0]  }
0xce: {  	v12 =	vld [tilespmem:s21+$0x12CB0]  }
0xcf: {  	v13 =	vld [tilespmem:s21+$0x12CC0]  }
0xd0: {  	v14 =	vld [tilespmem:s21+$0x12CD0]  }
0xd1: {  	v15 =	vld [tilespmem:s21+$0x12CE0]  }
0xd2: {  	v16 =	vld [tilespmem:s21+$0x12CF0]  }
0xd3: {  	v17 =	vld [tilespmem:s21+$0x12D00]  }
0xd4: {  	v18 =	vld [tilespmem:s21+$0x12D10]  }
0xd5: {  	v19 =	vld [tilespmem:s21+$0x12D20]  }
0xd6: {  	v20 =	vld [tilespmem:s21+$0x12D30]  }
0xd7: {  	v21 =	vld [tilespmem:s21+$0x12D40]  }
0xd8: {  	v22 =	vld [tilespmem:s21+$0x12D50]  }
0xd9: {  	v23 =	vld [tilespmem:s21+$0x12D60]  }
0xda: {  	v24 =	vld [tilespmem:s21+$0x12D70]  }
0xdb: {  	v25 =	vld [tilespmem:s21+$0x12D80]  }
0xdc: {  	v26 =	vld [tilespmem:s21+$0x12D90]  }
0xdd: {  	v27 =	vld [tilespmem:s21+$0x12DA0]  }
0xde: {  	v28 =	vld [tilespmem:s21+$0x12DB0]  }
0xdf: {  	v29 =	vld [tilespmem:s21+$0x12DC0]  }
0xe0: {  	v30 =	vld [tilespmem:s21+$0x12DD0]  }
0xe1: {  	[tilespmem:s21+$0x97F0] =	vst.add.f32.msk $0xffff, v0  }
0xe2: {  	v0 =	vld [tilespmem:s21+$0x12DE0]  }
0xe3: {  	[tilespmem:s21+$0x9600] =	vst.add.f32.msk $0xffff, v1  }
0xe4: {  	[tilespmem:s21+$0x9610] =	vst.add.f32.msk $0xffff, v2  }
0xe5: {  	[tilespmem:s21+$0x9620] =	vst.add.f32.msk $0xffff, v3  }
0xe6: {  	[tilespmem:s21+$0x9630] =	vst.add.f32.msk $0xffff, v4  }
0xe7: {  	[tilespmem:s21+$0x9640] =	vst.add.f32.msk $0xffff, v5  }
0xe8: {  	[tilespmem:s21+$0x9650] =	vst.add.f32.msk $0xffff, v6  }
0xe9: {  	[tilespmem:s21+$0x9660] =	vst.add.f32.msk $0xffff, v7  }
0xea: {  	[tilespmem:s21+$0x9670] =	vst.add.f32.msk $0xffff, v8  }
0xeb: {  	[tilespmem:s21+$0x9680] =	vst.add.f32.msk $0xffff, v9  }
0xec: {  	[tilespmem:s21+$0x9690] =	vst.add.f32.msk $0xffff, v10  }
0xed: {  	[tilespmem:s21+$0x96A0] =	vst.add.f32.msk $0xffff, v11  }
0xee: {  	[tilespmem:s21+$0x96B0] =	vst.add.f32.msk $0xffff, v12  }
0xef: {  	[tilespmem:s21+$0x96C0] =	vst.add.f32.msk $0xffff, v13  }
0xf0: {  	[tilespmem:s21+$0x96D0] =	vst.add.f32.msk $0xffff, v14  }
0xf1: {  	[tilespmem:s21+$0x96E0] =	vst.add.f32.msk $0xffff, v15  }
0xf2: {  	[tilespmem:s21+$0x96F0] =	vst.add.f32.msk $0xffff, v16  }
0xf3: {  	[tilespmem:s21+$0x9700] =	vst.add.f32.msk $0xffff, v17  }
0xf4: {  	[tilespmem:s21+$0x9710] =	vst.add.f32.msk $0xffff, v18  }
0xf5: {  	[tilespmem:s21+$0x9720] =	vst.add.f32.msk $0xffff, v19  }
0xf6: {  	[tilespmem:s21+$0x9730] =	vst.add.f32.msk $0xffff, v20  }
0xf7: {  	[tilespmem:s21+$0x9740] =	vst.add.f32.msk $0xffff, v21  }
0xf8: {  	[tilespmem:s21+$0x9750] =	vst.add.f32.msk $0xffff, v22  }
0xf9: {  	[tilespmem:s21+$0x9760] =	vst.add.f32.msk $0xffff, v23  }
0xfa: {  	[tilespmem:s21+$0x9770] =	vst.add.f32.msk $0xffff, v24  }
0xfb: {  	[tilespmem:s21+$0x9780] =	vst.add.f32.msk $0xffff, v25  }
0xfc: {  	[tilespmem:s21+$0x9790] =	vst.add.f32.msk $0xffff, v26  }
0xfd: {  	[tilespmem:s21+$0x97A0] =	vst.add.f32.msk $0xffff, v27  }
0xfe: {  	[tilespmem:s21+$0x97B0] =	vst.add.f32.msk $0xffff, v28  }
0xff: {  	[tilespmem:s21+$0x97C0] =	vst.add.f32.msk $0xffff, v29  }
0x100: {  	s7 =	simm.s32 $0x800;
	s5 =	simm.s32 $0x0;
	[tilespmem:s21+$0x97D0] =	vst.add.f32.msk $0xffff, v30  }
.LBB2_5:
0x101: {  	s5 =	sadd.s32 $0x8, s5;
	[tilespmem:s21+$0x97E0] =	vst.add.f32.msk $0xffff, v0;
	s21 =	sshra.s32 s7, $0x2  }
0x102: {  	v0 =	vld [tilespmem:s21+$0x12DF0];
	p0 =	slt.u32 s5, $0xC0  }
0x103: {  	v1 =	vld [tilespmem:s21+$0x12C00]  }
0x104: {  	v2 =	vld [tilespmem:s21+$0x12C10]  }
0x105: {  	v3 =	vld [tilespmem:s21+$0x12C20]  }
0x106: {  	v4 =	vld [tilespmem:s21+$0x12C30]  }
0x107: {  	[tilespmem:s21+$0x97F0] =	vst.add.f32.msk $0xffff, v0  }
0x108: {  	v5 =	vld [tilespmem:s21+$0x12C40]  }
0x109: {  	v6 =	vld [tilespmem:s21+$0x12C50]  }
0x10a: {  	v7 =	vld [tilespmem:s21+$0x12C60]  }
0x10b: {  	v8 =	vld [tilespmem:s21+$0x12C70]  }
0x10c: {  	v9 =	vld [tilespmem:s21+$0x12C80]  }
0x10d: {  	v10 =	vld [tilespmem:s21+$0x12C90]  }
0x10e: {  	v11 =	vld [tilespmem:s21+$0x12CA0]  }
0x10f: {  	v12 =	vld [tilespmem:s21+$0x12CB0]  }
0x110: {  	v13 =	vld [tilespmem:s21+$0x12CC0]  }
0x111: {  	v14 =	vld [tilespmem:s21+$0x12CD0]  }
0x112: {  	v15 =	vld [tilespmem:s21+$0x12CE0]  }
0x113: {  	v16 =	vld [tilespmem:s21+$0x12CF0]  }
0x114: {  	v17 =	vld [tilespmem:s21+$0x12D00]  }
0x115: {  	v18 =	vld [tilespmem:s21+$0x12D10]  }
0x116: {  	v19 =	vld [tilespmem:s21+$0x12D20]  }
0x117: {  	v20 =	vld [tilespmem:s21+$0x12D30]  }
0x118: {  	v21 =	vld [tilespmem:s21+$0x12D40]  }
0x119: {  	v22 =	vld [tilespmem:s21+$0x12D50]  }
0x11a: {  	v23 =	vld [tilespmem:s21+$0x12D60]  }
0x11b: {  	v24 =	vld [tilespmem:s21+$0x12D70]  }
0x11c: {  	v25 =	vld [tilespmem:s21+$0x12D80]  }
0x11d: {  	v26 =	vld [tilespmem:s21+$0x12D90]  }
0x11e: {  	v27 =	vld [tilespmem:s21+$0x12DA0]  }
0x11f: {  	v28 =	vld [tilespmem:s21+$0x12DB0]  }
0x120: {  	v29 =	vld [tilespmem:s21+$0x12DC0]  }
0x121: {  	v30 =	vld [tilespmem:s21+$0x12DD0]  }
0x122: {  	v0 =	vld [tilespmem:s21+$0x12DE0]  }
0x123: {  	[tilespmem:s21+$0x9600] =	vst.add.f32.msk $0xffff, v1  }
0x124: {  	[tilespmem:s21+$0x9610] =	vst.add.f32.msk $0xffff, v2  }
0x125: {  	[tilespmem:s21+$0x9620] =	vst.add.f32.msk $0xffff, v3  }
0x126: {  	[tilespmem:s21+$0x9630] =	vst.add.f32.msk $0xffff, v4  }
0x127: {  	[tilespmem:s21+$0x9640] =	vst.add.f32.msk $0xffff, v5  }
0x128: {  	[tilespmem:s21+$0x9650] =	vst.add.f32.msk $0xffff, v6  }
0x129: {  	[tilespmem:s21+$0x9660] =	vst.add.f32.msk $0xffff, v7  }
0x12a: {  	[tilespmem:s21+$0x9670] =	vst.add.f32.msk $0xffff, v8  }
0x12b: {  	[tilespmem:s21+$0x9680] =	vst.add.f32.msk $0xffff, v9  }
0x12c: {  	[tilespmem:s21+$0x9690] =	vst.add.f32.msk $0xffff, v10  }
0x12d: {  	[tilespmem:s21+$0x96A0] =	vst.add.f32.msk $0xffff, v11  }
0x12e: {  	[tilespmem:s21+$0x96B0] =	vst.add.f32.msk $0xffff, v12  }
0x12f: {  	[tilespmem:s21+$0x96C0] =	vst.add.f32.msk $0xffff, v13  }
0x130: {  	[tilespmem:s21+$0x96D0] =	vst.add.f32.msk $0xffff, v14  }
0x131: {  	[tilespmem:s21+$0x96E0] =	vst.add.f32.msk $0xffff, v15  }
0x132: {  	[tilespmem:s21+$0x96F0] =	vst.add.f32.msk $0xffff, v16  }
0x133: {  	[tilespmem:s21+$0x9700] =	vst.add.f32.msk $0xffff, v17  }
0x134: {  	[tilespmem:s21+$0x9710] =	vst.add.f32.msk $0xffff, v18  }
0x135: {  	[tilespmem:s21+$0x9720] =	vst.add.f32.msk $0xffff, v19  }
0x136: {  	[tilespmem:s21+$0x9730] =	vst.add.f32.msk $0xffff, v20  }
0x137: {  	[tilespmem:s21+$0x9740] =	vst.add.f32.msk $0xffff, v21  }
0x138: {  	[tilespmem:s21+$0x9750] =	vst.add.f32.msk $0xffff, v22  }
0x139: {  	[tilespmem:s21+$0x9760] =	vst.add.f32.msk $0xffff, v23  }
0x13a: {  	[tilespmem:s21+$0x9770] =	vst.add.f32.msk $0xffff, v24  }
0x13b: {  	[tilespmem:s21+$0x9780] =	vst.add.f32.msk $0xffff, v25  }
.Ltmp3:
0x13c: {  	[tilespmem:s21+$0x9790] =	vst.add.f32.msk $0xffff, v26;
	(pc) =	sbr.rel @p0 .LBB2_5-.Ltmp3, $4  }
0x13d: {  	[tilespmem:s21+$0x97A0] =	vst.add.f32.msk $0xffff, v27  }
0x13e: {  	[tilespmem:s21+$0x97B0] =	vst.add.f32.msk $0xffff, v28  }
0x13f: {  	[tilespmem:s21+$0x97C0] =	vst.add.f32.msk $0xffff, v29  }
0x140: {  	s7 =	sadd.s32 $0x800, s7;
	[tilespmem:s21+$0x97D0] =	vst.add.f32.msk $0xffff, v30  }
0x141: {  	s5 =	sadd.s32 s19, s2  }
0x142: {  	s5 =	smul.u32 $0xC80, s5;
	_ =	sdelay $0x1  }
0x143: {  	s19 =	sadd.s32 s6, s5  }
0x144: {  	[tilespmem:s21+$0x97E0] =	vst.add.f32.msk $0xffff, v0;
	p0 =	seq.s32 s17, $0x1F;
	s5 =	sadd.s32 $0xC80, s19  }
0x145: {  	[hbm4b:s5+s24] =	stream.strided.scatter [tilespmem:s16], [sflag:$0x6], $0x3200, s25, s24, $0x38;
	[tilespmem:$0x15E00] =	vst v63  }
0x146: {  	s5 =	smul.u32 @!p0 $0xC80, s17  }
0x147: {  	_ =	swait.ge [sflag:s30], $0x3200  }
0x148: {  	s7 =	simm.s32 @!p0 $0x68;
	[sflag:s30] =	ssyncset.done $0x0;
	s21 =	sshra.s32 @!p0 s5, $0x2  }
0x149: {  	s8 =	simm.s32 @!p0 $0x6400;
	[sflag:s30] =	ssyncadd.s32 $0xFFFFCE00;
	s5 =	sadd.s32 @!p0 $0x320, s21  }
0x14a: {  	[tilespmem:s8], [sflag:$0x1] =	stream.indirect.gather @!p0 [hbm4b:s4+s7], $0x40, s5, s7, $0xb8;
	[tilespmem:$0x15E00] =	vst v63  }
0x14b: {  	s5 =	sadd.s32 @!p0 $0x388, s21;
	s7 =	simm.s32 @!p0 $0x60;
	s8 =	simm.s32 @!p0 $0x7E00  }
0x14c: {  	[tilespmem:s8], [sflag:$0x1] =	stream.indirect.gather @!p0 [hbm4b:s4+s7], $0x40, s5, s7, $0xb8;
	[tilespmem:$0x15E00] =	vst v63  }
0x14d: {  	_ =	swait.ge [sflag:s31], $0x1A00  }
0x14e: {  	[sflag:s31] =	ssyncset.done $0x0  }
0x14f: {  	[sflag:s31] =	ssyncadd.s32 $0xFFFFE600  }
0x150: {  	_ =	swait.ge [sflag:s31], $0x1800  }
0x151: {  	[sflag:s31] =	ssyncset.done $0x0  }
0x152: {  	s5 =	simm.s32 $0x0;
	[sflag:s31] =	ssyncadd.s32 $0xFFFFE800  }
0x153: {  	v0 =	vld [tilespmem:s5+$0x12DF0]  }
0x154: {  	v1 =	vld [tilespmem:s5+$0x12C00]  }
0x155: {  	v2 =	vld [tilespmem:s5+$0x12C10]  }
0x156: {  	v3 =	vld [tilespmem:s5+$0x12C20]  }
0x157: {  	v4 =	vld [tilespmem:s5+$0x12C30]  }
0x158: {  	v5 =	vld [tilespmem:s5+$0x12C40]  }
0x159: {  	v6 =	vld [tilespmem:s5+$0x12C50]  }
0x15a: {  	v7 =	vld [tilespmem:s5+$0x12C60]  }
0x15b: {  	v8 =	vld [tilespmem:s5+$0x12C70]  }
0x15c: {  	v9 =	vld [tilespmem:s5+$0x12C80]  }
0x15d: {  	v10 =	vld [tilespmem:s5+$0x12C90]  }
0x15e: {  	v11 =	vld [tilespmem:s5+$0x12CA0]  }
0x15f: {  	v12 =	vld [tilespmem:s5+$0x12CB0]  }
0x160: {  	v13 =	vld [tilespmem:s5+$0x12CC0]  }
0x161: {  	v14 =	vld [tilespmem:s5+$0x12CD0]  }
0x162: {  	v15 =	vld [tilespmem:s5+$0x12CE0]  }
0x163: {  	v16 =	vld [tilespmem:s5+$0x12CF0]  }
0x164: {  	v17 =	vld [tilespmem:s5+$0x12D00]  }
0x165: {  	v18 =	vld [tilespmem:s5+$0x12D10]  }
0x166: {  	v19 =	vld [tilespmem:s5+$0x12D20]  }
0x167: {  	v20 =	vld [tilespmem:s5+$0x12D30]  }
0x168: {  	v21 =	vld [tilespmem:s5+$0x12D40]  }
0x169: {  	v22 =	vld [tilespmem:s5+$0x12D50]  }
0x16a: {  	v23 =	vld [tilespmem:s5+$0x12D60]  }
0x16b: {  	v24 =	vld [tilespmem:s5+$0x12D70]  }
0x16c: {  	v25 =	vld [tilespmem:s5+$0x12D80]  }
0x16d: {  	v26 =	vld [tilespmem:s5+$0x12D90]  }
0x16e: {  	v27 =	vld [tilespmem:s5+$0x12DA0]  }
0x16f: {  	v28 =	vld [tilespmem:s5+$0x12DB0]  }
0x170: {  	v29 =	vld [tilespmem:s5+$0x12DC0]  }
0x171: {  	v30 =	vld [tilespmem:s5+$0x12DD0]  }
0x172: {  	[tilespmem:s5+$0xC9F0] =	vst.add.f32.msk $0xffff, v0  }
0x173: {  	v0 =	vld [tilespmem:s5+$0x12DE0]  }
0x174: {  	[tilespmem:s5+$0xC800] =	vst.add.f32.msk $0xffff, v1  }
0x175: {  	[tilespmem:s5+$0xC810] =	vst.add.f32.msk $0xffff, v2  }
0x176: {  	[tilespmem:s5+$0xC820] =	vst.add.f32.msk $0xffff, v3  }
0x177: {  	[tilespmem:s5+$0xC830] =	vst.add.f32.msk $0xffff, v4  }
0x178: {  	[tilespmem:s5+$0xC840] =	vst.add.f32.msk $0xffff, v5  }
0x179: {  	[tilespmem:s5+$0xC850] =	vst.add.f32.msk $0xffff, v6  }
0x17a: {  	[tilespmem:s5+$0xC860] =	vst.add.f32.msk $0xffff, v7  }
0x17b: {  	[tilespmem:s5+$0xC870] =	vst.add.f32.msk $0xffff, v8  }
0x17c: {  	[tilespmem:s5+$0xC880] =	vst.add.f32.msk $0xffff, v9  }
0x17d: {  	[tilespmem:s5+$0xC890] =	vst.add.f32.msk $0xffff, v10  }
0x17e: {  	[tilespmem:s5+$0xC8A0] =	vst.add.f32.msk $0xffff, v11  }
0x17f: {  	[tilespmem:s5+$0xC8B0] =	vst.add.f32.msk $0xffff, v12  }
0x180: {  	[tilespmem:s5+$0xC8C0] =	vst.add.f32.msk $0xffff, v13  }
0x181: {  	[tilespmem:s5+$0xC8D0] =	vst.add.f32.msk $0xffff, v14  }
0x182: {  	[tilespmem:s5+$0xC8E0] =	vst.add.f32.msk $0xffff, v15  }
0x183: {  	[tilespmem:s5+$0xC8F0] =	vst.add.f32.msk $0xffff, v16  }
0x184: {  	[tilespmem:s5+$0xC900] =	vst.add.f32.msk $0xffff, v17  }
0x185: {  	[tilespmem:s5+$0xC910] =	vst.add.f32.msk $0xffff, v18  }
0x186: {  	[tilespmem:s5+$0xC920] =	vst.add.f32.msk $0xffff, v19  }
0x187: {  	[tilespmem:s5+$0xC930] =	vst.add.f32.msk $0xffff, v20  }
0x188: {  	[tilespmem:s5+$0xC940] =	vst.add.f32.msk $0xffff, v21  }
0x189: {  	[tilespmem:s5+$0xC950] =	vst.add.f32.msk $0xffff, v22  }
0x18a: {  	[tilespmem:s5+$0xC960] =	vst.add.f32.msk $0xffff, v23  }
0x18b: {  	[tilespmem:s5+$0xC970] =	vst.add.f32.msk $0xffff, v24  }
0x18c: {  	[tilespmem:s5+$0xC980] =	vst.add.f32.msk $0xffff, v25  }
0x18d: {  	[tilespmem:s5+$0xC990] =	vst.add.f32.msk $0xffff, v26  }
0x18e: {  	[tilespmem:s5+$0xC9A0] =	vst.add.f32.msk $0xffff, v27  }
0x18f: {  	[tilespmem:s5+$0xC9B0] =	vst.add.f32.msk $0xffff, v28  }
0x190: {  	[tilespmem:s5+$0xC9C0] =	vst.add.f32.msk $0xffff, v29  }
0x191: {  	s7 =	simm.s32 $0x0;
	s8 =	simm.s32 $0x800;
	[tilespmem:s5+$0xC9D0] =	vst.add.f32.msk $0xffff, v30  }
.LBB2_7:
0x192: {  	s7 =	sadd.s32 $0x8, s7;
	[tilespmem:s5+$0xC9E0] =	vst.add.f32.msk $0xffff, v0;
	s5 =	sshra.s32 s8, $0x2  }
0x193: {  	v0 =	vld [tilespmem:s5+$0x12DF0];
	p1 =	slt.u32 s7, $0xC0  }
0x194: {  	v1 =	vld [tilespmem:s5+$0x12C00]  }
0x195: {  	v2 =	vld [tilespmem:s5+$0x12C10]  }
0x196: {  	v3 =	vld [tilespmem:s5+$0x12C20]  }
0x197: {  	v4 =	vld [tilespmem:s5+$0x12C30]  }
0x198: {  	[tilespmem:s5+$0xC9F0] =	vst.add.f32.msk $0xffff, v0  }
0x199: {  	v5 =	vld [tilespmem:s5+$0x12C40]  }
0x19a: {  	v6 =	vld [tilespmem:s5+$0x12C50]  }
0x19b: {  	v7 =	vld [tilespmem:s5+$0x12C60]  }
0x19c: {  	v8 =	vld [tilespmem:s5+$0x12C70]  }
0x19d: {  	v9 =	vld [tilespmem:s5+$0x12C80]  }
0x19e: {  	v10 =	vld [tilespmem:s5+$0x12C90]  }
0x19f: {  	v11 =	vld [tilespmem:s5+$0x12CA0]  }
0x1a0: {  	v12 =	vld [tilespmem:s5+$0x12CB0]  }
0x1a1: {  	v13 =	vld [tilespmem:s5+$0x12CC0]  }
0x1a2: {  	v14 =	vld [tilespmem:s5+$0x12CD0]  }
0x1a3: {  	v15 =	vld [tilespmem:s5+$0x12CE0]  }
0x1a4: {  	v16 =	vld [tilespmem:s5+$0x12CF0]  }
0x1a5: {  	v17 =	vld [tilespmem:s5+$0x12D00]  }
0x1a6: {  	v18 =	vld [tilespmem:s5+$0x12D10]  }
0x1a7: {  	v19 =	vld [tilespmem:s5+$0x12D20]  }
0x1a8: {  	v20 =	vld [tilespmem:s5+$0x12D30]  }
0x1a9: {  	v21 =	vld [tilespmem:s5+$0x12D40]  }
0x1aa: {  	v22 =	vld [tilespmem:s5+$0x12D50]  }
0x1ab: {  	v23 =	vld [tilespmem:s5+$0x12D60]  }
0x1ac: {  	v24 =	vld [tilespmem:s5+$0x12D70]  }
0x1ad: {  	v25 =	vld [tilespmem:s5+$0x12D80]  }
0x1ae: {  	v26 =	vld [tilespmem:s5+$0x12D90]  }
0x1af: {  	v27 =	vld [tilespmem:s5+$0x12DA0]  }
0x1b0: {  	v28 =	vld [tilespmem:s5+$0x12DB0]  }
0x1b1: {  	v29 =	vld [tilespmem:s5+$0x12DC0]  }
0x1b2: {  	v30 =	vld [tilespmem:s5+$0x12DD0]  }
0x1b3: {  	v0 =	vld [tilespmem:s5+$0x12DE0]  }
0x1b4: {  	[tilespmem:s5+$0xC800] =	vst.add.f32.msk $0xffff, v1  }
0x1b5: {  	[tilespmem:s5+$0xC810] =	vst.add.f32.msk $0xffff, v2  }
0x1b6: {  	[tilespmem:s5+$0xC820] =	vst.add.f32.msk $0xffff, v3  }
0x1b7: {  	[tilespmem:s5+$0xC830] =	vst.add.f32.msk $0xffff, v4  }
0x1b8: {  	[tilespmem:s5+$0xC840] =	vst.add.f32.msk $0xffff, v5  }
0x1b9: {  	[tilespmem:s5+$0xC850] =	vst.add.f32.msk $0xffff, v6  }
0x1ba: {  	[tilespmem:s5+$0xC860] =	vst.add.f32.msk $0xffff, v7  }
0x1bb: {  	[tilespmem:s5+$0xC870] =	vst.add.f32.msk $0xffff, v8  }
0x1bc: {  	[tilespmem:s5+$0xC880] =	vst.add.f32.msk $0xffff, v9  }
0x1bd: {  	[tilespmem:s5+$0xC890] =	vst.add.f32.msk $0xffff, v10  }
0x1be: {  	[tilespmem:s5+$0xC8A0] =	vst.add.f32.msk $0xffff, v11  }
0x1bf: {  	[tilespmem:s5+$0xC8B0] =	vst.add.f32.msk $0xffff, v12  }
0x1c0: {  	[tilespmem:s5+$0xC8C0] =	vst.add.f32.msk $0xffff, v13  }
0x1c1: {  	[tilespmem:s5+$0xC8D0] =	vst.add.f32.msk $0xffff, v14  }
0x1c2: {  	[tilespmem:s5+$0xC8E0] =	vst.add.f32.msk $0xffff, v15  }
0x1c3: {  	[tilespmem:s5+$0xC8F0] =	vst.add.f32.msk $0xffff, v16  }
0x1c4: {  	[tilespmem:s5+$0xC900] =	vst.add.f32.msk $0xffff, v17  }
0x1c5: {  	[tilespmem:s5+$0xC910] =	vst.add.f32.msk $0xffff, v18  }
0x1c6: {  	[tilespmem:s5+$0xC920] =	vst.add.f32.msk $0xffff, v19  }
0x1c7: {  	[tilespmem:s5+$0xC930] =	vst.add.f32.msk $0xffff, v20  }
0x1c8: {  	[tilespmem:s5+$0xC940] =	vst.add.f32.msk $0xffff, v21  }
0x1c9: {  	[tilespmem:s5+$0xC950] =	vst.add.f32.msk $0xffff, v22  }
0x1ca: {  	[tilespmem:s5+$0xC960] =	vst.add.f32.msk $0xffff, v23  }
0x1cb: {  	[tilespmem:s5+$0xC970] =	vst.add.f32.msk $0xffff, v24  }
0x1cc: {  	[tilespmem:s5+$0xC980] =	vst.add.f32.msk $0xffff, v25  }
.Ltmp4:
0x1cd: {  	[tilespmem:s5+$0xC990] =	vst.add.f32.msk $0xffff, v26;
	(pc) =	sbr.rel @p1 .LBB2_7-.Ltmp4, $4  }
0x1ce: {  	[tilespmem:s5+$0xC9A0] =	vst.add.f32.msk $0xffff, v27  }
0x1cf: {  	[tilespmem:s5+$0xC9B0] =	vst.add.f32.msk $0xffff, v28  }
0x1d0: {  	[tilespmem:s5+$0xC9C0] =	vst.add.f32.msk $0xffff, v29  }
0x1d1: {  	s8 =	sadd.s32 $0x800, s8;
	[tilespmem:s5+$0xC9D0] =	vst.add.f32.msk $0xffff, v30  }
0x1d2: {  	[tilespmem:s5+$0xC9E0] =	vst.add.f32.msk $0xffff, v0;
	s19 =	sadd.s32 $0x1900, s19  }
0x1d3: {  	[hbm4b:s19+s24] =	stream.strided.scatter [tilespmem:s20], [sflag:$0x7], $0x3200, s25, s24, $0x38;
	[tilespmem:$0x15E00] =	vst v63  }
0x1d4: {  	_ =	swait.ge [sflag:s1], $0x3200  }
0x1d5: {  	s5 =	sadd.s32 @!p0 $0x3E8, s21;
	[sflag:s1] =	ssyncset.done $0x0  }
0x1d6: {  	s7 =	simm.s32 @!p0 $0x68;
	s8 =	simm.s32 @!p0 $0x9600;
	[sflag:s1] =	ssyncadd.s32 $0xFFFFCE00  }
0x1d7: {  	[tilespmem:s8], [sflag:$0x2] =	stream.indirect.gather @!p0 [hbm4b:s4+s7], $0x40, s5, s7, $0xb8;
	[tilespmem:$0x15E00] =	vst v63  }
0x1d8: {  	s5 =	sadd.s32 @!p0 $0x450, s21;
	s7 =	simm.s32 @!p0 $0x60;
	s8 =	simm.s32 @!p0 $0xB000  }
0x1d9: {  	[tilespmem:s8], [sflag:$0x2] =	stream.indirect.gather @!p0 [hbm4b:s4+s7], $0x40, s5, s7, $0xb8;
	[tilespmem:$0x15E00] =	vst v63  }
0x1da: {  	_ =	swait.ge [sflag:s0], $0x1A00  }
0x1db: {  	[sflag:s0] =	ssyncset.done $0x0  }
0x1dc: {  	[sflag:s0] =	ssyncadd.s32 $0xFFFFE600  }
0x1dd: {  	_ =	swait.ge [sflag:s0], $0x1800  }
0x1de: {  	[sflag:s0] =	ssyncset.done $0x0  }
0x1df: {  	s19 =	simm.s32 $0x0;
	[sflag:s0] =	ssyncadd.s32 $0xFFFFE800  }
0x1e0: {  	v0 =	vld [tilespmem:s19+$0x12DF0]  }
0x1e1: {  	v1 =	vld [tilespmem:s19+$0x12C00]  }
0x1e2: {  	v2 =	vld [tilespmem:s19+$0x12C10]  }
0x1e3: {  	v3 =	vld [tilespmem:s19+$0x12C20]  }
0x1e4: {  	v4 =	vld [tilespmem:s19+$0x12C30]  }
0x1e5: {  	v5 =	vld [tilespmem:s19+$0x12C40]  }
0x1e6: {  	v6 =	vld [tilespmem:s19+$0x12C50]  }
0x1e7: {  	v7 =	vld [tilespmem:s19+$0x12C60]  }
0x1e8: {  	v8 =	vld [tilespmem:s19+$0x12C70]  }
0x1e9: {  	v9 =	vld [tilespmem:s19+$0x12C80]  }
0x1ea: {  	v10 =	vld [tilespmem:s19+$0x12C90]  }
0x1eb: {  	v11 =	vld [tilespmem:s19+$0x12CA0]  }
0x1ec: {  	v12 =	vld [tilespmem:s19+$0x12CB0]  }
0x1ed: {  	v13 =	vld [tilespmem:s19+$0x12CC0]  }
0x1ee: {  	v14 =	vld [tilespmem:s19+$0x12CD0]  }
0x1ef: {  	v15 =	vld [tilespmem:s19+$0x12CE0]  }
0x1f0: {  	v16 =	vld [tilespmem:s19+$0x12CF0]  }
0x1f1: {  	v17 =	vld [tilespmem:s19+$0x12D00]  }
0x1f2: {  	v18 =	vld [tilespmem:s19+$0x12D10]  }
0x1f3: {  	v19 =	vld [tilespmem:s19+$0x12D20]  }
0x1f4: {  	v20 =	vld [tilespmem:s19+$0x12D30]  }
0x1f5: {  	v21 =	vld [tilespmem:s19+$0x12D40]  }
0x1f6: {  	v22 =	vld [tilespmem:s19+$0x12D50]  }
0x1f7: {  	v23 =	vld [tilespmem:s19+$0x12D60]  }
0x1f8: {  	v24 =	vld [tilespmem:s19+$0x12D70]  }
0x1f9: {  	v25 =	vld [tilespmem:s19+$0x12D80]  }
0x1fa: {  	v26 =	vld [tilespmem:s19+$0x12D90]  }
0x1fb: {  	v27 =	vld [tilespmem:s19+$0x12DA0]  }
0x1fc: {  	v28 =	vld [tilespmem:s19+$0x12DB0]  }
0x1fd: {  	v29 =	vld [tilespmem:s19+$0x12DC0]  }
0x1fe: {  	v30 =	vld [tilespmem:s19+$0x12DD0]  }
0x1ff: {  	[tilespmem:s19+$0xFBF0] =	vst.add.f32.msk $0xffff, v0  }
0x200: {  	v0 =	vld [tilespmem:s19+$0x12DE0]  }
0x201: {  	[tilespmem:s19+$0xFA00] =	vst.add.f32.msk $0xffff, v1  }
0x202: {  	[tilespmem:s19+$0xFA10] =	vst.add.f32.msk $0xffff, v2  }
0x203: {  	[tilespmem:s19+$0xFA20] =	vst.add.f32.msk $0xffff, v3  }
0x204: {  	[tilespmem:s19+$0xFA30] =	vst.add.f32.msk $0xffff, v4  }
0x205: {  	[tilespmem:s19+$0xFA40] =	vst.add.f32.msk $0xffff, v5  }
0x206: {  	[tilespmem:s19+$0xFA50] =	vst.add.f32.msk $0xffff, v6  }
0x207: {  	[tilespmem:s19+$0xFA60] =	vst.add.f32.msk $0xffff, v7  }
0x208: {  	[tilespmem:s19+$0xFA70] =	vst.add.f32.msk $0xffff, v8  }
0x209: {  	[tilespmem:s19+$0xFA80] =	vst.add.f32.msk $0xffff, v9  }
0x20a: {  	[tilespmem:s19+$0xFA90] =	vst.add.f32.msk $0xffff, v10  }
0x20b: {  	[tilespmem:s19+$0xFAA0] =	vst.add.f32.msk $0xffff, v11  }
0x20c: {  	[tilespmem:s19+$0xFAB0] =	vst.add.f32.msk $0xffff, v12  }
0x20d: {  	[tilespmem:s19+$0xFAC0] =	vst.add.f32.msk $0xffff, v13  }
0x20e: {  	[tilespmem:s19+$0xFAD0] =	vst.add.f32.msk $0xffff, v14  }
0x20f: {  	[tilespmem:s19+$0xFAE0] =	vst.add.f32.msk $0xffff, v15  }
0x210: {  	[tilespmem:s19+$0xFAF0] =	vst.add.f32.msk $0xffff, v16  }
0x211: {  	[tilespmem:s19+$0xFB00] =	vst.add.f32.msk $0xffff, v17  }
0x212: {  	[tilespmem:s19+$0xFB10] =	vst.add.f32.msk $0xffff, v18  }
0x213: {  	[tilespmem:s19+$0xFB20] =	vst.add.f32.msk $0xffff, v19  }
0x214: {  	[tilespmem:s19+$0xFB30] =	vst.add.f32.msk $0xffff, v20  }
0x215: {  	[tilespmem:s19+$0xFB40] =	vst.add.f32.msk $0xffff, v21  }
0x216: {  	[tilespmem:s19+$0xFB50] =	vst.add.f32.msk $0xffff, v22  }
0x217: {  	[tilespmem:s19+$0xFB60] =	vst.add.f32.msk $0xffff, v23  }
0x218: {  	[tilespmem:s19+$0xFB70] =	vst.add.f32.msk $0xffff, v24  }
0x219: {  	[tilespmem:s19+$0xFB80] =	vst.add.f32.msk $0xffff, v25  }
0x21a: {  	[tilespmem:s19+$0xFB90] =	vst.add.f32.msk $0xffff, v26  }
0x21b: {  	[tilespmem:s19+$0xFBA0] =	vst.add.f32.msk $0xffff, v27  }
0x21c: {  	[tilespmem:s19+$0xFBB0] =	vst.add.f32.msk $0xffff, v28  }
0x21d: {  	[tilespmem:s19+$0xFBC0] =	vst.add.f32.msk $0xffff, v29  }
0x21e: {  	s5 =	simm.s32 $0x0;
	s7 =	simm.s32 $0x800;
	[tilespmem:s19+$0xFBD0] =	vst.add.f32.msk $0xffff, v30  }
.LBB2_9:
0x21f: {  	s5 =	sadd.s32 $0x8, s5;
	[tilespmem:s19+$0xFBE0] =	vst.add.f32.msk $0xffff, v0;
	s19 =	sshra.s32 s7, $0x2  }
0x220: {  	v0 =	vld [tilespmem:s19+$0x12DF0];
	p1 =	slt.u32 s5, $0xC0  }
0x221: {  	v1 =	vld [tilespmem:s19+$0x12C00]  }
0x222: {  	v2 =	vld [tilespmem:s19+$0x12C10]  }
0x223: {  	v3 =	vld [tilespmem:s19+$0x12C20]  }
0x224: {  	v4 =	vld [tilespmem:s19+$0x12C30]  }
0x225: {  	[tilespmem:s19+$0xFBF0] =	vst.add.f32.msk $0xffff, v0  }
0x226: {  	v5 =	vld [tilespmem:s19+$0x12C40]  }
0x227: {  	v6 =	vld [tilespmem:s19+$0x12C50]  }
0x228: {  	v7 =	vld [tilespmem:s19+$0x12C60]  }
0x229: {  	v8 =	vld [tilespmem:s19+$0x12C70]  }
0x22a: {  	v9 =	vld [tilespmem:s19+$0x12C80]  }
0x22b: {  	v10 =	vld [tilespmem:s19+$0x12C90]  }
0x22c: {  	v11 =	vld [tilespmem:s19+$0x12CA0]  }
0x22d: {  	v12 =	vld [tilespmem:s19+$0x12CB0]  }
0x22e: {  	v13 =	vld [tilespmem:s19+$0x12CC0]  }
0x22f: {  	v14 =	vld [tilespmem:s19+$0x12CD0]  }
0x230: {  	v15 =	vld [tilespmem:s19+$0x12CE0]  }
0x231: {  	v16 =	vld [tilespmem:s19+$0x12CF0]  }
0x232: {  	v17 =	vld [tilespmem:s19+$0x12D00]  }
0x233: {  	v18 =	vld [tilespmem:s19+$0x12D10]  }
0x234: {  	v19 =	vld [tilespmem:s19+$0x12D20]  }
0x235: {  	v20 =	vld [tilespmem:s19+$0x12D30]  }
0x236: {  	v21 =	vld [tilespmem:s19+$0x12D40]  }
0x237: {  	v22 =	vld [tilespmem:s19+$0x12D50]  }
0x238: {  	v23 =	vld [tilespmem:s19+$0x12D60]  }
0x239: {  	v24 =	vld [tilespmem:s19+$0x12D70]  }
0x23a: {  	v25 =	vld [tilespmem:s19+$0x12D80]  }
0x23b: {  	v26 =	vld [tilespmem:s19+$0x12D90]  }
0x23c: {  	v27 =	vld [tilespmem:s19+$0x12DA0]  }
0x23d: {  	v28 =	vld [tilespmem:s19+$0x12DB0]  }
0x23e: {  	v29 =	vld [tilespmem:s19+$0x12DC0]  }
0x23f: {  	v30 =	vld [tilespmem:s19+$0x12DD0]  }
0x240: {  	v0 =	vld [tilespmem:s19+$0x12DE0]  }
0x241: {  	[tilespmem:s19+$0xFA00] =	vst.add.f32.msk $0xffff, v1  }
0x242: {  	[tilespmem:s19+$0xFA10] =	vst.add.f32.msk $0xffff, v2  }
0x243: {  	[tilespmem:s19+$0xFA20] =	vst.add.f32.msk $0xffff, v3  }
0x244: {  	[tilespmem:s19+$0xFA30] =	vst.add.f32.msk $0xffff, v4  }
0x245: {  	[tilespmem:s19+$0xFA40] =	vst.add.f32.msk $0xffff, v5  }
0x246: {  	[tilespmem:s19+$0xFA50] =	vst.add.f32.msk $0xffff, v6  }
0x247: {  	[tilespmem:s19+$0xFA60] =	vst.add.f32.msk $0xffff, v7  }
0x248: {  	[tilespmem:s19+$0xFA70] =	vst.add.f32.msk $0xffff, v8  }
0x249: {  	[tilespmem:s19+$0xFA80] =	vst.add.f32.msk $0xffff, v9  }
0x24a: {  	[tilespmem:s19+$0xFA90] =	vst.add.f32.msk $0xffff, v10  }
0x24b: {  	[tilespmem:s19+$0xFAA0] =	vst.add.f32.msk $0xffff, v11  }
0x24c: {  	[tilespmem:s19+$0xFAB0] =	vst.add.f32.msk $0xffff, v12  }
0x24d: {  	[tilespmem:s19+$0xFAC0] =	vst.add.f32.msk $0xffff, v13  }
0x24e: {  	[tilespmem:s19+$0xFAD0] =	vst.add.f32.msk $0xffff, v14  }
0x24f: {  	[tilespmem:s19+$0xFAE0] =	vst.add.f32.msk $0xffff, v15  }
0x250: {  	[tilespmem:s19+$0xFAF0] =	vst.add.f32.msk $0xffff, v16  }
0x251: {  	[tilespmem:s19+$0xFB00] =	vst.add.f32.msk $0xffff, v17  }
0x252: {  	[tilespmem:s19+$0xFB10] =	vst.add.f32.msk $0xffff, v18  }
0x253: {  	[tilespmem:s19+$0xFB20] =	vst.add.f32.msk $0xffff, v19  }
0x254: {  	[tilespmem:s19+$0xFB30] =	vst.add.f32.msk $0xffff, v20  }
0x255: {  	[tilespmem:s19+$0xFB40] =	vst.add.f32.msk $0xffff, v21  }
0x256: {  	[tilespmem:s19+$0xFB50] =	vst.add.f32.msk $0xffff, v22  }
0x257: {  	[tilespmem:s19+$0xFB60] =	vst.add.f32.msk $0xffff, v23  }
0x258: {  	[tilespmem:s19+$0xFB70] =	vst.add.f32.msk $0xffff, v24  }
0x259: {  	[tilespmem:s19+$0xFB80] =	vst.add.f32.msk $0xffff, v25  }
.Ltmp5:
0x25a: {  	[tilespmem:s19+$0xFB90] =	vst.add.f32.msk $0xffff, v26;
	(pc) =	sbr.rel @p1 .LBB2_9-.Ltmp5, $4  }
0x25b: {  	[tilespmem:s19+$0xFBA0] =	vst.add.f32.msk $0xffff, v27  }
0x25c: {  	[tilespmem:s19+$0xFBB0] =	vst.add.f32.msk $0xffff, v28  }
0x25d: {  	[tilespmem:s19+$0xFBC0] =	vst.add.f32.msk $0xffff, v29  }
0x25e: {  	s7 =	sadd.s32 $0x800, s7;
	[tilespmem:s19+$0xFBD0] =	vst.add.f32.msk $0xffff, v30  }
0x25f: {  	s5 =	sadd.s32 s2, s18  }
0x260: {  	s5 =	smul.u32 $0xC80, s5;
	_ =	sdelay $0x1  }
.Ltmp6:
0x261: {  	[tilespmem:s19+$0xFBE0] =	vst.add.f32.msk $0xffff, v0;
	s5 =	sadd.s32 s6, s5;
	(pc) =	sbr.rel @p0 .LBB2_12-.Ltmp6, $4  }
0x262: {  	[hbm4b:s5+s24] =	stream.strided.scatter [tilespmem:s26], [sflag:$0x8], $0x3200, s25, s24, $0x38;
	[tilespmem:$0x15E00] =	vst v63  }
0x263: {  	_ =	swait.ge [sflag:s9], $0x3200  }
0x264: {  	[sflag:s9] =	ssyncset.done $0x0  }
0x265: {  	[sflag:s9] =	ssyncadd.s32 $0xFFFFCE00  }
0x266: {  	s5 =	smul.u32 $0xC80, s17;
	_ =	sdelay $0x1  }
.Ltmp7:
0x267: {  	s5 =	sshra.s32 s5, $0x2;
	(pc) =	sbr.rel .LBB2_2-.Ltmp7, $4  }
0x268: {  	s7 =	sadd.s32 $0x4B0, s5  }
0x269: {  	[tilespmem:s20], [sflag:$0x3] =	stream.indirect.gather [hbm4b:s4+s11], $0x40, s7, s11, $0xb8;
	[tilespmem:$0x15E00] =	vst v63  }
0x26a: {  	s17 =	sadd.s32 $0x1, s17;
	s5 =	sadd.s32 $0x518, s5  }
0x26b: {  	[tilespmem:s22], [sflag:$0x3] =	stream.indirect.gather [hbm4b:s4+s13], $0x40, s5, s13, $0xb8;
	[tilespmem:$0x15E00] =	vst v63  }
.LBB2_13:
0x26c: {  	_ =	sfence.sel $0x180000  }
0x26d: {  	[bflag:$0x0] =	sbarrier.arrive $0xFFFF  }
0x26e: {  	_ =	strace $0x90000047  }
0x26f: {  	s0 =	stileid.u32;
	[bflag:$0x2] =	sbarrier.arrive $0xFFFF  }
0x270: {  	p0 =	sne.s32 s0, $0x0;
	s0 =	rddreg [dreg:$0x1]  }
0x271: {  	s0 =	sadd.s32 @!p0 $0x100000, s0  }
0x272: {  	[sflag:s0] =	ssyncadd.tile.s32 @!p0 $0x1;
	_ =	shalt  }
.Lfunc_end2:
_tile_overlayer_lowered:
.L_overlay_start_2:
0x273: {  	(tag) =	ssettag $0x2  }
0x274: {  	s0 =	rddreg [dreg:$0x0];
	s2 =	stileid.u32  }
0x275: {  	s1 =	rddreg [dreg:$0x1];
	p0 =	sne.s32 s2, $0x0  }
0x276: {  	s3 =	rddreg [dreg:$0x2];
	[bflag:$0x3] =	sbarrier.arrive $0xFFFF;
	s2 =	simm.s32 @!p0 $0x1C09  }
0x277: {  	[timem:s3], [sflag:s2] =	dma.local @!p0 [hbm:s0], s1  }
0x278: {  	s0 =	simm.s32 @!p0 $0x9  }
0x279: {  	_ =	swait.ge @!p0 [sflag:s0], s1  }
0x27a: {  	s1 =	ssub.s32 @!p0 $0x0, s1;
	[sflag:s0] =	ssyncset.done @!p0 $0x0  }
0x27b: {  	[sflag:s0] =	ssyncadd.s32 @!p0 s1  }
0x27c: {  	[bflag:$0x3] =	sbarrier.arrive $0xFFFF  }
0x27d: {  	_ =	shalt  }

// kernel: sparse-core-data-format-call.cloned.1.call-start
scs
called_computation_lowered:
.L_overlay_start_0:
0x0: {  	s2 =	sld [smem:$0x3FD9]  }
0x1: {  	s3 =	sld [smem:$0x3FFE];
	_ =	sdelay $0x1  }
0x2: {  	s1 =	srdreg.scid  }
0x3: {  	s0 =	sand.u32 $0x1, s1  }
0x4: {  	s18 =	sshll.u32 s0, $0xA;
	s2 =	sadd.s32 s3, s2  }
0x5: {  	s2 =	sadd.s32 s2, s18  }
0x6: {  	[smem:$0x3FC5] =	sst s2  }
0x7: {  	_ = 	snop  }
0x8: {  	s2 =	sld [smem:$0x3FD0];
	(tm) =	ssettm $0x1  }
0x9: {  	s19 =	sld [smem:$0x3FFB];
	_ =	sdelay $0x3  }
0xa: {  	_ =	strace s19  }
0xb: {  	s3 =	sld [smem:$0x3FFC];
	_ =	sdelay $0x3  }
0xc: {  	_ =	strace s3  }
0xd: {  	s3 =	sld [smem:$0x3FFD];
	_ =	sdelay $0x3  }
0xe: {  	_ =	strace s3  }
0xf: {  	_ =	strace $0x8FFFFFFF  }
0x10: {  	s20 =	sld [smem:$0x3FDB];
	_ =	sdelay $0x1  }
0x11: {  	s4 =	simm.s32 $_scs_section_size  }
0x12: {  	s5 =	simm.s32 $_size__tile_overlayer_lowered;
	s6 =	simm.s32 $_tile_overlayer_lowered  }
0x13: {  	s23 =	simm.s32 $0x1BFF;
	s22 =	sshll.u32 s6, $0x1;
	s3 =	sadd.s32 s4, s20  }
0x14: {  	s7 =	simm.s32 $0x0;
	s21 =	sshll.u32 s5, $0x1;
	s5 =	sadd.s32 s22, s3  }
0x15: {  	[timem:s7], [sflag:s23] =	dma.local [hbm:s5], s21  }
0x16: {  	_ =	swait.ge [sflag:s23], s21  }
0x17: {  	s4 =	ssub.s32 $0x0, s21;
	[sflag:s23] =	ssyncset.done $0x0  }
0x18: {  	[sflag:s23] =	ssyncadd.s32 s4;
	_ =	sdelay $0x1  }
0x19: {  	s24 =	simm.s32 $0x1B8B  }
0x1a: {  	_ =	swait.ge [sflag:s24], $0x1  }
0x1b: {  	[sflag:s24] =	ssyncset.done $0x0  }
0x1c: {  	s26 =	simm.s32 $0x1B8E;
	s25 =	sld [smem:$0x3FFE];
	[sflag:s24] =	ssyncadd.s32 $0xFFFFFFFF  }
0x1d: {  	s27 =	simm.s32 $execute0_lowered;
	[smem:$0x3FD2] =	sst s26  }
0x1e: {  	s5 =	sshll.u32 s27, $0x1;
	_ =	strace $0x80000049;
	[dreg:$0x1] =	wrdreg $0xFFFFFFFF  }
0x1f: {  	s28 =	simm.s32 $_size_execute0_lowered;
	s3 =	sadd.s32 s3, s5;
	[dreg:$0x0] =	wrdreg $0x0  }
0x20: {  	s5 =	sshll.u32 s28, $0x1;
	[dreg:$0x2] =	wrdreg s3  }
0x21: {  	[dreg:$0x3] =	wrdreg s5  }
0x22: {  	[dreg:$0x4] =	wrdreg $0xC0  }
0x23: {  	_ =	task [dreg:s7], $0x5FFFF  }
0x24: {  	[dreg:$0x1] =	wrdreg $0xFFFFFFFF  }
0x25: {  	[dreg:$0x0] =	wrdreg $0x60  }
0x26: {  	[dreg:$0x2] =	wrdreg s25  }
0x27: {  	[dreg:$0x3] =	wrdreg s2  }
0x28: {  	[dreg:$0x4] =	wrdreg $0x9  }
0x29: {  	_ =	task.clear_ibuf [dreg:s7], $0x5FFFF;
	_ =	strace $0x90000049  }
0x2a: {  	s29 =	simm.s32 $0x9;
	_ =	strace $0x8000004B  }
0x2b: {  	_ =	swait.ge [sflag:s29], $0x1  }
0x2c: {  	[sflag:s29] =	ssyncadd.s32 $0xFFFFFFFF  }
0x2d: {  	_ =	strace $0x9000004B  }
0x2e: {  	_ =	sfence  }
0x2f: {  	s30 =	sld [smem:$0x0];
	_ =	sdelay $0x2  }
0x30: {  	s31 =	sshll.u32 s1, $0xD;
	s1 =	sshrl.u32 s1, $0x2  }
0x31: {  	s3 =	sand.u32 $0x4000, s31;
	s1 =	sadd.s32 s1, s30  }
0x32: {  	s0 =	sor.u32 s3, s0;
	s1 =	sshll.u32 s1, $0x11  }
0x33: {  	s0 =	sor.u32 s1, s0  }
0x34: {  	s0 =	sadd.s32 $0x8F2B, s0  }
0x35: {  	[sflag:s0] =	ssyncadd.remote.s32 $0x1  }
0x36: {  	_ =	sfence.sel $0xFFFF  }
0x37: {  	[dreg:$0x0] =	wrdreg $0xFFFFFFFF;
	(pc) =	sbr.abs _section_cstart, $3  }
0x38: {  	[dreg:$0x1] =	wrdreg $0xFFFFFFFF  }
0x39: {  	_ =	task.clear_ibuf [dreg:s7], $0x2FFFF;
	_ =	strace $0x9FFFFFFF  }
0x3a: {  	(tm) =	ssettm $0x7FFFFFFF  }
0x3b: {  	_ =	shalt  }
tec
execute0_lowered:
.L_overlay_start_1:
0x0: {  	(tag) =	ssettag $0x1  }
0x1: {  	s0 =	srdreg.scid  }
0x2: {  	s1 =	sshll.u32 s0, $0x4  }
0x3: {  	s0 =	stileid.u32;
	s1 =	sand.u32 $0x10, s1  }
0x4: {  	s1 =	sor.u32 s0, s1  }
0x5: {  	s6 =	rddreg [dreg:$0x0];
	s4 =	simm.s32 $0x1;
	s2 =	sshll.u32 s1, $0x7  }
0x6: {  	s7 =	simm.s32 $0x2;
	s12 =	simm.s32 $0x0;
	s1 =	ssub.s32 $0x1000, s2  }
0x7: {  	s8 =	simm.s32 $0x8000;
	s13 =	simm.s32 $0x0;
	s3 =	sand.u32 $0xF80, s1  }
0x8: {  	s9 =	simm.s32 $0x0;
	s5 =	sshrl.u32 s1, $0xC;
	p0 =	sne.s32 s3, $0x0  }
.Ltmp0:
0x9: {  	s1 =	rddreg [dreg:$0x2];
	s4 =	simm.s32 @!p0 $0x0;
	(pc) =	sbr.rel .LBB1_1-.Ltmp0, $4  }
0xa: {  	s11 =	simm.s32 $0x0;
	s3 =	rddreg [dreg:$0x1];
	s5 =	sadd.s32 s4, s5  }
0xb: {  	_ =	strace $0x8000004A;
	s4 =	simm.s32 $0x1;
	s5 =	smul.u32 $0xC8, s5  }
0xc: {  	s6 =	sadd.s32 $0xDD600, s6;
	s10 =	smov.u32 s2;
	[sflag:s4] =	ssyncpa.u1 $0x0  }
0xd: {  	p0 =	por $0x0, $0x0;
	[sflag:s7] =	ssyncpa.u1 $0x0;
	s7 =	sor.u32 $0x1, s5  }
.LBB1_4:
0xe: {  	s16 =	sshll.u32 s13, $0x3;
	s17 =	sand.u32 $0x78, s13  }
0xf: {  	s30 =	sand.u32 $0x7E00, s13;
	s12 =	sshll.u32 s12, $0xF;
	s16 =	sand.u32 $0xC00, s16  }
0x10: {  	[tilespmem:s15+$0x810 ss:$0x81] =	vst.msk $0xffff, v2;
	s31 =	sand.u32 $0x7, s13;
	s16 =	sor.u32 s17, s16;
	s17 =	sadd.s32 s3, s30  }
0x11: {  	[tilespmem:s15+$0x1020 ss:$0x81] =	vst.msk $0xffff, v0;
	s13 =	sshll.u32 s31, $0x12;
	s12 =	sadd.s32 s12, s17;
	s16 =	sshrl.u32 s16, $0x3  }
0x12: {  	[tilespmem:s15+$0x0 ss:$0x81] =	vst.msk $0xffff, v1;
	s13 =	sor.u32 $0x400, s13;
	s12 =	sadd.s32 s16, s12  }
0x13: {  	[hbm4b:s12+s13] =	stream.strided.scatter [tilespmem:s14], [sflag:$0x2], $0x2000, s8, s13, $0x20;
	[tilespmem:$0x8080] =	vst v63  }
.LBB1_5:
0x14: {  	s14 =	sadd.s32 $0x1, s9  }
0x15: {  	s12 =	sadd.s32 $0x1000, s10;
	s16 =	smov.u32 s10;
	p2 =	sgt.s32 s14, $0xC7  }
0x16: {  	s16 =	smov.u32 @p2 s12  }
0x17: {  	s14 =	simm.s32 @p2 $0x0;
	p2 =	sgt.s32 s16, $0xFFF  }
0x18: {  	s16 =	smov.u32 @p2 s2;
	p2 =	sne.s32 s11, s7  }
.Ltmp1:
0x19: {  	p1 =	slt.u32 s11, $0x2;
	(pc) =	sbr.rel @!p2 .LBB1_6-.Ltmp1, $4  }
0x1a: {  	s15 =	simm.s32 @!p1 $0x2  }
0x1b: {  	s13 =	smov.u32 s10;
	p0 =	por !p0, !p0;
	_ =	swait.ge @!p1 [sflag:s15], $0x2000  }
0x1c: {  	s12 =	smov.u32 s9;
	[sflag:s15] =	ssyncset.done @!p1 $0x0;
	s9 =	smov.u32 s14  }
0x1d: {  	s11 =	sadd.s32 $0x1, s11;
	[sflag:s15] =	ssyncadd.s32 @!p1 $0xFFFFE000;
	s10 =	smov.u32 s16  }
.LBB1_1:
0x1e: {  	p1 =	sge.u32 s11, s5  }
0x1f: {  	s14 =	sand.u32 @!p1 $0x1FFFFFF, s9  }
0x20: {  	s15 =	smulhi.u32 @!p1 $0x147AE15, s14;
	_ =	sdelay $0x1  }
0x21: {  	s15 =	smul.u32 @!p1 $0xC8, s15  }
0x22: {  	s16 =	sxor.u32 @!p1 $0xFFFFFFFF, s11;
	s17 =	smul.u32 @!p1 $0xC80, s10  }
0x23: {  	s31 =	sadd.s32 $0xFFFFFFFF, s11;
	s16 =	sshll.u32 @!p1 s16, $0xD;
	s14 =	ssub.s32 @!p1 s14, s15  }
0x24: {  	s15 =	sand.u32 @!p1 $0x2000, s16;
	s16 =	sadd.s32 @!p1 s6, s17;
	s14 =	sshll.u32 @!p1 s14, $0x4  }
0x25: {  	s17 =	simm.s32 @!p1 $0x6400;
	s14 =	sadd.s32 @!p1 s14, s16;
	s16 =	simm.s32 @!p1 $0x40  }
0x26: {  	[tilespmem:s15], [sflag:$0x1] =	stream.strided.gather @!p1 [hbm4b:s14+s16], $0x2000, s17, s16, $0x38;
	[tilespmem:$0x8080] =	vst v63  }
0x27: {  	p1 =	sge.u32 s31, s5  }
.Ltmp2:
0x28: {  	_ = 	snop;
	(pc) =	sbr.rel @p1 .LBB1_5-.Ltmp2, $1  }
0x29: {  	_ =	sdelay $0x3  }
0x2a: {  	s14 =	simm.s32 $0x1  }
0x2b: {  	_ =	swait.ge [sflag:s4], $0x2000;
	s14 =	simm.s32 @!p0 $0x0  }
0x2c: {  	[sflag:s4] =	ssyncset.done $0x0;
	s15 =	sshll.u32 s14, $0xD  }
0x2d: {  	[sflag:s4] =	ssyncadd.s32 $0xFFFFE000;
	s18 =	sor.u32 $0x20, s15  }
0x2e: {  	s14 =	smul.u32 $0x8100, s14;
	v3 =	vld [tilespmem:s18+$0x10]  }
0x2f: {  	s30 =	sand.u32 $0x1, s11;
	v2 =	vld [tilespmem:s18+$0xFFFFFFF0]  }
0x30: {  	s15 =	smul.u32 $0x8100, s30;
	s14 =	sshrl.u32 s14, $0x2;
	v0 =	vld [tilespmem:s18+$0x0]  }
0x31: {  	v1 =	vld [tilespmem:s18+$0xFFFFFFE0];
	s16 =	sor.u32 $0x4000, s14  }
0x32: {  	s31 =	sshrl.u32 s15, $0x2;
	s15 =	sadd.s32 $0x0, s16  }
0x33: {  	s17 =	simm.s32 $0x4;
	s18 =	sadd.s32 $0x40, s18;
	s14 =	sor.u32 $0x4000, s31;
	[tilespmem:s15+$0x1830 ss:$0x81] =	vst.msk $0xffff, v3  }
.LBB1_3:
0x34: {  	v3 =	vld [tilespmem:s18+$0x10];
	p1 =	sne.s32 s17, $0x1FC;
	[tilespmem:s15+$0x810 ss:$0x81] =	vst.msk $0xffff, v2;
	s19 =	smov.u32 s17;
	s17 =	sadd.s32 $0x4, s17  }
.Ltmp3:
0x35: {  	v2 =	vld [tilespmem:s18+$0xFFFFFFF0];
	[tilespmem:s15+$0x1020 ss:$0x81] =	vst.msk $0xffff, v0;
	(pc) =	sbr.rel @p1 .LBB1_3-.Ltmp3, $4  }
0x36: {  	v0 =	vld [tilespmem:s18+$0x0];
	[tilespmem:s15+$0x0 ss:$0x81] =	vst.msk $0xffff, v1  }
0x37: {  	s15 =	sshra.s32 s19, $0x2;
	v1 =	vld [tilespmem:s18+$0xFFFFFFE0]  }
0x38: {  	s15 =	sadd.s32 s15, s16  }
0x39: {  	s18 =	sadd.s32 $0x40, s18;
	[tilespmem:s15+$0x1830 ss:$0x81] =	vst.msk $0xffff, v3  }
.Ltmp4:
0x3a: {  	_ = 	snop;
	(pc) =	sbr.rel .LBB1_4-.Ltmp4, $1  }
0x3b: {  	_ =	sdelay $0x3  }
.LBB1_6:
0x3c: {  	_ =	sfence.sel $0x180000  }
0x3d: {  	s2 =	simm.s32 $0x1;
	[bflag:$0x0] =	sbarrier.arrive $0xFFFF  }
0x3e: {  	s31 =	simm.s32 $0x2;
	[sflag:s2] =	ssyncpa.u1 $0x1  }
0x3f: {  	[sflag:s31] =	ssyncpa.u1 $0x1  }
0x40: {  	p0 =	sne.s32 s0, $0x0;
	_ =	strace $0x9000004A  }
0x41: {  	s0 =	sadd.s32 @!p0 $0x100000, s1;
	[bflag:$0x2] =	sbarrier.arrive $0xFFFF  }
0x42: {  	[sflag:s0] =	ssyncadd.tile.s32 @!p0 $0x1;
	_ =	shalt  }
.Lfunc_end1:
_tile_overlayer_lowered:
.L_overlay_start_2:
0x43: {  	(tag) =	ssettag $0x2  }
0x44: {  	s0 =	rddreg [dreg:$0x0];
	s2 =	stileid.u32  }
0x45: {  	s1 =	rddreg [dreg:$0x1];
	p0 =	sne.s32 s2, $0x0  }
0x46: {  	s3 =	rddreg [dreg:$0x2];
	[bflag:$0x3] =	sbarrier.arrive $0xFFFF;
	s2 =	simm.s32 @!p0 $0x1C01  }
0x47: {  	[timem:s3], [sflag:s2] =	dma.local @!p0 [hbm:s0], s1  }
0x48: {  	s0 =	simm.s32 @!p0 $0x1  }
0x49: {  	_ =	swait.ge @!p0 [sflag:s0], s1  }
0x4a: {  	s1 =	ssub.s32 @!p0 $0x0, s1;
	[sflag:s0] =	ssyncset.done @!p0 $0x0  }
0x4b: {  	[sflag:s0] =	ssyncadd.s32 @!p0 s1  }
0x4c: {  	[bflag:$0x3] =	sbarrier.arrive $0xFFFF  }
0x4d: {  	_ =	shalt  }

</sc_bundles>
